<compile_context>
chip_gen: v7x
topology: tpu7x:2x2x1
jax: 0.10.2.dev20260603
libtpu: 0.0.44.dev20260713+nightly
codegen_flags: <defaults>
</compile_context>

<pallas_src>
import functools

import jax
import jax.numpy as jnp
from jax import lax
from jax.experimental import pallas as pl
from jax.experimental.pallas import tpu as pltpu
from jax.experimental.pallas import tpu_sc as plsc

N_SC = 2
N_TILE = 16
N_WORKER = N_SC * N_TILE
BLK_E = 128
BR = 2000

_MESH = dict(core_axis_name="c", subcore_axis_name="s",
             num_cores=N_SC, num_subcores=N_TILE)


def _wid(cid, sid):
    return sid * N_SC + cid


def _npad(n_nodes):
    return N_TILE * 128 * ((n_nodes + N_TILE * 128 - 1) // (N_TILE * 128))


@functools.lru_cache(maxsize=None)
def _make_deg(n_nodes, nb):
    npad = _npad(n_nodes)
    per_tile = npad // N_TILE

    def body(dst_ref, out_ref, dstv, onesv, zb, sdeg, sems):
        cid = lax.axis_index("c")
        sid = lax.axis_index("s")
        pltpu.async_copy(dst_ref.at[_wid(cid, sid)], dstv, sems)
        for i in range(per_tile // 16):
            zb[pl.ds(i * 16, 16)] = jnp.zeros((16,), jnp.float32)
        for i in range(BLK_E // 16):
            onesv[pl.ds(i * 16, 16)] = jnp.ones((16,), jnp.float32)
        pltpu.sync_copy(zb, sdeg.at[pl.ds(sid * per_tile, per_tile)])
        pltpu.make_async_copy(dst_ref.at[_wid(cid, sid)], dstv, sems).wait()
        plsc.subcore_barrier()

        def step(j, carry):
            pltpu.async_copy(onesv, sdeg.at[dstv.at[j]], sems, add=True)
            return carry

        lax.fori_loop(0, nb, step, 0)

        def wdrain(j, carry):
            pltpu.make_async_copy(onesv, sdeg.at[dstv.at[j]], sems).wait()
            return carry

        lax.fori_loop(0, nb, wdrain, 0)
        plsc.subcore_barrier()
        pltpu.sync_copy(sdeg.at[pl.ds(sid * per_tile, per_tile)],
                        out_ref.at[cid, pl.ds(sid * per_tile, per_tile)])

    return pl.kernel(
        body,
        out_type=jax.ShapeDtypeStruct((N_SC, npad), jnp.float32),
        mesh=plsc.VectorSubcoreMesh(**_MESH),
        scratch_types=[
            pltpu.VMEM((nb, BLK_E), jnp.int32),
            pltpu.VMEM((BLK_E,), jnp.float32),
            pltpu.VMEM((per_tile,), jnp.float32),
            pltpu.VMEM_SHARED((npad,), jnp.float32),
            pltpu.SemaphoreType.DMA,
        ],
    )


@functools.lru_cache(maxsize=None)
def _make_flow(n_nodes, d, nb):
    npad = _npad(n_nodes)
    rpt = npad // N_TILE
    assert rpt % BLK_E == 0 and nb % 2 == 1 and nb >= 3

    def body(src_ref, dst_ref, g_ref, out_ref,
             srcv, dsty, rows0, rows1, sacc, sem0, sem1, semd0, semd1, sems):
        cid = lax.axis_index("c")
        sid = lax.axis_index("s")
        w = _wid(cid, sid)
        pltpu.async_copy(src_ref.at[w], srcv, semd0)

        def zrow(r, carry):
            for c in range(d // 16):
                rows0[r, pl.ds(c * 16, 16)] = jnp.zeros((16,), jnp.float32)
            return carry

        lax.fori_loop(0, BLK_E, zrow, 0)
        for t in range(rpt // BLK_E):
            pltpu.async_copy(rows0,
                             sacc.at[pl.ds(sid * rpt + t * BLK_E, BLK_E)], sem0)
        for t in range(rpt // BLK_E):
            pltpu.make_async_copy(
                rows0, sacc.at[pl.ds(sid * rpt + t * BLK_E, BLK_E)],
                sem0).wait()
        pltpu.make_async_copy(src_ref.at[w], srcv, semd0).wait()

        def issue(j, rows, slot, semg, semd):
            pltpu.async_copy(g_ref.at[srcv.at[pl.ds(j * BLK_E, BLK_E)]],
                             rows, semg)
            pltpu.async_copy(dst_ref.at[w, j], dsty.at[slot], semd)

        def drain(j, rows, slot, semg, semd):
            pltpu.make_async_copy(
                g_ref.at[srcv.at[pl.ds(j * BLK_E, BLK_E)]], rows, semg).wait()
            pltpu.make_async_copy(dst_ref.at[w, j], dsty.at[slot], semd).wait()
            pltpu.sync_copy(rows, sacc.at[dsty.at[slot, 0]], add=True)

        issue(0, rows0, 0, sem0, semd0)
        issue(1, rows1, 1, sem1, semd1)
        plsc.subcore_barrier()

        def pair(p, carry):
            j0 = 2 * p
            drain(j0, rows0, 0, sem0, semd0)
            issue(j0 + 2, rows0, 0, sem0, semd0)
            drain(j0 + 1, rows1, 1, sem1, semd1)
            issue(j0 + 3, rows1, 1, sem1, semd1)
            return carry

        lax.fori_loop(0, (nb - 3) // 2, pair, 0)
        j = nb - 3
        drain(j, rows0, 0, sem0, semd0)
        issue(j + 2, rows0, 0, sem0, semd0)
        drain(j + 1, rows1, 1, sem1, semd1)
        drain(j + 2, rows0, 0, sem0, semd0)
        plsc.subcore_barrier()
        pltpu.sync_copy(sacc.at[pl.ds(sid * rpt, rpt)],
                        out_ref.at[cid, pl.ds(sid * rpt, rpt)])

    return pl.kernel(
        body,
        out_type=jax.ShapeDtypeStruct((N_SC, npad, d), jnp.float32),
        mesh=plsc.VectorSubcoreMesh(**_MESH),
        scratch_types=[
            pltpu.VMEM((nb * BLK_E,), jnp.int32),
            pltpu.VMEM((2, 1, BLK_E), jnp.int32),
            pltpu.VMEM((BLK_E, d), jnp.float32),
            pltpu.VMEM((BLK_E, d), jnp.float32),
            pltpu.VMEM_SHARED((npad, d), jnp.float32),
            pltpu.SemaphoreType.DMA,
            pltpu.SemaphoreType.DMA,
            pltpu.SemaphoreType.DMA,
            pltpu.SemaphoreType.DMA,
            pltpu.SemaphoreType.DMA,
        ],
    )


def _dinv_col(deg_ref):
    return lax.rsqrt(deg_ref[0] + deg_ref[1] + 1.0)


def _tc1_body(x_ref, w_ref, deg_ref, out_ref):
    out_ref[...] = jnp.dot(x_ref[...], w_ref[...],
                           preferred_element_type=jnp.float32) * _dinv_col(deg_ref)


def _tc2_body(p_ref, g_ref, deg_ref, w_ref, b_ref, out_ref):
    dinv = _dinv_col(deg_ref)
    z = jnp.maximum((p_ref[0] + p_ref[1] + g_ref[...]) * dinv + b_ref[...],
                    0.0)
    out_ref[...] = jnp.dot(z, w_ref[...],
                           preferred_element_type=jnp.float32) * dinv


def _tc3_body(p_ref, g_ref, deg_ref, b_ref, wfc_ref, bfc_ref, out_ref):
    z = jnp.maximum((p_ref[0] + p_ref[1] + g_ref[...]) * _dinv_col(deg_ref)
                    + b_ref[...], 0.0)
    out_ref[...] = jnp.dot(z, wfc_ref[...],
                           preferred_element_type=jnp.float32) + bfc_ref[...]


def kernel(x, edge_index, W1, b1, W2, b2, Wfc, bfc):
    n, d_in = x.shape
    d_hid = W1.shape[1]
    d_out = Wfc.shape[1]
    npad = _npad(n)
    ei = edge_index.astype(jnp.int32)
    ne = ei.shape[1]
    eb = ne // 10

    def _split_body(ei_ref, s_ref, d_ref):
        s_ref[...] = ei_ref[0]
        d_ref[...] = ei_ref[1]

    src_f, dst_f = pl.pallas_call(
        _split_body,
        out_shape=(jax.ShapeDtypeStruct((ne,), jnp.int32),
                   jax.ShapeDtypeStruct((ne,), jnp.int32)),
    )(ei)
    src = src_f.reshape(N_WORKER, -1)
    dst = dst_f.reshape(N_WORKER, -1)
    epw = src.shape[1]
    pad = (-epw) % BLK_E
    if pad:
        wcol = jnp.arange(N_WORKER, dtype=jnp.int32)[:, None]
        pcol = jnp.arange(pad, dtype=jnp.int32)[None, :]
        psrc = (wcol * 313 + pcol * 89) % n
        pdst = n + (wcol * 8 + pcol) % (npad - n)
        src = jnp.concatenate([src, psrc], axis=1)
        dst = jnp.concatenate([dst, pdst], axis=1)
    dst3 = dst.reshape(N_WORKER, -1, BLK_E)
    nb = dst3.shape[1]
    dst4 = dst.reshape(N_WORKER, nb, 1, BLK_E)

    degp = _make_deg(n, nb)(dst3)
    degT = degp.reshape(N_SC, -1, 1)
    flow = _make_flow(n, d_hid, nb)

    grid = (n // BR,)
    wspec = pl.BlockSpec((d_hid, d_hid), lambda i: (0, 0))
    dspec = pl.BlockSpec((N_SC, BR, 1), lambda i: (0, i, 0))
    rspec = pl.BlockSpec((BR, d_hid), lambda i: (i, 0))
    pspec = pl.BlockSpec((N_SC, BR, d_hid), lambda i: (0, i, 0))
    bspec = pl.BlockSpec((1, d_hid), lambda i: (0, 0))

    g1 = pl.pallas_call(
        _tc1_body,
        grid=grid,
        in_specs=[pl.BlockSpec((BR, d_in), lambda i: (i, 0)),
                  pl.BlockSpec((d_in, d_hid), lambda i: (0, 0)), dspec],
        out_specs=rspec,
        out_shape=jax.ShapeDtypeStruct((n, d_hid), jnp.float32),
    )(x, W1, degT)

    p1 = flow(src, dst4, g1)

    g2 = pl.pallas_call(
        _tc2_body,
        grid=grid,
        in_specs=[pspec, rspec, dspec, wspec, bspec],
        out_specs=rspec,
        out_shape=jax.ShapeDtypeStruct((n, d_hid), jnp.float32),
    )(p1, g1, degT, W2, b1.reshape(1, -1))

    p2 = flow(src, dst4, g2)

    out = pl.pallas_call(
        _tc3_body,
        grid=grid,
        in_specs=[pspec, rspec, dspec, bspec,
                  pl.BlockSpec((d_hid, d_out), lambda i: (0, 0)),
                  pl.BlockSpec((1, d_out), lambda i: (0, 0))],
        out_specs=pl.BlockSpec((BR, d_out), lambda i: (i, 0)),
        out_shape=jax.ShapeDtypeStruct((n, d_out), jnp.float32),
    )(p2, g2, degT, b2.reshape(1, -1), Wfc, bfc.reshape(1, -1))

    return out

# --- scband reference (transcript-rebuilt; emitter-appended) ---
"""Pipeline reference for scband-station-flow-gnn-24532853195354 (READ-ONLY COPY).

The authoritative reference and input builder live on the scoring server;
editing this copy changes nothing except your own understanding.
"""

import jax, jax.numpy as jnp
import numpy as np

N_NODES = 10000
D_IN = 128
D_HID = 128
D_OUT = 64
N_EDGES = 320000


def setup_inputs(seed: int = 0) -> dict:
    key = jax.random.key(seed)
    ks = jax.random.split(key, 10)
    x = jax.random.normal(ks[0], (N_NODES, D_IN), dtype=jnp.float32)
    edge_index = jax.random.randint(ks[1], (2, N_EDGES), 0, N_NODES, dtype=jnp.int64)
    s1 = 1.0 / np.sqrt(D_IN)
    s2 = 1.0 / np.sqrt(D_HID)
    W1 = jax.random.uniform(ks[2], (D_IN, D_HID), jnp.float32, -s1, s1)
    b1 = jax.random.uniform(ks[3], (D_HID,), jnp.float32, -s1, s1)
    W2 = jax.random.uniform(ks[4], (D_HID, D_HID), jnp.float32, -s2, s2)
    b2 = jax.random.uniform(ks[5], (D_HID,), jnp.float32, -s2, s2)
    Wfc = jax.random.uniform(ks[6], (D_HID, D_OUT), jnp.float32, -s2, s2)
    bfc = jax.random.uniform(ks[7], (D_OUT,), jnp.float32, -s2, s2)
    return {"x": x, "edge_index": edge_index, "W1": W1, "b1": b1, "W2": W2, "b2": b2, "Wfc": Wfc, "bfc": bfc}


def _gcn_conv(x, edge_index, W, b, num_nodes):
    # PyG GCNConv: x' = D^{-1/2} (A + I) D^{-1/2} X W + b
    h = x @ W
    loop = jnp.arange(num_nodes, dtype=edge_index.dtype)
    src = jnp.concatenate([edge_index[0], loop])
    dst = jnp.concatenate([edge_index[1], loop])
    deg = jnp.zeros((num_nodes,), dtype=h.dtype).at[dst].add(1.0)
    dinv = jnp.where(deg > 0, 1.0 / jnp.sqrt(deg), 0.0)
    norm = dinv[src] * dinv[dst]
    msg = h[src] * norm[:, None]
    out = jnp.zeros((num_nodes, h.shape[1]), dtype=h.dtype).at[dst].add(msg)
    return out + b


def reference(x, edge_index, W1, b1, W2, b2, Wfc, bfc):
    n = x.shape[0]
    h = jax.nn.relu(_gcn_conv(x, edge_index, W1, b1, n))
    h = jax.nn.relu(_gcn_conv(h, edge_index, W2, b2, n))
    return h @ Wfc + bfc

if __name__ == "__main__":
    import jax
    _d = setup_inputs()
    print(jax.jit(kernel)(*tuple(_d.values())))

</pallas_src>

<mosaic_0001>
#map = affine_map<(d0, d1) -> (0, 0, 0)>
#map1 = affine_map<(d0, d1) -> (0, 0)>
module attributes {stable_mosaic.version = 14 : i64} {
  func.func @body(%arg0: i32, %arg1: i32, %arg2: memref<32x79x128xi32, #tpu.memory_space<hbm>>, %arg3: memref<2x10240xf32, #tpu.memory_space<hbm>>, %arg4: memref<79x128xi32, #tpu.memory_space<vmem>>, %arg5: memref<128xf32, #tpu.memory_space<vmem>>, %arg6: memref<640xf32, #tpu.memory_space<vmem>>, %arg7: memref<10240xf32, #tpu.memory_space<vmem_shared>>, %arg8: memref<!tpu.dma_semaphore, #tpu.memory_space<semaphore_mem>>) attributes {dimension_semantics = [#tpu.dimension_semantics<core_parallel>, #tpu.dimension_semantics<subcore_parallel>], iteration_bounds = array<i64: 2, 16>, scalar_prefetch = 0 : i64, scratch_operands = 5 : i64, tpu.core_type = #tpu.core_type<sc_vector_subcore>, window_params = [{transform_indices = #map}, {transform_indices = #map1}]} {
    %mul3A = arith.constant 2 : i32
    %mul3A_0 = arith.muli %arg1, %mul3A : i32
    %add3A = arith.addi %mul3A_0, %arg0 : i32
    %dma_start3A = arith.constant 0 : i32
    %dma_start3A_1 = arith.constant 0 : i32
    %dma_start3A_2 = tpu.memref_slice %arg2[%add3A, %dma_start3A, %dma_start3A_1] : memref<32x79x128xi32, #tpu.memory_space<hbm>> -> memref<1x79x128xi32, #tpu.memory_space<hbm>>
    %dma_start3A_3 = tpu.memref_squeeze %dma_start3A_2 : memref<1x79x128xi32, #tpu.memory_space<hbm>> -> memref<79x128xi32, #tpu.memory_space<hbm>>
    %dma_start3A_4 = arith.constant 0 : i32
    %dma_start3A_5 = arith.constant 0 : i32
    %dma_start3A_6 = tpu.memref_slice %arg2[%add3A, %dma_start3A_4, %dma_start3A_5] : memref<32x79x128xi32, #tpu.memory_space<hbm>> -> memref<1x79x128xi32, #tpu.memory_space<hbm>>
    %dma_start3A_7 = tpu.memref_squeeze %dma_start3A_6 : memref<1x79x128xi32, #tpu.memory_space<hbm>> -> memref<79x128xi32, #tpu.memory_space<hbm>>
    tpu.enqueue_dma source(%dma_start3A_7 : memref<79x128xi32, #tpu.memory_space<hbm>>) target(%arg4 : memref<79x128xi32, #tpu.memory_space<vmem>>) target_semaphore(%arg8 : memref<!tpu.dma_semaphore, #tpu.memory_space<semaphore_mem>>)
    %broadcast_in_dim3A = arith.constant 0.000000e+00 : f32
    %broadcast_in_dim3A_8 = vector.broadcast %broadcast_in_dim3A : f32 to vector<16xf32>
    %swap3A = arith.constant 0 : index
    %swap3A_9 = tpu.vector_load %arg6[%swap3A] {strides = array<i32>} : memref<640xf32, #tpu.memory_space<vmem>>, vector<16xf32>,
    %swap3A_10 = vector.shape_cast %swap3A_9 : vector<16xf32> to vector<16xf32>
    %swap3A_11 = vector.shape_cast %broadcast_in_dim3A_8 : vector<16xf32> to vector<16xf32>
    tpu.vector_store %arg6[%swap3A], %swap3A_11 {strides = array<i32>} : memref<640xf32, #tpu.memory_space<vmem>>, vector<16xf32>,
    %broadcast_in_dim3A_12 = arith.constant 0.000000e+00 : f32
    %broadcast_in_dim3A_13 = vector.broadcast %broadcast_in_dim3A_12 : f32 to vector<16xf32>
    %swap3A_14 = arith.constant 16 : index
    %swap3A_15 = tpu.vector_load %arg6[%swap3A_14] {strides = array<i32>} : memref<640xf32, #tpu.memory_space<vmem>>, vector<16xf32>,
    %swap3A_16 = vector.shape_cast %swap3A_15 : vector<16xf32> to vector<16xf32>
    %swap3A_17 = vector.shape_cast %broadcast_in_dim3A_13 : vector<16xf32> to vector<16xf32>
    tpu.vector_store %arg6[%swap3A_14], %swap3A_17 {strides = array<i32>} : memref<640xf32, #tpu.memory_space<vmem>>, vector<16xf32>,
    %broadcast_in_dim3A_18 = arith.constant 0.000000e+00 : f32
    %broadcast_in_dim3A_19 = vector.broadcast %broadcast_in_dim3A_18 : f32 to vector<16xf32>
    %swap3A_20 = arith.constant 32 : index
    %swap3A_21 = tpu.vector_load %arg6[%swap3A_20] {strides = array<i32>} : memref<640xf32, #tpu.memory_space<vmem>>, vector<16xf32>,
    %swap3A_22 = vector.shape_cast %swap3A_21 : vector<16xf32> to vector<16xf32>
    %swap3A_23 = vector.shape_cast %broadcast_in_dim3A_19 : vector<16xf32> to vector<16xf32>
    tpu.vector_store %arg6[%swap3A_20], %swap3A_23 {strides = array<i32>} : memref<640xf32, #tpu.memory_space<vmem>>, vector<16xf32>,
    %broadcast_in_dim3A_24 = arith.constant 0.000000e+00 : f32
    %broadcast_in_dim3A_25 = vector.broadcast %broadcast_in_dim3A_24 : f32 to vector<16xf32>
    %swap3A_26 = arith.constant 48 : index
    %swap3A_27 = tpu.vector_load %arg6[%swap3A_26] {strides = array<i32>} : memref<640xf32, #tpu.memory_space<vmem>>, vector<16xf32>,
    %swap3A_28 = vector.shape_cast %swap3A_27 : vector<16xf32> to vector<16xf32>
    %swap3A_29 = vector.shape_cast %broadcast_in_dim3A_25 : vector<16xf32> to vector<16xf32>
    tpu.vector_store %arg6[%swap3A_26], %swap3A_29 {strides = array<i32>} : memref<640xf32, #tpu.memory_space<vmem>>, vector<16xf32>,
    %broadcast_in_dim3A_30 = arith.constant 0.000000e+00 : f32
    %broadcast_in_dim3A_31 = vector.broadcast %broadcast_in_dim3A_30 : f32 to vector<16xf32>
    %swap3A_32 = arith.constant 64 : index
    %swap3A_33 = tpu.vector_load %arg6[%swap3A_32] {strides = array<i32>} : memref<640xf32, #tpu.memory_space<vmem>>, vector<16xf32>,
    %swap3A_34 = vector.shape_cast %swap3A_33 : vector<16xf32> to vector<16xf32>
    %swap3A_35 = vector.shape_cast %broadcast_in_dim3A_31 : vector<16xf32> to vector<16xf32>
    tpu.vector_store %arg6[%swap3A_32], %swap3A_35 {strides = array<i32>} : memref<640xf32, #tpu.memory_space<vmem>>, vector<16xf32>,
    %broadcast_in_dim3A_36 = arith.constant 0.000000e+00 : f32
    %broadcast_in_dim3A_37 = vector.broadcast %broadcast_in_dim3A_36 : f32 to vector<16xf32>
    %swap3A_38 = arith.constant 80 : index
    %swap3A_39 = tpu.vector_load %arg6[%swap3A_38] {strides = array<i32>} : memref<640xf32, #tpu.memory_space<vmem>>, vector<16xf32>,
    %swap3A_40 = vector.shape_cast %swap3A_39 : vector<16xf32> to vector<16xf32>
    %swap3A_41 = vector.shape_cast %broadcast_in_dim3A_37 : vector<16xf32> to vector<16xf32>
    tpu.vector_store %arg6[%swap3A_38], %swap3A_41 {strides = array<i32>} : memref<640xf32, #tpu.memory_space<vmem>>, vector<16xf32>,
    %broadcast_in_dim3A_42 = arith.constant 0.000000e+00 : f32
    %broadcast_in_dim3A_43 = vector.broadcast %broadcast_in_dim3A_42 : f32 to vector<16xf32>
    %swap3A_44 = arith.constant 96 : index
    %swap3A_45 = tpu.vector_load %arg6[%swap3A_44] {strides = array<i32>} : memref<640xf32, #tpu.memory_space<vmem>>, vector<16xf32>,
    %swap3A_46 = vector.shape_cast %swap3A_45 : vector<16xf32> to vector<16xf32>
    %swap3A_47 = vector.shape_cast %broadcast_in_dim3A_43 : vector<16xf32> to vector<16xf32>
    tpu.vector_store %arg6[%swap3A_44], %swap3A_47 {strides = array<i32>} : memref<640xf32, #tpu.memory_space<vmem>>, vector<16xf32>,
    %broadcast_in_dim3A_48 = arith.constant 0.000000e+00 : f32
    %broadcast_in_dim3A_49 = vector.broadcast %broadcast_in_dim3A_48 : f32 to vector<16xf32>
    %swap3A_50 = arith.constant 112 : index
    %swap3A_51 = tpu.vector_load %arg6[%swap3A_50] {strides = array<i32>} : memref<640xf32, #tpu.memory_space<vmem>>, vector<16xf32>,
    %swap3A_52 = vector.shape_cast %swap3A_51 : vector<16xf32> to vector<16xf32>
    %swap3A_53 = vector.shape_cast %broadcast_in_dim3A_49 : vector<16xf32> to vector<16xf32>
    tpu.vector_store %arg6[%swap3A_50], %swap3A_53 {strides = array<i32>} : memref<640xf32, #tpu.memory_space<vmem>>, vector<16xf32>,
    %broadcast_in_dim3A_54 = arith.constant 0.000000e+00 : f32
    %broadcast_in_dim3A_55 = vector.broadcast %broadcast_in_dim3A_54 : f32 to vector<16xf32>
    %swap3A_56 = arith.constant 128 : index
    %swap3A_57 = tpu.vector_load %arg6[%swap3A_56] {strides = array<i32>} : memref<640xf32, #tpu.memory_space<vmem>>, vector<16xf32>,
    %swap3A_58 = vector.shape_cast %swap3A_57 : vector<16xf32> to vector<16xf32>
    %swap3A_59 = vector.shape_cast %broadcast_in_dim3A_55 : vector<16xf32> to vector<16xf32>
    tpu.vector_store %arg6[%swap3A_56], %swap3A_59 {strides = array<i32>} : memref<640xf32, #tpu.memory_space<vmem>>, vector<16xf32>,
    %broadcast_in_dim3A_60 = arith.constant 0.000000e+00 : f32
    %broadcast_in_dim3A_61 = vector.broadcast %broadcast_in_dim3A_60 : f32 to vector<16xf32>
    %swap3A_62 = arith.constant 144 : index
    %swap3A_63 = tpu.vector_load %arg6[%swap3A_62] {strides = array<i32>} : memref<640xf32, #tpu.memory_space<vmem>>, vector<16xf32>,
    %swap3A_64 = vector.shape_cast %swap3A_63 : vector<16xf32> to vector<16xf32>
    %swap3A_65 = vector.shape_cast %broadcast_in_dim3A_61 : vector<16xf32> to vector<16xf32>
    tpu.vector_store %arg6[%swap3A_62], %swap3A_65 {strides = array<i32>} : memref<640xf32, #tpu.memory_space<vmem>>, vector<16xf32>,
    %broadcast_in_dim3A_66 = arith.constant 0.000000e+00 : f32
    %broadcast_in_dim3A_67 = vector.broadcast %broadcast_in_dim3A_66 : f32 to vector<16xf32>
    %swap3A_68 = arith.constant 160 : index
    %swap3A_69 = tpu.vector_load %arg6[%swap3A_68] {strides = array<i32>} : memref<640xf32, #tpu.memory_space<vmem>>, vector<16xf32>,
    %swap3A_70 = vector.shape_cast %swap3A_69 : vector<16xf32> to vector<16xf32>
    %swap3A_71 = vector.shape_cast %broadcast_in_dim3A_67 : vector<16xf32> to vector<16xf32>
    tpu.vector_store %arg6[%swap3A_68], %swap3A_71 {strides = array<i32>} : memref<640xf32, #tpu.memory_space<vmem>>, vector<16xf32>,
    %broadcast_in_dim3A_72 = arith.constant 0.000000e+00 : f32
    %broadcast_in_dim3A_73 = vector.broadcast %broadcast_in_dim3A_72 : f32 to vector<16xf32>
    %swap3A_74 = arith.constant 176 : index
    %swap3A_75 = tpu.vector_load %arg6[%swap3A_74] {strides = array<i32>} : memref<640xf32, #tpu.memory_space<vmem>>, vector<16xf32>,
    %swap3A_76 = vector.shape_cast %swap3A_75 : vector<16xf32> to vector<16xf32>
    %swap3A_77 = vector.shape_cast %broadcast_in_dim3A_73 : vector<16xf32> to vector<16xf32>
    tpu.vector_store %arg6[%swap3A_74], %swap3A_77 {strides = array<i32>} : memref<640xf32, #tpu.memory_space<vmem>>, vector<16xf32>,
    %broadcast_in_dim3A_78 = arith.constant 0.000000e+00 : f32
    %broadcast_in_dim3A_79 = vector.broadcast %broadcast_in_dim3A_78 : f32 to vector<16xf32>
    %swap3A_80 = arith.constant 192 : index
    %swap3A_81 = tpu.vector_load %arg6[%swap3A_80] {strides = array<i32>} : memref<640xf32, #tpu.memory_space<vmem>>, vector<16xf32>,
    %swap3A_82 = vector.shape_cast %swap3A_81 : vector<16xf32> to vector<16xf32>
    %swap3A_83 = vector.shape_cast %broadcast_in_dim3A_79 : vector<16xf32> to vector<16xf32>
    tpu.vector_store %arg6[%swap3A_80], %swap3A_83 {strides = array<i32>} : memref<640xf32, #tpu.memory_space<vmem>>, vector<16xf32>,
    %broadcast_in_dim3A_84 = arith.constant 0.000000e+00 : f32
    %broadcast_in_dim3A_85 = vector.broadcast %broadcast_in_dim3A_84 : f32 to vector<16xf32>
    %swap3A_86 = arith.constant 208 : index
    %swap3A_87 = tpu.vector_load %arg6[%swap3A_86] {strides = array<i32>} : memref<640xf32, #tpu.memory_space<vmem>>, vector<16xf32>,
    %swap3A_88 = vector.shape_cast %swap3A_87 : vector<16xf32> to vector<16xf32>
    %swap3A_89 = vector.shape_cast %broadcast_in_dim3A_85 : vector<16xf32> to vector<16xf32>
    tpu.vector_store %arg6[%swap3A_86], %swap3A_89 {strides = array<i32>} : memref<640xf32, #tpu.memory_space<vmem>>, vector<16xf32>,
    %broadcast_in_dim3A_90 = arith.constant 0.000000e+00 : f32
    %broadcast_in_dim3A_91 = vector.broadcast %broadcast_in_dim3A_90 : f32 to vector<16xf32>
    %swap3A_92 = arith.constant 224 : index
    %swap3A_93 = tpu.vector_load %arg6[%swap3A_92] {strides = array<i32>} : memref<640xf32, #tpu.memory_space<vmem>>, vector<16xf32>,
    %swap3A_94 = vector.shape_cast %swap3A_93 : vector<16xf32> to vector<16xf32>
    %swap3A_95 = vector.shape_cast %broadcast_in_dim3A_91 : vector<16xf32> to vector<16xf32>
    tpu.vector_store %arg6[%swap3A_92], %swap3A_95 {strides = array<i32>} : memref<640xf32, #tpu.memory_space<vmem>>, vector<16xf32>,
    %broadcast_in_dim3A_96 = arith.constant 0.000000e+00 : f32
    %broadcast_in_dim3A_97 = vector.broadcast %broadcast_in_dim3A_96 : f32 to vector<16xf32>
    %swap3A_98 = arith.constant 240 : index
    %swap3A_99 = tpu.vector_load %arg6[%swap3A_98] {strides = array<i32>} : memref<640xf32, #tpu.memory_space<vmem>>, vector<16xf32>,
    %swap3A_100 = vector.shape_cast %swap3A_99 : vector<16xf32> to vector<16xf32>
    %swap3A_101 = vector.shape_cast %broadcast_in_dim3A_97 : vector<16xf32> to vector<16xf32>
    tpu.vector_store %arg6[%swap3A_98], %swap3A_101 {strides = array<i32>} : memref<640xf32, #tpu.memory_space<vmem>>, vector<16xf32>,
    %broadcast_in_dim3A_102 = arith.constant 0.000000e+00 : f32
    %broadcast_in_dim3A_103 = vector.broadcast %broadcast_in_dim3A_102 : f32 to vector<16xf32>
    %swap3A_104 = arith.constant 256 : index
    %swap3A_105 = tpu.vector_load %arg6[%swap3A_104] {strides = array<i32>} : memref<640xf32, #tpu.memory_space<vmem>>, vector<16xf32>,
    %swap3A_106 = vector.shape_cast %swap3A_105 : vector<16xf32> to vector<16xf32>
    %swap3A_107 = vector.shape_cast %broadcast_in_dim3A_103 : vector<16xf32> to vector<16xf32>
    tpu.vector_store %arg6[%swap3A_104], %swap3A_107 {strides = array<i32>} : memref<640xf32, #tpu.memory_space<vmem>>, vector<16xf32>,
    %broadcast_in_dim3A_108 = arith.constant 0.000000e+00 : f32
    %broadcast_in_dim3A_109 = vector.broadcast %broadcast_in_dim3A_108 : f32 to vector<16xf32>
    %swap3A_110 = arith.constant 272 : index
    %swap3A_111 = tpu.vector_load %arg6[%swap3A_110] {strides = array<i32>} : memref<640xf32, #tpu.memory_space<vmem>>, vector<16xf32>,
    %swap3A_112 = vector.shape_cast %swap3A_111 : vector<16xf32> to vector<16xf32>
    %swap3A_113 = vector.shape_cast %broadcast_in_dim3A_109 : vector<16xf32> to vector<16xf32>
    tpu.vector_store %arg6[%swap3A_110], %swap3A_113 {strides = array<i32>} : memref<640xf32, #tpu.memory_space<vmem>>, vector<16xf32>,
    %broadcast_in_dim3A_114 = arith.constant 0.000000e+00 : f32
    %broadcast_in_dim3A_115 = vector.broadcast %broadcast_in_dim3A_114 : f32 to vector<16xf32>
    %swap3A_116 = arith.constant 288 : index
    %swap3A_117 = tpu.vector_load %arg6[%swap3A_116] {strides = array<i32>} : memref<640xf32, #tpu.memory_space<vmem>>, vector<16xf32>,
    %swap3A_118 = vector.shape_cast %swap3A_117 : vector<16xf32> to vector<16xf32>
    %swap3A_119 = vector.shape_cast %broadcast_in_dim3A_115 : vector<16xf32> to vector<16xf32>
    tpu.vector_store %arg6[%swap3A_116], %swap3A_119 {strides = array<i32>} : memref<640xf32, #tpu.memory_space<vmem>>, vector<16xf32>,
    %broadcast_in_dim3A_120 = arith.constant 0.000000e+00 : f32
    %broadcast_in_dim3A_121 = vector.broadcast %broadcast_in_dim3A_120 : f32 to vector<16xf32>
    %swap3A_122 = arith.constant 304 : index
    %swap3A_123 = tpu.vector_load %arg6[%swap3A_122] {strides = array<i32>} : memref<640xf32, #tpu.memory_space<vmem>>, vector<16xf32>,
    %swap3A_124 = vector.shape_cast %swap3A_123 : vector<16xf32> to vector<16xf32>
    %swap3A_125 = vector.shape_cast %broadcast_in_dim3A_121 : vector<16xf32> to vector<16xf32>
    tpu.vector_store %arg6[%swap3A_122], %swap3A_125 {strides = array<i32>} : memref<640xf32, #tpu.memory_space<vmem>>, vector<16xf32>,
    %broadcast_in_dim3A_126 = arith.constant 0.000000e+00 : f32
    %broadcast_in_dim3A_127 = vector.broadcast %broadcast_in_dim3A_126 : f32 to vector<16xf32>
    %swap3A_128 = arith.constant 320 : index
    %swap3A_129 = tpu.vector_load %arg6[%swap3A_128] {strides = array<i32>} : memref<640xf32, #tpu.memory_space<vmem>>, vector<16xf32>,
    %swap3A_130 = vector.shape_cast %swap3A_129 : vector<16xf32> to vector<16xf32>
    %swap3A_131 = vector.shape_cast %broadcast_in_dim3A_127 : vector<16xf32> to vector<16xf32>
    tpu.vector_store %arg6[%swap3A_128], %swap3A_131 {strides = array<i32>} : memref<640xf32, #tpu.memory_space<vmem>>, vector<16xf32>,
    %broadcast_in_dim3A_132 = arith.constant 0.000000e+00 : f32
    %broadcast_in_dim3A_133 = vector.broadcast %broadcast_in_dim3A_132 : f32 to vector<16xf32>
    %swap3A_134 = arith.constant 336 : index
    %swap3A_135 = tpu.vector_load %arg6[%swap3A_134] {strides = array<i32>} : memref<640xf32, #tpu.memory_space<vmem>>, vector<16xf32>,
    %swap3A_136 = vector.shape_cast %swap3A_135 : vector<16xf32> to vector<16xf32>
    %swap3A_137 = vector.shape_cast %broadcast_in_dim3A_133 : vector<16xf32> to vector<16xf32>
    tpu.vector_store %arg6[%swap3A_134], %swap3A_137 {strides = array<i32>} : memref<640xf32, #tpu.memory_space<vmem>>, vector<16xf32>,
    %broadcast_in_dim3A_138 = arith.constant 0.000000e+00 : f32
    %broadcast_in_dim3A_139 = vector.broadcast %broadcast_in_dim3A_138 : f32 to vector<16xf32>
    %swap3A_140 = arith.constant 352 : index
    %swap3A_141 = tpu.vector_load %arg6[%swap3A_140] {strides = array<i32>} : memref<640xf32, #tpu.memory_space<vmem>>, vector<16xf32>,
    %swap3A_142 = vector.shape_cast %swap3A_141 : vector<16xf32> to vector<16xf32>
    %swap3A_143 = vector.shape_cast %broadcast_in_dim3A_139 : vector<16xf32> to vector<16xf32>
    tpu.vector_store %arg6[%swap3A_140], %swap3A_143 {strides = array<i32>} : memref<640xf32, #tpu.memory_space<vmem>>, vector<16xf32>,
    %broadcast_in_dim3A_144 = arith.constant 0.000000e+00 : f32
    %broadcast_in_dim3A_145 = vector.broadcast %broadcast_in_dim3A_144 : f32 to vector<16xf32>
    %swap3A_146 = arith.constant 368 : index
    %swap3A_147 = tpu.vector_load %arg6[%swap3A_146] {strides = array<i32>} : memref<640xf32, #tpu.memory_space<vmem>>, vector<16xf32>,
    %swap3A_148 = vector.shape_cast %swap3A_147 : vector<16xf32> to vector<16xf32>
    %swap3A_149 = vector.shape_cast %broadcast_in_dim3A_145 : vector<16xf32> to vector<16xf32>
    tpu.vector_store %arg6[%swap3A_146], %swap3A_149 {strides = array<i32>} : memref<640xf32, #tpu.memory_space<vmem>>, vector<16xf32>,
    %broadcast_in_dim3A_150 = arith.constant 0.000000e+00 : f32
    %broadcast_in_dim3A_151 = vector.broadcast %broadcast_in_dim3A_150 : f32 to vector<16xf32>
    %swap3A_152 = arith.constant 384 : index
    %swap3A_153 = tpu.vector_load %arg6[%swap3A_152] {strides = array<i32>} : memref<640xf32, #tpu.memory_space<vmem>>, vector<16xf32>,
    %swap3A_154 = vector.shape_cast %swap3A_153 : vector<16xf32> to vector<16xf32>
    %swap3A_155 = vector.shape_cast %broadcast_in_dim3A_151 : vector<16xf32> to vector<16xf32>
    tpu.vector_store %arg6[%swap3A_152], %swap3A_155 {strides = array<i32>} : memref<640xf32, #tpu.memory_space<vmem>>, vector<16xf32>,
    %broadcast_in_dim3A_156 = arith.constant 0.000000e+00 : f32
    %broadcast_in_dim3A_157 = vector.broadcast %broadcast_in_dim3A_156 : f32 to vector<16xf32>
    %swap3A_158 = arith.constant 400 : index
    %swap3A_159 = tpu.vector_load %arg6[%swap3A_158] {strides = array<i32>} : memref<640xf32, #tpu.memory_space<vmem>>, vector<16xf32>,
    %swap3A_160 = vector.shape_cast %swap3A_159 : vector<16xf32> to vector<16xf32>
    %swap3A_161 = vector.shape_cast %broadcast_in_dim3A_157 : vector<16xf32> to vector<16xf32>
    tpu.vector_store %arg6[%swap3A_158], %swap3A_161 {strides = array<i32>} : memref<640xf32, #tpu.memory_space<vmem>>, vector<16xf32>,
    %broadcast_in_dim3A_162 = arith.constant 0.000000e+00 : f32
    %broadcast_in_dim3A_163 = vector.broadcast %broadcast_in_dim3A_162 : f32 to vector<16xf32>
    %swap3A_164 = arith.constant 416 : index
    %swap3A_165 = tpu.vector_load %arg6[%swap3A_164] {strides = array<i32>} : memref<640xf32, #tpu.memory_space<vmem>>, vector<16xf32>,
    %swap3A_166 = vector.shape_cast %swap3A_165 : vector<16xf32> to vector<16xf32>
    %swap3A_167 = vector.shape_cast %broadcast_in_dim3A_163 : vector<16xf32> to vector<16xf32>
    tpu.vector_store %arg6[%swap3A_164], %swap3A_167 {strides = array<i32>} : memref<640xf32, #tpu.memory_space<vmem>>, vector<16xf32>,
    %broadcast_in_dim3A_168 = arith.constant 0.000000e+00 : f32
    %broadcast_in_dim3A_169 = vector.broadcast %broadcast_in_dim3A_168 : f32 to vector<16xf32>
    %swap3A_170 = arith.constant 432 : index
    %swap3A_171 = tpu.vector_load %arg6[%swap3A_170] {strides = array<i32>} : memref<640xf32, #tpu.memory_space<vmem>>, vector<16xf32>,
    %swap3A_172 = vector.shape_cast %swap3A_171 : vector<16xf32> to vector<16xf32>
    %swap3A_173 = vector.shape_cast %broadcast_in_dim3A_169 : vector<16xf32> to vector<16xf32>
    tpu.vector_store %arg6[%swap3A_170], %swap3A_173 {strides = array<i32>} : memref<640xf32, #tpu.memory_space<vmem>>, vector<16xf32>,
    %broadcast_in_dim3A_174 = arith.constant 0.000000e+00 : f32
    %broadcast_in_dim3A_175 = vector.broadcast %broadcast_in_dim3A_174 : f32 to vector<16xf32>
    %swap3A_176 = arith.constant 448 : index
    %swap3A_177 = tpu.vector_load %arg6[%swap3A_176] {strides = array<i32>} : memref<640xf32, #tpu.memory_space<vmem>>, vector<16xf32>,
    %swap3A_178 = vector.shape_cast %swap3A_177 : vector<16xf32> to vector<16xf32>
    %swap3A_179 = vector.shape_cast %broadcast_in_dim3A_175 : vector<16xf32> to vector<16xf32>
    tpu.vector_store %arg6[%swap3A_176], %swap3A_179 {strides = array<i32>} : memref<640xf32, #tpu.memory_space<vmem>>, vector<16xf32>,
    %broadcast_in_dim3A_180 = arith.constant 0.000000e+00 : f32
    %broadcast_in_dim3A_181 = vector.broadcast %broadcast_in_dim3A_180 : f32 to vector<16xf32>
    %swap3A_182 = arith.constant 464 : index
    %swap3A_183 = tpu.vector_load %arg6[%swap3A_182] {strides = array<i32>} : memref<640xf32, #tpu.memory_space<vmem>>, vector<16xf32>,
    %swap3A_184 = vector.shape_cast %swap3A_183 : vector<16xf32> to vector<16xf32>
    %swap3A_185 = vector.shape_cast %broadcast_in_dim3A_181 : vector<16xf32> to vector<16xf32>
    tpu.vector_store %arg6[%swap3A_182], %swap3A_185 {strides = array<i32>} : memref<640xf32, #tpu.memory_space<vmem>>, vector<16xf32>,
    %broadcast_in_dim3A_186 = arith.constant 0.000000e+00 : f32
    %broadcast_in_dim3A_187 = vector.broadcast %broadcast_in_dim3A_186 : f32 to vector<16xf32>
    %swap3A_188 = arith.constant 480 : index
    %swap3A_189 = tpu.vector_load %arg6[%swap3A_188] {strides = array<i32>} : memref<640xf32, #tpu.memory_space<vmem>>, vector<16xf32>,
    %swap3A_190 = vector.shape_cast %swap3A_189 : vector<16xf32> to vector<16xf32>
    %swap3A_191 = vector.shape_cast %broadcast_in_dim3A_187 : vector<16xf32> to vector<16xf32>
    tpu.vector_store %arg6[%swap3A_188], %swap3A_191 {strides = array<i32>} : memref<640xf32, #tpu.memory_space<vmem>>, vector<16xf32>,
    %broadcast_in_dim3A_192 = arith.constant 0.000000e+00 : f32
    %broadcast_in_dim3A_193 = vector.broadcast %broadcast_in_dim3A_192 : f32 to vector<16xf32>
    %swap3A_194 = arith.constant 496 : index
    %swap3A_195 = tpu.vector_load %arg6[%swap3A_194] {strides = array<i32>} : memref<640xf32, #tpu.memory_space<vmem>>, vector<16xf32>,
    %swap3A_196 = vector.shape_cast %swap3A_195 : vector<16xf32> to vector<16xf32>
    %swap3A_197 = vector.shape_cast %broadcast_in_dim3A_193 : vector<16xf32> to vector<16xf32>
    tpu.vector_store %arg6[%swap3A_194], %swap3A_197 {strides = array<i32>} : memref<640xf32, #tpu.memory_space<vmem>>, vector<16xf32>,
    %broadcast_in_dim3A_198 = arith.constant 0.000000e+00 : f32
    %broadcast_in_dim3A_199 = vector.broadcast %broadcast_in_dim3A_198 : f32 to vector<16xf32>
    %swap3A_200 = arith.constant 512 : index
    %swap3A_201 = tpu.vector_load %arg6[%swap3A_200] {strides = array<i32>} : memref<640xf32, #tpu.memory_space<vmem>>, vector<16xf32>,
    %swap3A_202 = vector.shape_cast %swap3A_201 : vector<16xf32> to vector<16xf32>
    %swap3A_203 = vector.shape_cast %broadcast_in_dim3A_199 : vector<16xf32> to vector<16xf32>
    tpu.vector_store %arg6[%swap3A_200], %swap3A_203 {strides = array<i32>} : memref<640xf32, #tpu.memory_space<vmem>>, vector<16xf32>,
    %broadcast_in_dim3A_204 = arith.constant 0.000000e+00 : f32
    %broadcast_in_dim3A_205 = vector.broadcast %broadcast_in_dim3A_204 : f32 to vector<16xf32>
    %swap3A_206 = arith.constant 528 : index
    %swap3A_207 = tpu.vector_load %arg6[%swap3A_206] {strides = array<i32>} : memref<640xf32, #tpu.memory_space<vmem>>, vector<16xf32>,
    %swap3A_208 = vector.shape_cast %swap3A_207 : vector<16xf32> to vector<16xf32>
    %swap3A_209 = vector.shape_cast %broadcast_in_dim3A_205 : vector<16xf32> to vector<16xf32>
    tpu.vector_store %arg6[%swap3A_206], %swap3A_209 {strides = array<i32>} : memref<640xf32, #tpu.memory_space<vmem>>, vector<16xf32>,
    %broadcast_in_dim3A_210 = arith.constant 0.000000e+00 : f32
    %broadcast_in_dim3A_211 = vector.broadcast %broadcast_in_dim3A_210 : f32 to vector<16xf32>
    %swap3A_212 = arith.constant 544 : index
    %swap3A_213 = tpu.vector_load %arg6[%swap3A_212] {strides = array<i32>} : memref<640xf32, #tpu.memory_space<vmem>>, vector<16xf32>,
    %swap3A_214 = vector.shape_cast %swap3A_213 : vector<16xf32> to vector<16xf32>
    %swap3A_215 = vector.shape_cast %broadcast_in_dim3A_211 : vector<16xf32> to vector<16xf32>
    tpu.vector_store %arg6[%swap3A_212], %swap3A_215 {strides = array<i32>} : memref<640xf32, #tpu.memory_space<vmem>>, vector<16xf32>,
    %broadcast_in_dim3A_216 = arith.constant 0.000000e+00 : f32
    %broadcast_in_dim3A_217 = vector.broadcast %broadcast_in_dim3A_216 : f32 to vector<16xf32>
    %swap3A_218 = arith.constant 560 : index
    %swap3A_219 = tpu.vector_load %arg6[%swap3A_218] {strides = array<i32>} : memref<640xf32, #tpu.memory_space<vmem>>, vector<16xf32>,
    %swap3A_220 = vector.shape_cast %swap3A_219 : vector<16xf32> to vector<16xf32>
    %swap3A_221 = vector.shape_cast %broadcast_in_dim3A_217 : vector<16xf32> to vector<16xf32>
    tpu.vector_store %arg6[%swap3A_218], %swap3A_221 {strides = array<i32>} : memref<640xf32, #tpu.memory_space<vmem>>, vector<16xf32>,
    %broadcast_in_dim3A_222 = arith.constant 0.000000e+00 : f32
    %broadcast_in_dim3A_223 = vector.broadcast %broadcast_in_dim3A_222 : f32 to vector<16xf32>
    %swap3A_224 = arith.constant 576 : index
    %swap3A_225 = tpu.vector_load %arg6[%swap3A_224] {strides = array<i32>} : memref<640xf32, #tpu.memory_space<vmem>>, vector<16xf32>,
    %swap3A_226 = vector.shape_cast %swap3A_225 : vector<16xf32> to vector<16xf32>
    %swap3A_227 = vector.shape_cast %broadcast_in_dim3A_223 : vector<16xf32> to vector<16xf32>
    tpu.vector_store %arg6[%swap3A_224], %swap3A_227 {strides = array<i32>} : memref<640xf32, #tpu.memory_space<vmem>>, vector<16xf32>,
    %broadcast_in_dim3A_228 = arith.constant 0.000000e+00 : f32
    %broadcast_in_dim3A_229 = vector.broadcast %broadcast_in_dim3A_228 : f32 to vector<16xf32>
    %swap3A_230 = arith.constant 592 : index
    %swap3A_231 = tpu.vector_load %arg6[%swap3A_230] {strides = array<i32>} : memref<640xf32, #tpu.memory_space<vmem>>, vector<16xf32>,
    %swap3A_232 = vector.shape_cast %swap3A_231 : vector<16xf32> to vector<16xf32>
    %swap3A_233 = vector.shape_cast %broadcast_in_dim3A_229 : vector<16xf32> to vector<16xf32>
    tpu.vector_store %arg6[%swap3A_230], %swap3A_233 {strides = array<i32>} : memref<640xf32, #tpu.memory_space<vmem>>, vector<16xf32>,
    %broadcast_in_dim3A_234 = arith.constant 0.000000e+00 : f32
    %broadcast_in_dim3A_235 = vector.broadcast %broadcast_in_dim3A_234 : f32 to vector<16xf32>
    %swap3A_236 = arith.constant 608 : index
    %swap3A_237 = tpu.vector_load %arg6[%swap3A_236] {strides = array<i32>} : memref<640xf32, #tpu.memory_space<vmem>>, vector<16xf32>,
    %swap3A_238 = vector.shape_cast %swap3A_237 : vector<16xf32> to vector<16xf32>
    %swap3A_239 = vector.shape_cast %broadcast_in_dim3A_235 : vector<16xf32> to vector<16xf32>
    tpu.vector_store %arg6[%swap3A_236], %swap3A_239 {strides = array<i32>} : memref<640xf32, #tpu.memory_space<vmem>>, vector<16xf32>,
    %broadcast_in_dim3A_240 = arith.constant 0.000000e+00 : f32
    %broadcast_in_dim3A_241 = vector.broadcast %broadcast_in_dim3A_240 : f32 to vector<16xf32>
    %swap3A_242 = arith.constant 624 : index
    %swap3A_243 = tpu.vector_load %arg6[%swap3A_242] {strides = array<i32>} : memref<640xf32, #tpu.memory_space<vmem>>, vector<16xf32>,
    %swap3A_244 = vector.shape_cast %swap3A_243 : vector<16xf32> to vector<16xf32>
    %swap3A_245 = vector.shape_cast %broadcast_in_dim3A_241 : vector<16xf32> to vector<16xf32>
    tpu.vector_store %arg6[%swap3A_242], %swap3A_245 {strides = array<i32>} : memref<640xf32, #tpu.memory_space<vmem>>, vector<16xf32>,
    %broadcast_in_dim3A_246 = arith.constant 1.000000e+00 : f32
    %broadcast_in_dim3A_247 = vector.broadcast %broadcast_in_dim3A_246 : f32 to vector<16xf32>
    %swap3A_248 = arith.constant 0 : index
    %swap3A_249 = tpu.vector_load %arg5[%swap3A_248] {strides = array<i32>} : memref<128xf32, #tpu.memory_space<vmem>>, vector<16xf32>,
    %swap3A_250 = vector.shape_cast %swap3A_249 : vector<16xf32> to vector<16xf32>
    %swap3A_251 = vector.shape_cast %broadcast_in_dim3A_247 : vector<16xf32> to vector<16xf32>
    tpu.vector_store %arg5[%swap3A_248], %swap3A_251 {strides = array<i32>} : memref<128xf32, #tpu.memory_space<vmem>>, vector<16xf32>,
    %broadcast_in_dim3A_252 = arith.constant 1.000000e+00 : f32
    %broadcast_in_dim3A_253 = vector.broadcast %broadcast_in_dim3A_252 : f32 to vector<16xf32>
    %swap3A_254 = arith.constant 16 : index
    %swap3A_255 = tpu.vector_load %arg5[%swap3A_254] {strides = array<i32>} : memref<128xf32, #tpu.memory_space<vmem>>, vector<16xf32>,
    %swap3A_256 = vector.shape_cast %swap3A_255 : vector<16xf32> to vector<16xf32>
    %swap3A_257 = vector.shape_cast %broadcast_in_dim3A_253 : vector<16xf32> to vector<16xf32>
    tpu.vector_store %arg5[%swap3A_254], %swap3A_257 {strides = array<i32>} : memref<128xf32, #tpu.memory_space<vmem>>, vector<16xf32>,
    %broadcast_in_dim3A_258 = arith.constant 1.000000e+00 : f32
    %broadcast_in_dim3A_259 = vector.broadcast %broadcast_in_dim3A_258 : f32 to vector<16xf32>
    %swap3A_260 = arith.constant 32 : index
    %swap3A_261 = tpu.vector_load %arg5[%swap3A_260] {strides = array<i32>} : memref<128xf32, #tpu.memory_space<vmem>>, vector<16xf32>,
    %swap3A_262 = vector.shape_cast %swap3A_261 : vector<16xf32> to vector<16xf32>
    %swap3A_263 = vector.shape_cast %broadcast_in_dim3A_259 : vector<16xf32> to vector<16xf32>
    tpu.vector_store %arg5[%swap3A_260], %swap3A_263 {strides = array<i32>} : memref<128xf32, #tpu.memory_space<vmem>>, vector<16xf32>,
    %broadcast_in_dim3A_264 = arith.constant 1.000000e+00 : f32
    %broadcast_in_dim3A_265 = vector.broadcast %broadcast_in_dim3A_264 : f32 to vector<16xf32>
    %swap3A_266 = arith.constant 48 : index
    %swap3A_267 = tpu.vector_load %arg5[%swap3A_266] {strides = array<i32>} : memref<128xf32, #tpu.memory_space<vmem>>, vector<16xf32>,
    %swap3A_268 = vector.shape_cast %swap3A_267 : vector<16xf32> to vector<16xf32>
    %swap3A_269 = vector.shape_cast %broadcast_in_dim3A_265 : vector<16xf32> to vector<16xf32>
    tpu.vector_store %arg5[%swap3A_266], %swap3A_269 {strides = array<i32>} : memref<128xf32, #tpu.memory_space<vmem>>, vector<16xf32>,
    %broadcast_in_dim3A_270 = arith.constant 1.000000e+00 : f32
    %broadcast_in_dim3A_271 = vector.broadcast %broadcast_in_dim3A_270 : f32 to vector<16xf32>
    %swap3A_272 = arith.constant 64 : index
    %swap3A_273 = tpu.vector_load %arg5[%swap3A_272] {strides = array<i32>} : memref<128xf32, #tpu.memory_space<vmem>>, vector<16xf32>,
    %swap3A_274 = vector.shape_cast %swap3A_273 : vector<16xf32> to vector<16xf32>
    %swap3A_275 = vector.shape_cast %broadcast_in_dim3A_271 : vector<16xf32> to vector<16xf32>
    tpu.vector_store %arg5[%swap3A_272], %swap3A_275 {strides = array<i32>} : memref<128xf32, #tpu.memory_space<vmem>>, vector<16xf32>,
    %broadcast_in_dim3A_276 = arith.constant 1.000000e+00 : f32
    %broadcast_in_dim3A_277 = vector.broadcast %broadcast_in_dim3A_276 : f32 to vector<16xf32>
    %swap3A_278 = arith.constant 80 : index
    %swap3A_279 = tpu.vector_load %arg5[%swap3A_278] {strides = array<i32>} : memref<128xf32, #tpu.memory_space<vmem>>, vector<16xf32>,
    %swap3A_280 = vector.shape_cast %swap3A_279 : vector<16xf32> to vector<16xf32>
    %swap3A_281 = vector.shape_cast %broadcast_in_dim3A_277 : vector<16xf32> to vector<16xf32>
    tpu.vector_store %arg5[%swap3A_278], %swap3A_281 {strides = array<i32>} : memref<128xf32, #tpu.memory_space<vmem>>, vector<16xf32>,
    %broadcast_in_dim3A_282 = arith.constant 1.000000e+00 : f32
    %broadcast_in_dim3A_283 = vector.broadcast %broadcast_in_dim3A_282 : f32 to vector<16xf32>
    %swap3A_284 = arith.constant 96 : index
    %swap3A_285 = tpu.vector_load %arg5[%swap3A_284] {strides = array<i32>} : memref<128xf32, #tpu.memory_space<vmem>>, vector<16xf32>,
    %swap3A_286 = vector.shape_cast %swap3A_285 : vector<16xf32> to vector<16xf32>
    %swap3A_287 = vector.shape_cast %broadcast_in_dim3A_283 : vector<16xf32> to vector<16xf32>
    tpu.vector_store %arg5[%swap3A_284], %swap3A_287 {strides = array<i32>} : memref<128xf32, #tpu.memory_space<vmem>>, vector<16xf32>,
    %broadcast_in_dim3A_288 = arith.constant 1.000000e+00 : f32
    %broadcast_in_dim3A_289 = vector.broadcast %broadcast_in_dim3A_288 : f32 to vector<16xf32>
    %swap3A_290 = arith.constant 112 : index
    %swap3A_291 = tpu.vector_load %arg5[%swap3A_290] {strides = array<i32>} : memref<128xf32, #tpu.memory_space<vmem>>, vector<16xf32>,
    %swap3A_292 = vector.shape_cast %swap3A_291 : vector<16xf32> to vector<16xf32>
    %swap3A_293 = vector.shape_cast %broadcast_in_dim3A_289 : vector<16xf32> to vector<16xf32>
    tpu.vector_store %arg5[%swap3A_290], %swap3A_293 {strides = array<i32>} : memref<128xf32, #tpu.memory_space<vmem>>, vector<16xf32>,
    %mul3A_294 = arith.constant 640 : i32
    %mul3A_295 = arith.muli %arg1, %mul3A_294 : i32
    "tpu.region"() ({
      %run_scoped3A = tpu.sem_alloc : memref<!tpu.dma_semaphore, #tpu.memory_space<semaphore_mem>>
      %dma_start3A_322 = tpu.memref_slice %arg7[%mul3A_295] : memref<10240xf32, #tpu.memory_space<vmem_shared>> -> memref<640xf32, #tpu.memory_space<vmem_shared>>
      %dma_start3A_323 = tpu.memref_slice %arg7[%mul3A_295] : memref<10240xf32, #tpu.memory_space<vmem_shared>> -> memref<640xf32, #tpu.memory_space<vmem_shared>>
      tpu.enqueue_dma source(%arg6 : memref<640xf32, #tpu.memory_space<vmem>>) target(%dma_start3A_323 : memref<640xf32, #tpu.memory_space<vmem_shared>>) target_semaphore(%run_scoped3A : memref<!tpu.dma_semaphore, #tpu.memory_space<semaphore_mem>>)
      %dma_wait3A_324 = tpu.memref_slice %arg7[%mul3A_295] : memref<10240xf32, #tpu.memory_space<vmem_shared>> -> memref<640xf32, #tpu.memory_space<vmem_shared>>
      %dma_wait3A_325 = tpu.memref_slice %arg7[%mul3A_295] : memref<10240xf32, #tpu.memory_space<vmem_shared>> -> memref<640xf32, #tpu.memory_space<vmem_shared>>
      tpu.wait_dma2 semaphore(%run_scoped3A : memref<!tpu.dma_semaphore, #tpu.memory_space<semaphore_mem>>) src(%arg6 : memref<640xf32, #tpu.memory_space<vmem>>) dst(%dma_wait3A_325 : memref<640xf32, #tpu.memory_space<vmem_shared>>)
      tpu.yield
    }) : () -> ()
    %mul3A_296 = arith.constant 2 : i32
    %mul3A_297 = arith.muli %arg1, %mul3A_296 : i32
    %add3A_298 = arith.addi %mul3A_297, %arg0 : i32
    %dma_wait3A = arith.constant 0 : i32
    %dma_wait3A_299 = arith.constant 0 : i32
    %dma_wait3A_300 = tpu.memref_slice %arg2[%add3A_298, %dma_wait3A, %dma_wait3A_299] : memref<32x79x128xi32, #tpu.memory_space<hbm>> -> memref<1x79x128xi32, #tpu.memory_space<hbm>>
    %dma_wait3A_301 = tpu.memref_squeeze %dma_wait3A_300 : memref<1x79x128xi32, #tpu.memory_space<hbm>> -> memref<79x128xi32, #tpu.memory_space<hbm>>
    %dma_wait3A_302 = arith.constant 0 : i32
    %dma_wait3A_303 = arith.constant 0 : i32
    %dma_wait3A_304 = tpu.memref_slice %arg2[%add3A_298, %dma_wait3A_302, %dma_wait3A_303] : memref<32x79x128xi32, #tpu.memory_space<hbm>> -> memref<1x79x128xi32, #tpu.memory_space<hbm>>
    %dma_wait3A_305 = tpu.memref_squeeze %dma_wait3A_304 : memref<1x79x128xi32, #tpu.memory_space<hbm>> -> memref<79x128xi32, #tpu.memory_space<hbm>>
    tpu.wait_dma2 semaphore(%arg8 : memref<!tpu.dma_semaphore, #tpu.memory_space<semaphore_mem>>) src(%dma_wait3A_305 : memref<79x128xi32, #tpu.memory_space<hbm>>) dst(%arg4 : memref<79x128xi32, #tpu.memory_space<vmem>>)
    %barrier3A = arith.constant 0 : index
    tpu.barrier barrier_id(%barrier3A)
    %scan3A = arith.constant 0 : i32
    %scan3A_306 = arith.constant 0 : i32
    %scan3A_307 = arith.constant 79 : i32
    %scan3A_308 = arith.addi %scan3A_306, %scan3A_307 : i32
    %scan3A_309 = arith.constant 1 : i32
    scf.for %scan3A_322 = %scan3A_306 to %scan3A_308 step %scan3A_309  : i32 {
      %dma_start3A_323 = arith.constant 0 : i32
      %dma_start3A_324 = tpu.memref_slice %arg4[%scan3A_322, %dma_start3A_323] : memref<79x128xi32, #tpu.memory_space<vmem>> -> memref<1x128xi32, #tpu.memory_space<vmem>>
      %dma_start3A_325 = tpu.memref_squeeze %dma_start3A_324 : memref<1x128xi32, #tpu.memory_space<vmem>> -> memref<128xi32, #tpu.memory_space<vmem>>
      %dma_start3A_326 = arith.constant 0 : i32
      %dma_start3A_327 = tpu.memref_slice %arg7[%dma_start3A_326] : memref<10240xf32, #tpu.memory_space<vmem_shared>> -> memref<10240xf32, #tpu.memory_space<vmem_shared>>
      tpu.enqueue_indirect_dma source(%arg5 : memref<128xf32, #tpu.memory_space<vmem>>) target(%dma_start3A_327 : memref<10240xf32, #tpu.memory_space<vmem_shared>>) offsets(%dma_start3A_325 : memref<128xi32, #tpu.memory_space<vmem>>) semaphore(%arg8 : memref<!tpu.dma_semaphore, #tpu.memory_space<semaphore_mem>>) {add = true}
    }
    %scan3A_310 = arith.constant 79 : i32
    %scan3A_311 = arith.constant 0 : i32
    %scan3A_312 = arith.constant 0 : i32
    %scan3A_313 = arith.constant 79 : i32
    %scan3A_314 = arith.addi %scan3A_312, %scan3A_313 : i32
    %scan3A_315 = arith.constant 1 : i32
    scf.for %scan3A_322 = %scan3A_312 to %scan3A_314 step %scan3A_315  : i32 {
      %dma_wait3A_323 = arith.constant 0 : i32
      %dma_wait3A_324 = tpu.memref_slice %arg4[%scan3A_322, %dma_wait3A_323] : memref<79x128xi32, #tpu.memory_space<vmem>> -> memref<1x128xi32, #tpu.memory_space<vmem>>
      %dma_wait3A_325 = tpu.memref_squeeze %dma_wait3A_324 : memref<1x128xi32, #tpu.memory_space<vmem>> -> memref<128xi32, #tpu.memory_space<vmem>>
      %dma_wait3A_326 = arith.constant 0 : i32
      %dma_wait3A_327 = tpu.memref_slice %arg7[%dma_wait3A_326] : memref<10240xf32, #tpu.memory_space<vmem_shared>> -> memref<10240xf32, #tpu.memory_space<vmem_shared>>
      tpu.wait_indirect_dma semaphore(%arg8 : memref<!tpu.dma_semaphore, #tpu.memory_space<semaphore_mem>>) src(%arg5 : memref<128xf32, #tpu.memory_space<vmem>>) dst(%dma_wait3A_327 : memref<10240xf32, #tpu.memory_space<vmem_shared>>)
    }
    %scan3A_316 = arith.constant 79 : i32
    %barrier3A_317 = arith.constant 0 : index
    tpu.barrier barrier_id(%barrier3A_317)
    %mul3A_318 = arith.constant 640 : i32
    %mul3A_319 = arith.muli %arg1, %mul3A_318 : i32
    %mul3A_320 = arith.constant 640 : i32
    %mul3A_321 = arith.muli %arg1, %mul3A_320 : i32
    "tpu.region"() ({
      %run_scoped3A = tpu.sem_alloc : memref<!tpu.dma_semaphore, #tpu.memory_space<semaphore_mem>>
      %dma_start3A_322 = tpu.memref_slice %arg3[%arg0, %mul3A_321] : memref<2x10240xf32, #tpu.memory_space<hbm>> -> memref<1x640xf32, #tpu.memory_space<hbm>>
      %dma_start3A_323 = tpu.memref_squeeze %dma_start3A_322 : memref<1x640xf32, #tpu.memory_space<hbm>> -> memref<640xf32, #tpu.memory_space<hbm>>
      %dma_start3A_324 = tpu.memref_slice %arg7[%mul3A_319] : memref<10240xf32, #tpu.memory_space<vmem_shared>> -> memref<640xf32, #tpu.memory_space<vmem_shared>>
      tpu.enqueue_dma source(%dma_start3A_324 : memref<640xf32, #tpu.memory_space<vmem_shared>>) target(%dma_start3A_323 : memref<640xf32, #tpu.memory_space<hbm>>) target_semaphore(%run_scoped3A : memref<!tpu.dma_semaphore, #tpu.memory_space<semaphore_mem>>)
      %dma_wait3A_325 = tpu.memref_slice %arg3[%arg0, %mul3A_321] : memref<2x10240xf32, #tpu.memory_space<hbm>> -> memref<1x640xf32, #tpu.memory_space<hbm>>
      %dma_wait3A_326 = tpu.memref_squeeze %dma_wait3A_325 : memref<1x640xf32, #tpu.memory_space<hbm>> -> memref<640xf32, #tpu.memory_space<hbm>>
      %dma_wait3A_327 = tpu.memref_slice %arg7[%mul3A_319] : memref<10240xf32, #tpu.memory_space<vmem_shared>> -> memref<640xf32, #tpu.memory_space<vmem_shared>>
      tpu.wait_dma2 semaphore(%run_scoped3A : memref<!tpu.dma_semaphore, #tpu.memory_space<semaphore_mem>>) src(%dma_wait3A_327 : memref<640xf32, #tpu.memory_space<vmem_shared>>) dst(%dma_wait3A_326 : memref<640xf32, #tpu.memory_space<hbm>>)
      tpu.yield
    }) : () -> ()
    return
  }
}

#map = affine_map<(d0, d1) -> (0, 0)>
#map1 = affine_map<(d0, d1) -> (0, 0, 0, 0)>
#map2 = affine_map<(d0, d1) -> (0, 0, 0)>
module attributes {stable_mosaic.version = 14 : i64} {
  func.func @body(%arg0: i32, %arg1: i32, %arg2: memref<32x10112xi32, #tpu.memory_space<hbm>>, %arg3: memref<32x79x1x128xi32, #tpu.memory_space<hbm>>, %arg4: memref<10000x128xf32, #tpu.memory_space<hbm>>, %arg5: memref<2x10240x128xf32, #tpu.memory_space<hbm>>, %arg6: memref<10112xi32, #tpu.memory_space<vmem>>, %arg7: memref<2x1x128xi32, #tpu.memory_space<vmem>>, %arg8: memref<128x128xf32, #tpu.memory_space<vmem>>, %arg9: memref<128x128xf32, #tpu.memory_space<vmem>>, %arg10: memref<10240x128xf32, #tpu.memory_space<vmem_shared>>, %arg11: memref<!tpu.dma_semaphore, #tpu.memory_space<semaphore_mem>>, %arg12: memref<!tpu.dma_semaphore, #tpu.memory_space<semaphore_mem>>, %arg13: memref<!tpu.dma_semaphore, #tpu.memory_space<semaphore_mem>>, %arg14: memref<!tpu.dma_semaphore, #tpu.memory_space<semaphore_mem>>, %arg15: memref<!tpu.dma_semaphore, #tpu.memory_space<semaphore_mem>>) attributes {dimension_semantics = [#tpu.dimension_semantics<core_parallel>, #tpu.dimension_semantics<subcore_parallel>], iteration_bounds = array<i64: 2, 16>, scalar_prefetch = 0 : i64, scratch_operands = 10 : i64, tpu.core_type = #tpu.core_type<sc_vector_subcore>, window_params = [{transform_indices = #map}, {transform_indices = #map1}, {transform_indices = #map}, {transform_indices = #map2}]} {
    %mul3A = arith.constant 2 : i32
    %mul3A_0 = arith.muli %arg1, %mul3A : i32
    %add3A = arith.addi %mul3A_0, %arg0 : i32
    %dma_start3A = arith.constant 0 : i32
    %dma_start3A_1 = tpu.memref_slice %arg2[%add3A, %dma_start3A] : memref<32x10112xi32, #tpu.memory_space<hbm>> -> memref<1x10112xi32, #tpu.memory_space<hbm>>
    %dma_start3A_2 = tpu.memref_squeeze %dma_start3A_1 : memref<1x10112xi32, #tpu.memory_space<hbm>> -> memref<10112xi32, #tpu.memory_space<hbm>>
    %dma_start3A_3 = arith.constant 0 : i32
    %dma_start3A_4 = tpu.memref_slice %arg2[%add3A, %dma_start3A_3] : memref<32x10112xi32, #tpu.memory_space<hbm>> -> memref<1x10112xi32, #tpu.memory_space<hbm>>
    %dma_start3A_5 = tpu.memref_squeeze %dma_start3A_4 : memref<1x10112xi32, #tpu.memory_space<hbm>> -> memref<10112xi32, #tpu.memory_space<hbm>>
    tpu.enqueue_dma source(%dma_start3A_5 : memref<10112xi32, #tpu.memory_space<hbm>>) target(%arg6 : memref<10112xi32, #tpu.memory_space<vmem>>) target_semaphore(%arg13 : memref<!tpu.dma_semaphore, #tpu.memory_space<semaphore_mem>>)
    %scan3A = arith.constant 0 : i32
    %scan3A_6 = arith.constant 0 : i32
    %scan3A_7 = arith.constant 128 : i32
    %scan3A_8 = arith.addi %scan3A_6, %scan3A_7 : i32
    %scan3A_9 = arith.constant 1 : i32
    scf.for %scan3A_250 = %scan3A_6 to %scan3A_8 step %scan3A_9  : i32 {
      %broadcast_in_dim3A = arith.constant 0.000000e+00 : f32
      %broadcast_in_dim3A_251 = vector.broadcast %broadcast_in_dim3A : f32 to vector<16xf32>
      %swap3A = arith.index_cast %scan3A_250 : i32 to index
      %swap3A_252 = arith.constant 0 : index
      %swap3A_253 = tpu.vector_load %arg8[%swap3A, %swap3A_252] {strides = array<i32>} : memref<128x128xf32, #tpu.memory_space<vmem>>, vector<1x16xf32>,
      %swap3A_254 = vector.shape_cast %swap3A_253 : vector<1x16xf32> to vector<16xf32>
      %swap3A_255 = vector.shape_cast %broadcast_in_dim3A_251 : vector<16xf32> to vector<1x16xf32>
      tpu.vector_store %arg8[%swap3A, %swap3A_252], %swap3A_255 {strides = array<i32>} : memref<128x128xf32, #tpu.memory_space<vmem>>, vector<1x16xf32>,
      %broadcast_in_dim3A_256 = arith.constant 0.000000e+00 : f32
      %broadcast_in_dim3A_257 = vector.broadcast %broadcast_in_dim3A_256 : f32 to vector<16xf32>
      %swap3A_258 = arith.index_cast %scan3A_250 : i32 to index
      %swap3A_259 = arith.constant 16 : index
      %swap3A_260 = tpu.vector_load %arg8[%swap3A_258, %swap3A_259] {strides = array<i32>} : memref<128x128xf32, #tpu.memory_space<vmem>>, vector<1x16xf32>,
      %swap3A_261 = vector.shape_cast %swap3A_260 : vector<1x16xf32> to vector<16xf32>
      %swap3A_262 = vector.shape_cast %broadcast_in_dim3A_257 : vector<16xf32> to vector<1x16xf32>
      tpu.vector_store %arg8[%swap3A_258, %swap3A_259], %swap3A_262 {strides = array<i32>} : memref<128x128xf32, #tpu.memory_space<vmem>>, vector<1x16xf32>,
      %broadcast_in_dim3A_263 = arith.constant 0.000000e+00 : f32
      %broadcast_in_dim3A_264 = vector.broadcast %broadcast_in_dim3A_263 : f32 to vector<16xf32>
      %swap3A_265 = arith.index_cast %scan3A_250 : i32 to index
      %swap3A_266 = arith.constant 32 : index
      %swap3A_267 = tpu.vector_load %arg8[%swap3A_265, %swap3A_266] {strides = array<i32>} : memref<128x128xf32, #tpu.memory_space<vmem>>, vector<1x16xf32>,
      %swap3A_268 = vector.shape_cast %swap3A_267 : vector<1x16xf32> to vector<16xf32>
      %swap3A_269 = vector.shape_cast %broadcast_in_dim3A_264 : vector<16xf32> to vector<1x16xf32>
      tpu.vector_store %arg8[%swap3A_265, %swap3A_266], %swap3A_269 {strides = array<i32>} : memref<128x128xf32, #tpu.memory_space<vmem>>, vector<1x16xf32>,
      %broadcast_in_dim3A_270 = arith.constant 0.000000e+00 : f32
      %broadcast_in_dim3A_271 = vector.broadcast %broadcast_in_dim3A_270 : f32 to vector<16xf32>
      %swap3A_272 = arith.index_cast %scan3A_250 : i32 to index
      %swap3A_273 = arith.constant 48 : index
      %swap3A_274 = tpu.vector_load %arg8[%swap3A_272, %swap3A_273] {strides = array<i32>} : memref<128x128xf32, #tpu.memory_space<vmem>>, vector<1x16xf32>,
      %swap3A_275 = vector.shape_cast %swap3A_274 : vector<1x16xf32> to vector<16xf32>
      %swap3A_276 = vector.shape_cast %broadcast_in_dim3A_271 : vector<16xf32> to vector<1x16xf32>
      tpu.vector_store %arg8[%swap3A_272, %swap3A_273], %swap3A_276 {strides = array<i32>} : memref<128x128xf32, #tpu.memory_space<vmem>>, vector<1x16xf32>,
      %broadcast_in_dim3A_277 = arith.constant 0.000000e+00 : f32
      %broadcast_in_dim3A_278 = vector.broadcast %broadcast_in_dim3A_277 : f32 to vector<16xf32>
      %swap3A_279 = arith.index_cast %scan3A_250 : i32 to index
      %swap3A_280 = arith.constant 64 : index
      %swap3A_281 = tpu.vector_load %arg8[%swap3A_279, %swap3A_280] {strides = array<i32>} : memref<128x128xf32, #tpu.memory_space<vmem>>, vector<1x16xf32>,
      %swap3A_282 = vector.shape_cast %swap3A_281 : vector<1x16xf32> to vector<16xf32>
      %swap3A_283 = vector.shape_cast %broadcast_in_dim3A_278 : vector<16xf32> to vector<1x16xf32>
      tpu.vector_store %arg8[%swap3A_279, %swap3A_280], %swap3A_283 {strides = array<i32>} : memref<128x128xf32, #tpu.memory_space<vmem>>, vector<1x16xf32>,
      %broadcast_in_dim3A_284 = arith.constant 0.000000e+00 : f32
      %broadcast_in_dim3A_285 = vector.broadcast %broadcast_in_dim3A_284 : f32 to vector<16xf32>
      %swap3A_286 = arith.index_cast %scan3A_250 : i32 to index
      %swap3A_287 = arith.constant 80 : index
      %swap3A_288 = tpu.vector_load %arg8[%swap3A_286, %swap3A_287] {strides = array<i32>} : memref<128x128xf32, #tpu.memory_space<vmem>>, vector<1x16xf32>,
      %swap3A_289 = vector.shape_cast %swap3A_288 : vector<1x16xf32> to vector<16xf32>
      %swap3A_290 = vector.shape_cast %broadcast_in_dim3A_285 : vector<16xf32> to vector<1x16xf32>
      tpu.vector_store %arg8[%swap3A_286, %swap3A_287], %swap3A_290 {strides = array<i32>} : memref<128x128xf32, #tpu.memory_space<vmem>>, vector<1x16xf32>,
      %broadcast_in_dim3A_291 = arith.constant 0.000000e+00 : f32
      %broadcast_in_dim3A_292 = vector.broadcast %broadcast_in_dim3A_291 : f32 to vector<16xf32>
      %swap3A_293 = arith.index_cast %scan3A_250 : i32 to index
      %swap3A_294 = arith.constant 96 : index
      %swap3A_295 = tpu.vector_load %arg8[%swap3A_293, %swap3A_294] {strides = array<i32>} : memref<128x128xf32, #tpu.memory_space<vmem>>, vector<1x16xf32>,
      %swap3A_296 = vector.shape_cast %swap3A_295 : vector<1x16xf32> to vector<16xf32>
      %swap3A_297 = vector.shape_cast %broadcast_in_dim3A_292 : vector<16xf32> to vector<1x16xf32>
      tpu.vector_store %arg8[%swap3A_293, %swap3A_294], %swap3A_297 {strides = array<i32>} : memref<128x128xf32, #tpu.memory_space<vmem>>, vector<1x16xf32>,
      %broadcast_in_dim3A_298 = arith.constant 0.000000e+00 : f32
      %broadcast_in_dim3A_299 = vector.broadcast %broadcast_in_dim3A_298 : f32 to vector<16xf32>
      %swap3A_300 = arith.index_cast %scan3A_250 : i32 to index
      %swap3A_301 = arith.constant 112 : index
      %swap3A_302 = tpu.vector_load %arg8[%swap3A_300, %swap3A_301] {strides = array<i32>} : memref<128x128xf32, #tpu.memory_space<vmem>>, vector<1x16xf32>,
      %swap3A_303 = vector.shape_cast %swap3A_302 : vector<1x16xf32> to vector<16xf32>
      %swap3A_304 = vector.shape_cast %broadcast_in_dim3A_299 : vector<16xf32> to vector<1x16xf32>
      tpu.vector_store %arg8[%swap3A_300, %swap3A_301], %swap3A_304 {strides = array<i32>} : memref<128x128xf32, #tpu.memory_space<vmem>>, vector<1x16xf32>,
    }
    %scan3A_10 = arith.constant 128 : i32
    %mul3A_11 = arith.constant 640 : i32
    %mul3A_12 = arith.muli %arg1, %mul3A_11 : i32
    %add3A_13 = arith.constant 0 : i32
    %add3A_14 = arith.addi %mul3A_12, %add3A_13 : i32
    %dma_start3A_15 = arith.constant 0 : i32
    %dma_start3A_16 = tpu.memref_slice %arg10[%add3A_14, %dma_start3A_15] : memref<10240x128xf32, #tpu.memory_space<vmem_shared>> -> memref<128x128xf32, #tpu.memory_space<vmem_shared>>
    %dma_start3A_17 = arith.constant 0 : i32
    %dma_start3A_18 = tpu.memref_slice %arg10[%add3A_14, %dma_start3A_17] : memref<10240x128xf32, #tpu.memory_space<vmem_shared>> -> memref<128x128xf32, #tpu.memory_space<vmem_shared>>
    tpu.enqueue_dma source(%arg8 : memref<128x128xf32, #tpu.memory_space<vmem>>) target(%dma_start3A_18 : memref<128x128xf32, #tpu.memory_space<vmem_shared>>) target_semaphore(%arg11 : memref<!tpu.dma_semaphore, #tpu.memory_space<semaphore_mem>>)
    %mul3A_19 = arith.constant 640 : i32
    %mul3A_20 = arith.muli %arg1, %mul3A_19 : i32
    %add3A_21 = arith.constant 128 : i32
    %add3A_22 = arith.addi %mul3A_20, %add3A_21 : i32
    %dma_start3A_23 = arith.constant 0 : i32
    %dma_start3A_24 = tpu.memref_slice %arg10[%add3A_22, %dma_start3A_23] : memref<10240x128xf32, #tpu.memory_space<vmem_shared>> -> memref<128x128xf32, #tpu.memory_space<vmem_shared>>
    %dma_start3A_25 = arith.constant 0 : i32
    %dma_start3A_26 = tpu.memref_slice %arg10[%add3A_22, %dma_start3A_25] : memref<10240x128xf32, #tpu.memory_space<vmem_shared>> -> memref<128x128xf32, #tpu.memory_space<vmem_shared>>
    tpu.enqueue_dma source(%arg8 : memref<128x128xf32, #tpu.memory_space<vmem>>) target(%dma_start3A_26 : memref<128x128xf32, #tpu.memory_space<vmem_shared>>) target_semaphore(%arg11 : memref<!tpu.dma_semaphore, #tpu.memory_space<semaphore_mem>>)
    %mul3A_27 = arith.constant 640 : i32
    %mul3A_28 = arith.muli %arg1, %mul3A_27 : i32
    %add3A_29 = arith.constant 256 : i32
    %add3A_30 = arith.addi %mul3A_28, %add3A_29 : i32
    %dma_start3A_31 = arith.constant 0 : i32
    %dma_start3A_32 = tpu.memref_slice %arg10[%add3A_30, %dma_start3A_31] : memref<10240x128xf32, #tpu.memory_space<vmem_shared>> -> memref<128x128xf32, #tpu.memory_space<vmem_shared>>
    %dma_start3A_33 = arith.constant 0 : i32
    %dma_start3A_34 = tpu.memref_slice %arg10[%add3A_30, %dma_start3A_33] : memref<10240x128xf32, #tpu.memory_space<vmem_shared>> -> memref<128x128xf32, #tpu.memory_space<vmem_shared>>
    tpu.enqueue_dma source(%arg8 : memref<128x128xf32, #tpu.memory_space<vmem>>) target(%dma_start3A_34 : memref<128x128xf32, #tpu.memory_space<vmem_shared>>) target_semaphore(%arg11 : memref<!tpu.dma_semaphore, #tpu.memory_space<semaphore_mem>>)
    %mul3A_35 = arith.constant 640 : i32
    %mul3A_36 = arith.muli %arg1, %mul3A_35 : i32
    %add3A_37 = arith.constant 384 : i32
    %add3A_38 = arith.addi %mul3A_36, %add3A_37 : i32
    %dma_start3A_39 = arith.constant 0 : i32
    %dma_start3A_40 = tpu.memref_slice %arg10[%add3A_38, %dma_start3A_39] : memref<10240x128xf32, #tpu.memory_space<vmem_shared>> -> memref<128x128xf32, #tpu.memory_space<vmem_shared>>
    %dma_start3A_41 = arith.constant 0 : i32
    %dma_start3A_42 = tpu.memref_slice %arg10[%add3A_38, %dma_start3A_41] : memref<10240x128xf32, #tpu.memory_space<vmem_shared>> -> memref<128x128xf32, #tpu.memory_space<vmem_shared>>
    tpu.enqueue_dma source(%arg8 : memref<128x128xf32, #tpu.memory_space<vmem>>) target(%dma_start3A_42 : memref<128x128xf32, #tpu.memory_space<vmem_shared>>) target_semaphore(%arg11 : memref<!tpu.dma_semaphore, #tpu.memory_space<semaphore_mem>>)
    %mul3A_43 = arith.constant 640 : i32
    %mul3A_44 = arith.muli %arg1, %mul3A_43 : i32
    %add3A_45 = arith.constant 512 : i32
    %add3A_46 = arith.addi %mul3A_44, %add3A_45 : i32
    %dma_start3A_47 = arith.constant 0 : i32
    %dma_start3A_48 = tpu.memref_slice %arg10[%add3A_46, %dma_start3A_47] : memref<10240x128xf32, #tpu.memory_space<vmem_shared>> -> memref<128x128xf32, #tpu.memory_space<vmem_shared>>
    %dma_start3A_49 = arith.constant 0 : i32
    %dma_start3A_50 = tpu.memref_slice %arg10[%add3A_46, %dma_start3A_49] : memref<10240x128xf32, #tpu.memory_space<vmem_shared>> -> memref<128x128xf32, #tpu.memory_space<vmem_shared>>
    tpu.enqueue_dma source(%arg8 : memref<128x128xf32, #tpu.memory_space<vmem>>) target(%dma_start3A_50 : memref<128x128xf32, #tpu.memory_space<vmem_shared>>) target_semaphore(%arg11 : memref<!tpu.dma_semaphore, #tpu.memory_space<semaphore_mem>>)
    %mul3A_51 = arith.constant 640 : i32
    %mul3A_52 = arith.muli %arg1, %mul3A_51 : i32
    %add3A_53 = arith.constant 0 : i32
    %add3A_54 = arith.addi %mul3A_52, %add3A_53 : i32
    %dma_wait3A = arith.constant 0 : i32
    %dma_wait3A_55 = tpu.memref_slice %arg10[%add3A_54, %dma_wait3A] : memref<10240x128xf32, #tpu.memory_space<vmem_shared>> -> memref<128x128xf32, #tpu.memory_space<vmem_shared>>
    %dma_wait3A_56 = arith.constant 0 : i32
    %dma_wait3A_57 = tpu.memref_slice %arg10[%add3A_54, %dma_wait3A_56] : memref<10240x128xf32, #tpu.memory_space<vmem_shared>> -> memref<128x128xf32, #tpu.memory_space<vmem_shared>>
    tpu.wait_dma2 semaphore(%arg11 : memref<!tpu.dma_semaphore, #tpu.memory_space<semaphore_mem>>) src(%arg8 : memref<128x128xf32, #tpu.memory_space<vmem>>) dst(%dma_wait3A_57 : memref<128x128xf32, #tpu.memory_space<vmem_shared>>)
    %mul3A_58 = arith.constant 640 : i32
    %mul3A_59 = arith.muli %arg1, %mul3A_58 : i32
    %add3A_60 = arith.constant 128 : i32
    %add3A_61 = arith.addi %mul3A_59, %add3A_60 : i32
    %dma_wait3A_62 = arith.constant 0 : i32
    %dma_wait3A_63 = tpu.memref_slice %arg10[%add3A_61, %dma_wait3A_62] : memref<10240x128xf32, #tpu.memory_space<vmem_shared>> -> memref<128x128xf32, #tpu.memory_space<vmem_shared>>
    %dma_wait3A_64 = arith.constant 0 : i32
    %dma_wait3A_65 = tpu.memref_slice %arg10[%add3A_61, %dma_wait3A_64] : memref<10240x128xf32, #tpu.memory_space<vmem_shared>> -> memref<128x128xf32, #tpu.memory_space<vmem_shared>>
    tpu.wait_dma2 semaphore(%arg11 : memref<!tpu.dma_semaphore, #tpu.memory_space<semaphore_mem>>) src(%arg8 : memref<128x128xf32, #tpu.memory_space<vmem>>) dst(%dma_wait3A_65 : memref<128x128xf32, #tpu.memory_space<vmem_shared>>)
    %mul3A_66 = arith.constant 640 : i32
    %mul3A_67 = arith.muli %arg1, %mul3A_66 : i32
    %add3A_68 = arith.constant 256 : i32
    %add3A_69 = arith.addi %mul3A_67, %add3A_68 : i32
    %dma_wait3A_70 = arith.constant 0 : i32
    %dma_wait3A_71 = tpu.memref_slice %arg10[%add3A_69, %dma_wait3A_70] : memref<10240x128xf32, #tpu.memory_space<vmem_shared>> -> memref<128x128xf32, #tpu.memory_space<vmem_shared>>
    %dma_wait3A_72 = arith.constant 0 : i32
    %dma_wait3A_73 = tpu.memref_slice %arg10[%add3A_69, %dma_wait3A_72] : memref<10240x128xf32, #tpu.memory_space<vmem_shared>> -> memref<128x128xf32, #tpu.memory_space<vmem_shared>>
    tpu.wait_dma2 semaphore(%arg11 : memref<!tpu.dma_semaphore, #tpu.memory_space<semaphore_mem>>) src(%arg8 : memref<128x128xf32, #tpu.memory_space<vmem>>) dst(%dma_wait3A_73 : memref<128x128xf32, #tpu.memory_space<vmem_shared>>)
    %mul3A_74 = arith.constant 640 : i32
    %mul3A_75 = arith.muli %arg1, %mul3A_74 : i32
    %add3A_76 = arith.constant 384 : i32
    %add3A_77 = arith.addi %mul3A_75, %add3A_76 : i32
    %dma_wait3A_78 = arith.constant 0 : i32
    %dma_wait3A_79 = tpu.memref_slice %arg10[%add3A_77, %dma_wait3A_78] : memref<10240x128xf32, #tpu.memory_space<vmem_shared>> -> memref<128x128xf32, #tpu.memory_space<vmem_shared>>
    %dma_wait3A_80 = arith.constant 0 : i32
    %dma_wait3A_81 = tpu.memref_slice %arg10[%add3A_77, %dma_wait3A_80] : memref<10240x128xf32, #tpu.memory_space<vmem_shared>> -> memref<128x128xf32, #tpu.memory_space<vmem_shared>>
    tpu.wait_dma2 semaphore(%arg11 : memref<!tpu.dma_semaphore, #tpu.memory_space<semaphore_mem>>) src(%arg8 : memref<128x128xf32, #tpu.memory_space<vmem>>) dst(%dma_wait3A_81 : memref<128x128xf32, #tpu.memory_space<vmem_shared>>)
    %mul3A_82 = arith.constant 640 : i32
    %mul3A_83 = arith.muli %arg1, %mul3A_82 : i32
    %add3A_84 = arith.constant 512 : i32
    %add3A_85 = arith.addi %mul3A_83, %add3A_84 : i32
    %dma_wait3A_86 = arith.constant 0 : i32
    %dma_wait3A_87 = tpu.memref_slice %arg10[%add3A_85, %dma_wait3A_86] : memref<10240x128xf32, #tpu.memory_space<vmem_shared>> -> memref<128x128xf32, #tpu.memory_space<vmem_shared>>
    %dma_wait3A_88 = arith.constant 0 : i32
    %dma_wait3A_89 = tpu.memref_slice %arg10[%add3A_85, %dma_wait3A_88] : memref<10240x128xf32, #tpu.memory_space<vmem_shared>> -> memref<128x128xf32, #tpu.memory_space<vmem_shared>>
    tpu.wait_dma2 semaphore(%arg11 : memref<!tpu.dma_semaphore, #tpu.memory_space<semaphore_mem>>) src(%arg8 : memref<128x128xf32, #tpu.memory_space<vmem>>) dst(%dma_wait3A_89 : memref<128x128xf32, #tpu.memory_space<vmem_shared>>)
    %dma_wait3A_90 = arith.constant 0 : i32
    %dma_wait3A_91 = tpu.memref_slice %arg2[%add3A, %dma_wait3A_90] : memref<32x10112xi32, #tpu.memory_space<hbm>> -> memref<1x10112xi32, #tpu.memory_space<hbm>>
    %dma_wait3A_92 = tpu.memref_squeeze %dma_wait3A_91 : memref<1x10112xi32, #tpu.memory_space<hbm>> -> memref<10112xi32, #tpu.memory_space<hbm>>
    %dma_wait3A_93 = arith.constant 0 : i32
    %dma_wait3A_94 = tpu.memref_slice %arg2[%add3A, %dma_wait3A_93] : memref<32x10112xi32, #tpu.memory_space<hbm>> -> memref<1x10112xi32, #tpu.memory_space<hbm>>
    %dma_wait3A_95 = tpu.memref_squeeze %dma_wait3A_94 : memref<1x10112xi32, #tpu.memory_space<hbm>> -> memref<10112xi32, #tpu.memory_space<hbm>>
    tpu.wait_dma2 semaphore(%arg13 : memref<!tpu.dma_semaphore, #tpu.memory_space<semaphore_mem>>) src(%dma_wait3A_95 : memref<10112xi32, #tpu.memory_space<hbm>>) dst(%arg6 : memref<10112xi32, #tpu.memory_space<vmem>>)
    %dma_start3A_96 = arith.constant 0 : i32
    %dma_start3A_97 = tpu.memref_slice %arg6[%dma_start3A_96] : memref<10112xi32, #tpu.memory_space<vmem>> -> memref<128xi32, #tpu.memory_space<vmem>>
    %dma_start3A_98 = arith.constant 0 : i32
    %dma_start3A_99 = arith.constant 0 : i32
    %dma_start3A_100 = tpu.memref_slice %arg4[%dma_start3A_98, %dma_start3A_99] : memref<10000x128xf32, #tpu.memory_space<hbm>> -> memref<10000x128xf32, #tpu.memory_space<hbm>>
    tpu.enqueue_indirect_dma source(%dma_start3A_100 : memref<10000x128xf32, #tpu.memory_space<hbm>>) target(%arg8 : memref<128x128xf32, #tpu.memory_space<vmem>>) offsets(%dma_start3A_97 : memref<128xi32, #tpu.memory_space<vmem>>) semaphore(%arg11 : memref<!tpu.dma_semaphore, #tpu.memory_space<semaphore_mem>>)
    %dma_start3A_101 = arith.constant 0 : i32
    %dma_start3A_102 = arith.constant 0 : i32
    %dma_start3A_103 = arith.constant 0 : i32
    %dma_start3A_104 = arith.constant 0 : i32
    %dma_start3A_105 = tpu.memref_slice %arg7[%dma_start3A_102, %dma_start3A_103, %dma_start3A_104] : memref<2x1x128xi32, #tpu.memory_space<vmem>> -> memref<1x1x128xi32, #tpu.memory_space<vmem>>
    %dma_start3A_106 = tpu.memref_squeeze %dma_start3A_105 : memref<1x1x128xi32, #tpu.memory_space<vmem>> -> memref<1x128xi32, #tpu.memory_space<vmem>>
    %dma_start3A_107 = arith.constant 0 : i32
    %dma_start3A_108 = arith.constant 0 : i32
    %dma_start3A_109 = tpu.memref_slice %arg3[%add3A, %dma_start3A_101, %dma_start3A_107, %dma_start3A_108] : memref<32x79x1x128xi32, #tpu.memory_space<hbm>> -> memref<1x1x1x128xi32, #tpu.memory_space<hbm>>
    %dma_start3A_110 = tpu.memref_squeeze %dma_start3A_109 : memref<1x1x1x128xi32, #tpu.memory_space<hbm>> -> memref<1x128xi32, #tpu.memory_space<hbm>>
    %dma_start3A_111 = arith.constant 0 : i32
    %dma_start3A_112 = arith.constant 0 : i32
    %dma_start3A_113 = tpu.memref_slice %arg7[%dma_start3A_102, %dma_start3A_111, %dma_start3A_112] : memref<2x1x128xi32, #tpu.memory_space<vmem>> -> memref<1x1x128xi32, #tpu.memory_space<vmem>>
    %dma_start3A_114 = tpu.memref_squeeze %dma_start3A_113 : memref<1x1x128xi32, #tpu.memory_space<vmem>> -> memref<1x128xi32, #tpu.memory_space<vmem>>
    %dma_start3A_115 = arith.constant 0 : i32
    %dma_start3A_116 = arith.constant 0 : i32
    %dma_start3A_117 = tpu.memref_slice %arg3[%add3A, %dma_start3A_101, %dma_start3A_115, %dma_start3A_116] : memref<32x79x1x128xi32, #tpu.memory_space<hbm>> -> memref<1x1x1x128xi32, #tpu.memory_space<hbm>>
    %dma_start3A_118 = tpu.memref_squeeze %dma_start3A_117 : memref<1x1x1x128xi32, #tpu.memory_space<hbm>> -> memref<1x128xi32, #tpu.memory_space<hbm>>
    tpu.enqueue_dma source(%dma_start3A_118 : memref<1x128xi32, #tpu.memory_space<hbm>>) target(%dma_start3A_114 : memref<1x128xi32, #tpu.memory_space<vmem>>) target_semaphore(%arg13 : memref<!tpu.dma_semaphore, #tpu.memory_space<semaphore_mem>>)
    %dma_start3A_119 = arith.constant 128 : i32
    %dma_start3A_120 = tpu.memref_slice %arg6[%dma_start3A_119] : memref<10112xi32, #tpu.memory_space<vmem>> -> memref<128xi32, #tpu.memory_space<vmem>>
    %dma_start3A_121 = arith.constant 0 : i32
    %dma_start3A_122 = arith.constant 0 : i32
    %dma_start3A_123 = tpu.memref_slice %arg4[%dma_start3A_121, %dma_start3A_122] : memref<10000x128xf32, #tpu.memory_space<hbm>> -> memref<10000x128xf32, #tpu.memory_space<hbm>>
    tpu.enqueue_indirect_dma source(%dma_start3A_123 : memref<10000x128xf32, #tpu.memory_space<hbm>>) target(%arg9 : memref<128x128xf32, #tpu.memory_space<vmem>>) offsets(%dma_start3A_120 : memref<128xi32, #tpu.memory_space<vmem>>) semaphore(%arg12 : memref<!tpu.dma_semaphore, #tpu.memory_space<semaphore_mem>>)
    %dma_start3A_124 = arith.constant 1 : i32
    %dma_start3A_125 = arith.constant 1 : i32
    %dma_start3A_126 = arith.constant 0 : i32
    %dma_start3A_127 = arith.constant 0 : i32
    %dma_start3A_128 = tpu.memref_slice %arg7[%dma_start3A_125, %dma_start3A_126, %dma_start3A_127] : memref<2x1x128xi32, #tpu.memory_space<vmem>> -> memref<1x1x128xi32, #tpu.memory_space<vmem>>
    %dma_start3A_129 = tpu.memref_squeeze %dma_start3A_128 : memref<1x1x128xi32, #tpu.memory_space<vmem>> -> memref<1x128xi32, #tpu.memory_space<vmem>>
    %dma_start3A_130 = arith.constant 0 : i32
    %dma_start3A_131 = arith.constant 0 : i32
    %dma_start3A_132 = tpu.memref_slice %arg3[%add3A, %dma_start3A_124, %dma_start3A_130, %dma_start3A_131] : memref<32x79x1x128xi32, #tpu.memory_space<hbm>> -> memref<1x1x1x128xi32, #tpu.memory_space<hbm>>
    %dma_start3A_133 = tpu.memref_squeeze %dma_start3A_132 : memref<1x1x1x128xi32, #tpu.memory_space<hbm>> -> memref<1x128xi32, #tpu.memory_space<hbm>>
    %dma_start3A_134 = arith.constant 0 : i32
    %dma_start3A_135 = arith.constant 0 : i32
    %dma_start3A_136 = tpu.memref_slice %arg7[%dma_start3A_125, %dma_start3A_134, %dma_start3A_135] : memref<2x1x128xi32, #tpu.memory_space<vmem>> -> memref<1x1x128xi32, #tpu.memory_space<vmem>>
    %dma_start3A_137 = tpu.memref_squeeze %dma_start3A_136 : memref<1x1x128xi32, #tpu.memory_space<vmem>> -> memref<1x128xi32, #tpu.memory_space<vmem>>
    %dma_start3A_138 = arith.constant 0 : i32
    %dma_start3A_139 = arith.constant 0 : i32
    %dma_start3A_140 = tpu.memref_slice %arg3[%add3A, %dma_start3A_124, %dma_start3A_138, %dma_start3A_139] : memref<32x79x1x128xi32, #tpu.memory_space<hbm>> -> memref<1x1x1x128xi32, #tpu.memory_space<hbm>>
    %dma_start3A_141 = tpu.memref_squeeze %dma_start3A_140 : memref<1x1x1x128xi32, #tpu.memory_space<hbm>> -> memref<1x128xi32, #tpu.memory_space<hbm>>
    tpu.enqueue_dma source(%dma_start3A_141 : memref<1x128xi32, #tpu.memory_space<hbm>>) target(%dma_start3A_137 : memref<1x128xi32, #tpu.memory_space<vmem>>) target_semaphore(%arg14 : memref<!tpu.dma_semaphore, #tpu.memory_space<semaphore_mem>>)
    %barrier3A = arith.constant 0 : index
    tpu.barrier barrier_id(%barrier3A)
    %scan3A_142 = arith.constant 0 : i32
    %scan3A_143 = arith.constant 0 : i32
    %scan3A_144 = arith.constant 38 : i32
    %scan3A_145 = arith.addi %scan3A_143, %scan3A_144 : i32
    %scan3A_146 = arith.constant 1 : i32
    scf.for %scan3A_250 = %scan3A_143 to %scan3A_145 step %scan3A_146  : i32 {
      %mul3A_251 = arith.constant 2 : i32
      %mul3A_252 = arith.muli %mul3A_251, %scan3A_250 : i32
      %mul3A_253 = arith.constant 128 : i32
      %mul3A_254 = arith.muli %mul3A_252, %mul3A_253 : i32
      %dma_wait3A_255 = tpu.memref_slice %arg6[%mul3A_254] : memref<10112xi32, #tpu.memory_space<vmem>> -> memref<128xi32, #tpu.memory_space<vmem>>
      %dma_wait3A_256 = arith.constant 0 : i32
      %dma_wait3A_257 = arith.constant 0 : i32
      %dma_wait3A_258 = tpu.memref_slice %arg4[%dma_wait3A_256, %dma_wait3A_257] : memref<10000x128xf32, #tpu.memory_space<hbm>> -> memref<10000x128xf32, #tpu.memory_space<hbm>>
      tpu.wait_indirect_dma semaphore(%arg11 : memref<!tpu.dma_semaphore, #tpu.memory_space<semaphore_mem>>) src(%dma_wait3A_258 : memref<10000x128xf32, #tpu.memory_space<hbm>>) dst(%arg8 : memref<128x128xf32, #tpu.memory_space<vmem>>)
      %dma_wait3A_259 = arith.constant 0 : i32
      %dma_wait3A_260 = arith.constant 0 : i32
      %dma_wait3A_261 = arith.constant 0 : i32
      %dma_wait3A_262 = tpu.memref_slice %arg7[%dma_wait3A_259, %dma_wait3A_260, %dma_wait3A_261] : memref<2x1x128xi32, #tpu.memory_space<vmem>> -> memref<1x1x128xi32, #tpu.memory_space<vmem>>
      %dma_wait3A_263 = tpu.memref_squeeze %dma_wait3A_262 : memref<1x1x128xi32, #tpu.memory_space<vmem>> -> memref<1x128xi32, #tpu.memory_space<vmem>>
      %dma_wait3A_264 = arith.constant 0 : i32
      %dma_wait3A_265 = arith.constant 0 : i32
      %dma_wait3A_266 = tpu.memref_slice %arg3[%add3A, %mul3A_252, %dma_wait3A_264, %dma_wait3A_265] : memref<32x79x1x128xi32, #tpu.memory_space<hbm>> -> memref<1x1x1x128xi32, #tpu.memory_space<hbm>>
      %dma_wait3A_267 = tpu.memref_squeeze %dma_wait3A_266 : memref<1x1x1x128xi32, #tpu.memory_space<hbm>> -> memref<1x128xi32, #tpu.memory_space<hbm>>
      %dma_wait3A_268 = arith.constant 0 : i32
      %dma_wait3A_269 = arith.constant 0 : i32
      %dma_wait3A_270 = tpu.memref_slice %arg7[%dma_wait3A_259, %dma_wait3A_268, %dma_wait3A_269] : memref<2x1x128xi32, #tpu.memory_space<vmem>> -> memref<1x1x128xi32, #tpu.memory_space<vmem>>
      %dma_wait3A_271 = tpu.memref_squeeze %dma_wait3A_270 : memref<1x1x128xi32, #tpu.memory_space<vmem>> -> memref<1x128xi32, #tpu.memory_space<vmem>>
      %dma_wait3A_272 = arith.constant 0 : i32
      %dma_wait3A_273 = arith.constant 0 : i32
      %dma_wait3A_274 = tpu.memref_slice %arg3[%add3A, %mul3A_252, %dma_wait3A_272, %dma_wait3A_273] : memref<32x79x1x128xi32, #tpu.memory_space<hbm>> -> memref<1x1x1x128xi32, #tpu.memory_space<hbm>>
      %dma_wait3A_275 = tpu.memref_squeeze %dma_wait3A_274 : memref<1x1x1x128xi32, #tpu.memory_space<hbm>> -> memref<1x128xi32, #tpu.memory_space<hbm>>
      tpu.wait_dma2 semaphore(%arg13 : memref<!tpu.dma_semaphore, #tpu.memory_space<semaphore_mem>>) src(%dma_wait3A_275 : memref<1x128xi32, #tpu.memory_space<hbm>>) dst(%dma_wait3A_271 : memref<1x128xi32, #tpu.memory_space<vmem>>)
      %run_scoped3A_276 = arith.constant 0 : i32
      %run_scoped3A_277 = arith.constant 0 : i32
      "tpu.region"() ({
        %run_scoped3A_355 = tpu.sem_alloc : memref<!tpu.dma_semaphore, #tpu.memory_space<semaphore_mem>>
        %dma_start3A_356 = arith.constant 0 : i32
        %dma_start3A_357 = tpu.memref_slice %arg7[%run_scoped3A_276, %run_scoped3A_277, %dma_start3A_356] : memref<2x1x128xi32, #tpu.memory_space<vmem>> -> memref<1x1x128xi32, #tpu.memory_space<vmem>>
        %dma_start3A_358 = tpu.memref_squeeze %dma_start3A_357 : memref<1x1x128xi32, #tpu.memory_space<vmem>> -> memref<128xi32, #tpu.memory_space<vmem>>
        %dma_start3A_359 = arith.constant 0 : i32
        %dma_start3A_360 = arith.constant 0 : i32
        %dma_start3A_361 = tpu.memref_slice %arg10[%dma_start3A_359, %dma_start3A_360] : memref<10240x128xf32, #tpu.memory_space<vmem_shared>> -> memref<10240x128xf32, #tpu.memory_space<vmem_shared>>
        tpu.enqueue_indirect_dma source(%arg8 : memref<128x128xf32, #tpu.memory_space<vmem>>) target(%dma_start3A_361 : memref<10240x128xf32, #tpu.memory_space<vmem_shared>>) offsets(%dma_start3A_358 : memref<128xi32, #tpu.memory_space<vmem>>) semaphore(%run_scoped3A_355 : memref<!tpu.dma_semaphore, #tpu.memory_space<semaphore_mem>>) {add = true}
        %dma_wait3A_362 = arith.constant 0 : i32
        %dma_wait3A_363 = tpu.memref_slice %arg7[%run_scoped3A_276, %run_scoped3A_277, %dma_wait3A_362] : memref<2x1x128xi32, #tpu.memory_space<vmem>> -> memref<1x1x128xi32, #tpu.memory_space<vmem>>
        %dma_wait3A_364 = tpu.memref_squeeze %dma_wait3A_363 : memref<1x1x128xi32, #tpu.memory_space<vmem>> -> memref<128xi32, #tpu.memory_space<vmem>>
        %dma_wait3A_365 = arith.constant 0 : i32
        %dma_wait3A_366 = arith.constant 0 : i32
        %dma_wait3A_367 = tpu.memref_slice %arg10[%dma_wait3A_365, %dma_wait3A_366] : memref<10240x128xf32, #tpu.memory_space<vmem_shared>> -> memref<10240x128xf32, #tpu.memory_space<vmem_shared>>
        tpu.wait_indirect_dma semaphore(%run_scoped3A_355 : memref<!tpu.dma_semaphore, #tpu.memory_space<semaphore_mem>>) src(%arg8 : memref<128x128xf32, #tpu.memory_space<vmem>>) dst(%dma_wait3A_367 : memref<10240x128xf32, #tpu.memory_space<vmem_shared>>)
        tpu.yield
      }) : () -> ()
      %add3A_278 = arith.constant 2 : i32
      %add3A_279 = arith.addi %mul3A_252, %add3A_278 : i32
      %mul3A_280 = arith.constant 128 : i32
      %mul3A_281 = arith.muli %add3A_279, %mul3A_280 : i32
      %dma_start3A_282 = tpu.memref_slice %arg6[%mul3A_281] : memref<10112xi32, #tpu.memory_space<vmem>> -> memref<128xi32, #tpu.memory_space<vmem>>
      %dma_start3A_283 = arith.constant 0 : i32
      %dma_start3A_284 = arith.constant 0 : i32
      %dma_start3A_285 = tpu.memref_slice %arg4[%dma_start3A_283, %dma_start3A_284] : memref<10000x128xf32, #tpu.memory_space<hbm>> -> memref<10000x128xf32, #tpu.memory_space<hbm>>
      tpu.enqueue_indirect_dma source(%dma_start3A_285 : memref<10000x128xf32, #tpu.memory_space<hbm>>) target(%arg8 : memref<128x128xf32, #tpu.memory_space<vmem>>) offsets(%dma_start3A_282 : memref<128xi32, #tpu.memory_space<vmem>>) semaphore(%arg11 : memref<!tpu.dma_semaphore, #tpu.memory_space<semaphore_mem>>)
      %dma_start3A_286 = arith.constant 0 : i32
      %dma_start3A_287 = arith.constant 0 : i32
      %dma_start3A_288 = arith.constant 0 : i32
      %dma_start3A_289 = tpu.memref_slice %arg7[%dma_start3A_286, %dma_start3A_287, %dma_start3A_288] : memref<2x1x128xi32, #tpu.memory_space<vmem>> -> memref<1x1x128xi32, #tpu.memory_space<vmem>>
      %dma_start3A_290 = tpu.memref_squeeze %dma_start3A_289 : memref<1x1x128xi32, #tpu.memory_space<vmem>> -> memref<1x128xi32, #tpu.memory_space<vmem>>
      %dma_start3A_291 = arith.constant 0 : i32
      %dma_start3A_292 = arith.constant 0 : i32
      %dma_start3A_293 = tpu.memref_slice %arg3[%add3A, %add3A_279, %dma_start3A_291, %dma_start3A_292] : memref<32x79x1x128xi32, #tpu.memory_space<hbm>> -> memref<1x1x1x128xi32, #tpu.memory_space<hbm>>
      %dma_start3A_294 = tpu.memref_squeeze %dma_start3A_293 : memref<1x1x1x128xi32, #tpu.memory_space<hbm>> -> memref<1x128xi32, #tpu.memory_space<hbm>>
      %dma_start3A_295 = arith.constant 0 : i32
      %dma_start3A_296 = arith.constant 0 : i32
      %dma_start3A_297 = tpu.memref_slice %arg7[%dma_start3A_286, %dma_start3A_295, %dma_start3A_296] : memref<2x1x128xi32, #tpu.memory_space<vmem>> -> memref<1x1x128xi32, #tpu.memory_space<vmem>>
      %dma_start3A_298 = tpu.memref_squeeze %dma_start3A_297 : memref<1x1x128xi32, #tpu.memory_space<vmem>> -> memref<1x128xi32, #tpu.memory_space<vmem>>
      %dma_start3A_299 = arith.constant 0 : i32
      %dma_start3A_300 = arith.constant 0 : i32
      %dma_start3A_301 = tpu.memref_slice %arg3[%add3A, %add3A_279, %dma_start3A_299, %dma_start3A_300] : memref<32x79x1x128xi32, #tpu.memory_space<hbm>> -> memref<1x1x1x128xi32, #tpu.memory_space<hbm>>
      %dma_start3A_302 = tpu.memref_squeeze %dma_start3A_301 : memref<1x1x1x128xi32, #tpu.memory_space<hbm>> -> memref<1x128xi32, #tpu.memory_space<hbm>>
      tpu.enqueue_dma source(%dma_start3A_302 : memref<1x128xi32, #tpu.memory_space<hbm>>) target(%dma_start3A_298 : memref<1x128xi32, #tpu.memory_space<vmem>>) target_semaphore(%arg13 : memref<!tpu.dma_semaphore, #tpu.memory_space<semaphore_mem>>)
      %add3A_303 = arith.constant 1 : i32
      %add3A_304 = arith.addi %mul3A_252, %add3A_303 : i32
      %mul3A_305 = arith.constant 128 : i32
      %mul3A_306 = arith.muli %add3A_304, %mul3A_305 : i32
      %dma_wait3A_307 = tpu.memref_slice %arg6[%mul3A_306] : memref<10112xi32, #tpu.memory_space<vmem>> -> memref<128xi32, #tpu.memory_space<vmem>>
      %dma_wait3A_308 = arith.constant 0 : i32
      %dma_wait3A_309 = arith.constant 0 : i32
      %dma_wait3A_310 = tpu.memref_slice %arg4[%dma_wait3A_308, %dma_wait3A_309] : memref<10000x128xf32, #tpu.memory_space<hbm>> -> memref<10000x128xf32, #tpu.memory_space<hbm>>
      tpu.wait_indirect_dma semaphore(%arg12 : memref<!tpu.dma_semaphore, #tpu.memory_space<semaphore_mem>>) src(%dma_wait3A_310 : memref<10000x128xf32, #tpu.memory_space<hbm>>) dst(%arg9 : memref<128x128xf32, #tpu.memory_space<vmem>>)
      %dma_wait3A_311 = arith.constant 1 : i32
      %dma_wait3A_312 = arith.constant 0 : i32
      %dma_wait3A_313 = arith.constant 0 : i32
      %dma_wait3A_314 = tpu.memref_slice %arg7[%dma_wait3A_311, %dma_wait3A_312, %dma_wait3A_313] : memref<2x1x128xi32, #tpu.memory_space<vmem>> -> memref<1x1x128xi32, #tpu.memory_space<vmem>>
      %dma_wait3A_315 = tpu.memref_squeeze %dma_wait3A_314 : memref<1x1x128xi32, #tpu.memory_space<vmem>> -> memref<1x128xi32, #tpu.memory_space<vmem>>
      %dma_wait3A_316 = arith.constant 0 : i32
      %dma_wait3A_317 = arith.constant 0 : i32
      %dma_wait3A_318 = tpu.memref_slice %arg3[%add3A, %add3A_304, %dma_wait3A_316, %dma_wait3A_317] : memref<32x79x1x128xi32, #tpu.memory_space<hbm>> -> memref<1x1x1x128xi32, #tpu.memory_space<hbm>>
      %dma_wait3A_319 = tpu.memref_squeeze %dma_wait3A_318 : memref<1x1x1x128xi32, #tpu.memory_space<hbm>> -> memref<1x128xi32, #tpu.memory_space<hbm>>
      %dma_wait3A_320 = arith.constant 0 : i32
      %dma_wait3A_321 = arith.constant 0 : i32
      %dma_wait3A_322 = tpu.memref_slice %arg7[%dma_wait3A_311, %dma_wait3A_320, %dma_wait3A_321] : memref<2x1x128xi32, #tpu.memory_space<vmem>> -> memref<1x1x128xi32, #tpu.memory_space<vmem>>
      %dma_wait3A_323 = tpu.memref_squeeze %dma_wait3A_322 : memref<1x1x128xi32, #tpu.memory_space<vmem>> -> memref<1x128xi32, #tpu.memory_space<vmem>>
      %dma_wait3A_324 = arith.constant 0 : i32
      %dma_wait3A_325 = arith.constant 0 : i32
      %dma_wait3A_326 = tpu.memref_slice %arg3[%add3A, %add3A_304, %dma_wait3A_324, %dma_wait3A_325] : memref<32x79x1x128xi32, #tpu.memory_space<hbm>> -> memref<1x1x1x128xi32, #tpu.memory_space<hbm>>
      %dma_wait3A_327 = tpu.memref_squeeze %dma_wait3A_326 : memref<1x1x1x128xi32, #tpu.memory_space<hbm>> -> memref<1x128xi32, #tpu.memory_space<hbm>>
      tpu.wait_dma2 semaphore(%arg14 : memref<!tpu.dma_semaphore, #tpu.memory_space<semaphore_mem>>) src(%dma_wait3A_327 : memref<1x128xi32, #tpu.memory_space<hbm>>) dst(%dma_wait3A_323 : memref<1x128xi32, #tpu.memory_space<vmem>>)
      %run_scoped3A_328 = arith.constant 1 : i32
      %run_scoped3A_329 = arith.constant 0 : i32
      "tpu.region"() ({
        %run_scoped3A_355 = tpu.sem_alloc : memref<!tpu.dma_semaphore, #tpu.memory_space<semaphore_mem>>
        %dma_start3A_356 = arith.constant 0 : i32
        %dma_start3A_357 = tpu.memref_slice %arg7[%run_scoped3A_328, %run_scoped3A_329, %dma_start3A_356] : memref<2x1x128xi32, #tpu.memory_space<vmem>> -> memref<1x1x128xi32, #tpu.memory_space<vmem>>
        %dma_start3A_358 = tpu.memref_squeeze %dma_start3A_357 : memref<1x1x128xi32, #tpu.memory_space<vmem>> -> memref<128xi32, #tpu.memory_space<vmem>>
        %dma_start3A_359 = arith.constant 0 : i32
        %dma_start3A_360 = arith.constant 0 : i32
        %dma_start3A_361 = tpu.memref_slice %arg10[%dma_start3A_359, %dma_start3A_360] : memref<10240x128xf32, #tpu.memory_space<vmem_shared>> -> memref<10240x128xf32, #tpu.memory_space<vmem_shared>>
        tpu.enqueue_indirect_dma source(%arg9 : memref<128x128xf32, #tpu.memory_space<vmem>>) target(%dma_start3A_361 : memref<10240x128xf32, #tpu.memory_space<vmem_shared>>) offsets(%dma_start3A_358 : memref<128xi32, #tpu.memory_space<vmem>>) semaphore(%run_scoped3A_355 : memref<!tpu.dma_semaphore, #tpu.memory_space<semaphore_mem>>) {add = true}
        %dma_wait3A_362 = arith.constant 0 : i32
        %dma_wait3A_363 = tpu.memref_slice %arg7[%run_scoped3A_328, %run_scoped3A_329, %dma_wait3A_362] : memref<2x1x128xi32, #tpu.memory_space<vmem>> -> memref<1x1x128xi32, #tpu.memory_space<vmem>>
        %dma_wait3A_364 = tpu.memref_squeeze %dma_wait3A_363 : memref<1x1x128xi32, #tpu.memory_space<vmem>> -> memref<128xi32, #tpu.memory_space<vmem>>
        %dma_wait3A_365 = arith.constant 0 : i32
        %dma_wait3A_366 = arith.constant 0 : i32
        %dma_wait3A_367 = tpu.memref_slice %arg10[%dma_wait3A_365, %dma_wait3A_366] : memref<10240x128xf32, #tpu.memory_space<vmem_shared>> -> memref<10240x128xf32, #tpu.memory_space<vmem_shared>>
        tpu.wait_indirect_dma semaphore(%run_scoped3A_355 : memref<!tpu.dma_semaphore, #tpu.memory_space<semaphore_mem>>) src(%arg9 : memref<128x128xf32, #tpu.memory_space<vmem>>) dst(%dma_wait3A_367 : memref<10240x128xf32, #tpu.memory_space<vmem_shared>>)
        tpu.yield
      }) : () -> ()
      %add3A_330 = arith.constant 3 : i32
      %add3A_331 = arith.addi %mul3A_252, %add3A_330 : i32
      %mul3A_332 = arith.constant 128 : i32
      %mul3A_333 = arith.muli %add3A_331, %mul3A_332 : i32
      %dma_start3A_334 = tpu.memref_slice %arg6[%mul3A_333] : memref<10112xi32, #tpu.memory_space<vmem>> -> memref<128xi32, #tpu.memory_space<vmem>>
      %dma_start3A_335 = arith.constant 0 : i32
      %dma_start3A_336 = arith.constant 0 : i32
      %dma_start3A_337 = tpu.memref_slice %arg4[%dma_start3A_335, %dma_start3A_336] : memref<10000x128xf32, #tpu.memory_space<hbm>> -> memref<10000x128xf32, #tpu.memory_space<hbm>>
      tpu.enqueue_indirect_dma source(%dma_start3A_337 : memref<10000x128xf32, #tpu.memory_space<hbm>>) target(%arg9 : memref<128x128xf32, #tpu.memory_space<vmem>>) offsets(%dma_start3A_334 : memref<128xi32, #tpu.memory_space<vmem>>) semaphore(%arg12 : memref<!tpu.dma_semaphore, #tpu.memory_space<semaphore_mem>>)
      %dma_start3A_338 = arith.constant 1 : i32
      %dma_start3A_339 = arith.constant 0 : i32
      %dma_start3A_340 = arith.constant 0 : i32
      %dma_start3A_341 = tpu.memref_slice %arg7[%dma_start3A_338, %dma_start3A_339, %dma_start3A_340] : memref<2x1x128xi32, #tpu.memory_space<vmem>> -> memref<1x1x128xi32, #tpu.memory_space<vmem>>
      %dma_start3A_342 = tpu.memref_squeeze %dma_start3A_341 : memref<1x1x128xi32, #tpu.memory_space<vmem>> -> memref<1x128xi32, #tpu.memory_space<vmem>>
      %dma_start3A_343 = arith.constant 0 : i32
      %dma_start3A_344 = arith.constant 0 : i32
      %dma_start3A_345 = tpu.memref_slice %arg3[%add3A, %add3A_331, %dma_start3A_343, %dma_start3A_344] : memref<32x79x1x128xi32, #tpu.memory_space<hbm>> -> memref<1x1x1x128xi32, #tpu.memory_space<hbm>>
      %dma_start3A_346 = tpu.memref_squeeze %dma_start3A_345 : memref<1x1x1x128xi32, #tpu.memory_space<hbm>> -> memref<1x128xi32, #tpu.memory_space<hbm>>
      %dma_start3A_347 = arith.constant 0 : i32
      %dma_start3A_348 = arith.constant 0 : i32
      %dma_start3A_349 = tpu.memref_slice %arg7[%dma_start3A_338, %dma_start3A_347, %dma_start3A_348] : memref<2x1x128xi32, #tpu.memory_space<vmem>> -> memref<1x1x128xi32, #tpu.memory_space<vmem>>
      %dma_start3A_350 = tpu.memref_squeeze %dma_start3A_349 : memref<1x1x128xi32, #tpu.memory_space<vmem>> -> memref<1x128xi32, #tpu.memory_space<vmem>>
      %dma_start3A_351 = arith.constant 0 : i32
      %dma_start3A_352 = arith.constant 0 : i32
      %dma_start3A_353 = tpu.memref_slice %arg3[%add3A, %add3A_331, %dma_start3A_351, %dma_start3A_352] : memref<32x79x1x128xi32, #tpu.memory_space<hbm>> -> memref<1x1x1x128xi32, #tpu.memory_space<hbm>>
      %dma_start3A_354 = tpu.memref_squeeze %dma_start3A_353 : memref<1x1x1x128xi32, #tpu.memory_space<hbm>> -> memref<1x128xi32, #tpu.memory_space<hbm>>
      tpu.enqueue_dma source(%dma_start3A_354 : memref<1x128xi32, #tpu.memory_space<hbm>>) target(%dma_start3A_350 : memref<1x128xi32, #tpu.memory_space<vmem>>) target_semaphore(%arg14 : memref<!tpu.dma_semaphore, #tpu.memory_space<semaphore_mem>>)
    }
    %scan3A_147 = arith.constant 38 : i32
    %dma_wait3A_148 = arith.constant 9728 : i32
    %dma_wait3A_149 = tpu.memref_slice %arg6[%dma_wait3A_148] : memref<10112xi32, #tpu.memory_space<vmem>> -> memref<128xi32, #tpu.memory_space<vmem>>
    %dma_wait3A_150 = arith.constant 0 : i32
    %dma_wait3A_151 = arith.constant 0 : i32
    %dma_wait3A_152 = tpu.memref_slice %arg4[%dma_wait3A_150, %dma_wait3A_151] : memref<10000x128xf32, #tpu.memory_space<hbm>> -> memref<10000x128xf32, #tpu.memory_space<hbm>>
    tpu.wait_indirect_dma semaphore(%arg11 : memref<!tpu.dma_semaphore, #tpu.memory_space<semaphore_mem>>) src(%dma_wait3A_152 : memref<10000x128xf32, #tpu.memory_space<hbm>>) dst(%arg8 : memref<128x128xf32, #tpu.memory_space<vmem>>)
    %dma_wait3A_153 = arith.constant 76 : i32
    %dma_wait3A_154 = arith.constant 0 : i32
    %dma_wait3A_155 = arith.constant 0 : i32
    %dma_wait3A_156 = arith.constant 0 : i32
    %dma_wait3A_157 = tpu.memref_slice %arg7[%dma_wait3A_154, %dma_wait3A_155, %dma_wait3A_156] : memref<2x1x128xi32, #tpu.memory_space<vmem>> -> memref<1x1x128xi32, #tpu.memory_space<vmem>>
    %dma_wait3A_158 = tpu.memref_squeeze %dma_wait3A_157 : memref<1x1x128xi32, #tpu.memory_space<vmem>> -> memref<1x128xi32, #tpu.memory_space<vmem>>
    %dma_wait3A_159 = arith.constant 0 : i32
    %dma_wait3A_160 = arith.constant 0 : i32
    %dma_wait3A_161 = tpu.memref_slice %arg3[%add3A, %dma_wait3A_153, %dma_wait3A_159, %dma_wait3A_160] : memref<32x79x1x128xi32, #tpu.memory_space<hbm>> -> memref<1x1x1x128xi32, #tpu.memory_space<hbm>>
    %dma_wait3A_162 = tpu.memref_squeeze %dma_wait3A_161 : memref<1x1x1x128xi32, #tpu.memory_space<hbm>> -> memref<1x128xi32, #tpu.memory_space<hbm>>
    %dma_wait3A_163 = arith.constant 0 : i32
    %dma_wait3A_164 = arith.constant 0 : i32
    %dma_wait3A_165 = tpu.memref_slice %arg7[%dma_wait3A_154, %dma_wait3A_163, %dma_wait3A_164] : memref<2x1x128xi32, #tpu.memory_space<vmem>> -> memref<1x1x128xi32, #tpu.memory_space<vmem>>
    %dma_wait3A_166 = tpu.memref_squeeze %dma_wait3A_165 : memref<1x1x128xi32, #tpu.memory_space<vmem>> -> memref<1x128xi32, #tpu.memory_space<vmem>>
    %dma_wait3A_167 = arith.constant 0 : i32
    %dma_wait3A_168 = arith.constant 0 : i32
    %dma_wait3A_169 = tpu.memref_slice %arg3[%add3A, %dma_wait3A_153, %dma_wait3A_167, %dma_wait3A_168] : memref<32x79x1x128xi32, #tpu.memory_space<hbm>> -> memref<1x1x1x128xi32, #tpu.memory_space<hbm>>
    %dma_wait3A_170 = tpu.memref_squeeze %dma_wait3A_169 : memref<1x1x1x128xi32, #tpu.memory_space<hbm>> -> memref<1x128xi32, #tpu.memory_space<hbm>>
    tpu.wait_dma2 semaphore(%arg13 : memref<!tpu.dma_semaphore, #tpu.memory_space<semaphore_mem>>) src(%dma_wait3A_170 : memref<1x128xi32, #tpu.memory_space<hbm>>) dst(%dma_wait3A_166 : memref<1x128xi32, #tpu.memory_space<vmem>>)
    %run_scoped3A = arith.constant 0 : i32
    %run_scoped3A_171 = arith.constant 0 : i32
    "tpu.region"() ({
      %run_scoped3A_250 = tpu.sem_alloc : memref<!tpu.dma_semaphore, #tpu.memory_space<semaphore_mem>>
      %dma_start3A_251 = arith.constant 0 : i32
      %dma_start3A_252 = tpu.memref_slice %arg7[%run_scoped3A, %run_scoped3A_171, %dma_start3A_251] : memref<2x1x128xi32, #tpu.memory_space<vmem>> -> memref<1x1x128xi32, #tpu.memory_space<vmem>>
      %dma_start3A_253 = tpu.memref_squeeze %dma_start3A_252 : memref<1x1x128xi32, #tpu.memory_space<vmem>> -> memref<128xi32, #tpu.memory_space<vmem>>
      %dma_start3A_254 = arith.constant 0 : i32
      %dma_start3A_255 = arith.constant 0 : i32
      %dma_start3A_256 = tpu.memref_slice %arg10[%dma_start3A_254, %dma_start3A_255] : memref<10240x128xf32, #tpu.memory_space<vmem_shared>> -> memref<10240x128xf32, #tpu.memory_space<vmem_shared>>
      tpu.enqueue_indirect_dma source(%arg8 : memref<128x128xf32, #tpu.memory_space<vmem>>) target(%dma_start3A_256 : memref<10240x128xf32, #tpu.memory_space<vmem_shared>>) offsets(%dma_start3A_253 : memref<128xi32, #tpu.memory_space<vmem>>) semaphore(%run_scoped3A_250 : memref<!tpu.dma_semaphore, #tpu.memory_space<semaphore_mem>>) {add = true}
      %dma_wait3A_257 = arith.constant 0 : i32
      %dma_wait3A_258 = tpu.memref_slice %arg7[%run_scoped3A, %run_scoped3A_171, %dma_wait3A_257] : memref<2x1x128xi32, #tpu.memory_space<vmem>> -> memref<1x1x128xi32, #tpu.memory_space<vmem>>
      %dma_wait3A_259 = tpu.memref_squeeze %dma_wait3A_258 : memref<1x1x128xi32, #tpu.memory_space<vmem>> -> memref<128xi32, #tpu.memory_space<vmem>>
      %dma_wait3A_260 = arith.constant 0 : i32
      %dma_wait3A_261 = arith.constant 0 : i32
      %dma_wait3A_262 = tpu.memref_slice %arg10[%dma_wait3A_260, %dma_wait3A_261] : memref<10240x128xf32, #tpu.memory_space<vmem_shared>> -> memref<10240x128xf32, #tpu.memory_space<vmem_shared>>
      tpu.wait_indirect_dma semaphore(%run_scoped3A_250 : memref<!tpu.dma_semaphore, #tpu.memory_space<semaphore_mem>>) src(%arg8 : memref<128x128xf32, #tpu.memory_space<vmem>>) dst(%dma_wait3A_262 : memref<10240x128xf32, #tpu.memory_space<vmem_shared>>)
      tpu.yield
    }) : () -> ()
    %dma_start3A_172 = arith.constant 9984 : i32
    %dma_start3A_173 = tpu.memref_slice %arg6[%dma_start3A_172] : memref<10112xi32, #tpu.memory_space<vmem>> -> memref<128xi32, #tpu.memory_space<vmem>>
    %dma_start3A_174 = arith.constant 0 : i32
    %dma_start3A_175 = arith.constant 0 : i32
    %dma_start3A_176 = tpu.memref_slice %arg4[%dma_start3A_174, %dma_start3A_175] : memref<10000x128xf32, #tpu.memory_space<hbm>> -> memref<10000x128xf32, #tpu.memory_space<hbm>>
    tpu.enqueue_indirect_dma source(%dma_start3A_176 : memref<10000x128xf32, #tpu.memory_space<hbm>>) target(%arg8 : memref<128x128xf32, #tpu.memory_space<vmem>>) offsets(%dma_start3A_173 : memref<128xi32, #tpu.memory_space<vmem>>) semaphore(%arg11 : memref<!tpu.dma_semaphore, #tpu.memory_space<semaphore_mem>>)
    %dma_start3A_177 = arith.constant 78 : i32
    %dma_start3A_178 = arith.constant 0 : i32
    %dma_start3A_179 = arith.constant 0 : i32
    %dma_start3A_180 = arith.constant 0 : i32
    %dma_start3A_181 = tpu.memref_slice %arg7[%dma_start3A_178, %dma_start3A_179, %dma_start3A_180] : memref<2x1x128xi32, #tpu.memory_space<vmem>> -> memref<1x1x128xi32, #tpu.memory_space<vmem>>
    %dma_start3A_182 = tpu.memref_squeeze %dma_start3A_181 : memref<1x1x128xi32, #tpu.memory_space<vmem>> -> memref<1x128xi32, #tpu.memory_space<vmem>>
    %dma_start3A_183 = arith.constant 0 : i32
    %dma_start3A_184 = arith.constant 0 : i32
    %dma_start3A_185 = tpu.memref_slice %arg3[%add3A, %dma_start3A_177, %dma_start3A_183, %dma_start3A_184] : memref<32x79x1x128xi32, #tpu.memory_space<hbm>> -> memref<1x1x1x128xi32, #tpu.memory_space<hbm>>
    %dma_start3A_186 = tpu.memref_squeeze %dma_start3A_185 : memref<1x1x1x128xi32, #tpu.memory_space<hbm>> -> memref<1x128xi32, #tpu.memory_space<hbm>>
    %dma_start3A_187 = arith.constant 0 : i32
    %dma_start3A_188 = arith.constant 0 : i32
    %dma_start3A_189 = tpu.memref_slice %arg7[%dma_start3A_178, %dma_start3A_187, %dma_start3A_188] : memref<2x1x128xi32, #tpu.memory_space<vmem>> -> memref<1x1x128xi32, #tpu.memory_space<vmem>>
    %dma_start3A_190 = tpu.memref_squeeze %dma_start3A_189 : memref<1x1x128xi32, #tpu.memory_space<vmem>> -> memref<1x128xi32, #tpu.memory_space<vmem>>
    %dma_start3A_191 = arith.constant 0 : i32
    %dma_start3A_192 = arith.constant 0 : i32
    %dma_start3A_193 = tpu.memref_slice %arg3[%add3A, %dma_start3A_177, %dma_start3A_191, %dma_start3A_192] : memref<32x79x1x128xi32, #tpu.memory_space<hbm>> -> memref<1x1x1x128xi32, #tpu.memory_space<hbm>>
    %dma_start3A_194 = tpu.memref_squeeze %dma_start3A_193 : memref<1x1x1x128xi32, #tpu.memory_space<hbm>> -> memref<1x128xi32, #tpu.memory_space<hbm>>
    tpu.enqueue_dma source(%dma_start3A_194 : memref<1x128xi32, #tpu.memory_space<hbm>>) target(%dma_start3A_190 : memref<1x128xi32, #tpu.memory_space<vmem>>) target_semaphore(%arg13 : memref<!tpu.dma_semaphore, #tpu.memory_space<semaphore_mem>>)
    %dma_wait3A_195 = arith.constant 9856 : i32
    %dma_wait3A_196 = tpu.memref_slice %arg6[%dma_wait3A_195] : memref<10112xi32, #tpu.memory_space<vmem>> -> memref<128xi32, #tpu.memory_space<vmem>>
    %dma_wait3A_197 = arith.constant 0 : i32
    %dma_wait3A_198 = arith.constant 0 : i32
    %dma_wait3A_199 = tpu.memref_slice %arg4[%dma_wait3A_197, %dma_wait3A_198] : memref<10000x128xf32, #tpu.memory_space<hbm>> -> memref<10000x128xf32, #tpu.memory_space<hbm>>
    tpu.wait_indirect_dma semaphore(%arg12 : memref<!tpu.dma_semaphore, #tpu.memory_space<semaphore_mem>>) src(%dma_wait3A_199 : memref<10000x128xf32, #tpu.memory_space<hbm>>) dst(%arg9 : memref<128x128xf32, #tpu.memory_space<vmem>>)
    %dma_wait3A_200 = arith.constant 77 : i32
    %dma_wait3A_201 = arith.constant 1 : i32
    %dma_wait3A_202 = arith.constant 0 : i32
    %dma_wait3A_203 = arith.constant 0 : i32
    %dma_wait3A_204 = tpu.memref_slice %arg7[%dma_wait3A_201, %dma_wait3A_202, %dma_wait3A_203] : memref<2x1x128xi32, #tpu.memory_space<vmem>> -> memref<1x1x128xi32, #tpu.memory_space<vmem>>
    %dma_wait3A_205 = tpu.memref_squeeze %dma_wait3A_204 : memref<1x1x128xi32, #tpu.memory_space<vmem>> -> memref<1x128xi32, #tpu.memory_space<vmem>>
    %dma_wait3A_206 = arith.constant 0 : i32
    %dma_wait3A_207 = arith.constant 0 : i32
    %dma_wait3A_208 = tpu.memref_slice %arg3[%add3A, %dma_wait3A_200, %dma_wait3A_206, %dma_wait3A_207] : memref<32x79x1x128xi32, #tpu.memory_space<hbm>> -> memref<1x1x1x128xi32, #tpu.memory_space<hbm>>
    %dma_wait3A_209 = tpu.memref_squeeze %dma_wait3A_208 : memref<1x1x1x128xi32, #tpu.memory_space<hbm>> -> memref<1x128xi32, #tpu.memory_space<hbm>>
    %dma_wait3A_210 = arith.constant 0 : i32
    %dma_wait3A_211 = arith.constant 0 : i32
    %dma_wait3A_212 = tpu.memref_slice %arg7[%dma_wait3A_201, %dma_wait3A_210, %dma_wait3A_211] : memref<2x1x128xi32, #tpu.memory_space<vmem>> -> memref<1x1x128xi32, #tpu.memory_space<vmem>>
    %dma_wait3A_213 = tpu.memref_squeeze %dma_wait3A_212 : memref<1x1x128xi32, #tpu.memory_space<vmem>> -> memref<1x128xi32, #tpu.memory_space<vmem>>
    %dma_wait3A_214 = arith.constant 0 : i32
    %dma_wait3A_215 = arith.constant 0 : i32
    %dma_wait3A_216 = tpu.memref_slice %arg3[%add3A, %dma_wait3A_200, %dma_wait3A_214, %dma_wait3A_215] : memref<32x79x1x128xi32, #tpu.memory_space<hbm>> -> memref<1x1x1x128xi32, #tpu.memory_space<hbm>>
    %dma_wait3A_217 = tpu.memref_squeeze %dma_wait3A_216 : memref<1x1x1x128xi32, #tpu.memory_space<hbm>> -> memref<1x128xi32, #tpu.memory_space<hbm>>
    tpu.wait_dma2 semaphore(%arg14 : memref<!tpu.dma_semaphore, #tpu.memory_space<semaphore_mem>>) src(%dma_wait3A_217 : memref<1x128xi32, #tpu.memory_space<hbm>>) dst(%dma_wait3A_213 : memref<1x128xi32, #tpu.memory_space<vmem>>)
    %run_scoped3A_218 = arith.constant 1 : i32
    %run_scoped3A_219 = arith.constant 0 : i32
    "tpu.region"() ({
      %run_scoped3A_250 = tpu.sem_alloc : memref<!tpu.dma_semaphore, #tpu.memory_space<semaphore_mem>>
      %dma_start3A_251 = arith.constant 0 : i32
      %dma_start3A_252 = tpu.memref_slice %arg7[%run_scoped3A_218, %run_scoped3A_219, %dma_start3A_251] : memref<2x1x128xi32, #tpu.memory_space<vmem>> -> memref<1x1x128xi32, #tpu.memory_space<vmem>>
      %dma_start3A_253 = tpu.memref_squeeze %dma_start3A_252 : memref<1x1x128xi32, #tpu.memory_space<vmem>> -> memref<128xi32, #tpu.memory_space<vmem>>
      %dma_start3A_254 = arith.constant 0 : i32
      %dma_start3A_255 = arith.constant 0 : i32
      %dma_start3A_256 = tpu.memref_slice %arg10[%dma_start3A_254, %dma_start3A_255] : memref<10240x128xf32, #tpu.memory_space<vmem_shared>> -> memref<10240x128xf32, #tpu.memory_space<vmem_shared>>
      tpu.enqueue_indirect_dma source(%arg9 : memref<128x128xf32, #tpu.memory_space<vmem>>) target(%dma_start3A_256 : memref<10240x128xf32, #tpu.memory_space<vmem_shared>>) offsets(%dma_start3A_253 : memref<128xi32, #tpu.memory_space<vmem>>) semaphore(%run_scoped3A_250 : memref<!tpu.dma_semaphore, #tpu.memory_space<semaphore_mem>>) {add = true}
      %dma_wait3A_257 = arith.constant 0 : i32
      %dma_wait3A_258 = tpu.memref_slice %arg7[%run_scoped3A_218, %run_scoped3A_219, %dma_wait3A_257] : memref<2x1x128xi32, #tpu.memory_space<vmem>> -> memref<1x1x128xi32, #tpu.memory_space<vmem>>
      %dma_wait3A_259 = tpu.memref_squeeze %dma_wait3A_258 : memref<1x1x128xi32, #tpu.memory_space<vmem>> -> memref<128xi32, #tpu.memory_space<vmem>>
      %dma_wait3A_260 = arith.constant 0 : i32
      %dma_wait3A_261 = arith.constant 0 : i32
      %dma_wait3A_262 = tpu.memref_slice %arg10[%dma_wait3A_260, %dma_wait3A_261] : memref<10240x128xf32, #tpu.memory_space<vmem_shared>> -> memref<10240x128xf32, #tpu.memory_space<vmem_shared>>
      tpu.wait_indirect_dma semaphore(%run_scoped3A_250 : memref<!tpu.dma_semaphore, #tpu.memory_space<semaphore_mem>>) src(%arg9 : memref<128x128xf32, #tpu.memory_space<vmem>>) dst(%dma_wait3A_262 : memref<10240x128xf32, #tpu.memory_space<vmem_shared>>)
      tpu.yield
    }) : () -> ()
    %dma_wait3A_220 = arith.constant 9984 : i32
    %dma_wait3A_221 = tpu.memref_slice %arg6[%dma_wait3A_220] : memref<10112xi32, #tpu.memory_space<vmem>> -> memref<128xi32, #tpu.memory_space<vmem>>
    %dma_wait3A_222 = arith.constant 0 : i32
    %dma_wait3A_223 = arith.constant 0 : i32
    %dma_wait3A_224 = tpu.memref_slice %arg4[%dma_wait3A_222, %dma_wait3A_223] : memref<10000x128xf32, #tpu.memory_space<hbm>> -> memref<10000x128xf32, #tpu.memory_space<hbm>>
    tpu.wait_indirect_dma semaphore(%arg11 : memref<!tpu.dma_semaphore, #tpu.memory_space<semaphore_mem>>) src(%dma_wait3A_224 : memref<10000x128xf32, #tpu.memory_space<hbm>>) dst(%arg8 : memref<128x128xf32, #tpu.memory_space<vmem>>)
    %dma_wait3A_225 = arith.constant 78 : i32
    %dma_wait3A_226 = arith.constant 0 : i32
    %dma_wait3A_227 = arith.constant 0 : i32
    %dma_wait3A_228 = arith.constant 0 : i32
    %dma_wait3A_229 = tpu.memref_slice %arg7[%dma_wait3A_226, %dma_wait3A_227, %dma_wait3A_228] : memref<2x1x128xi32, #tpu.memory_space<vmem>> -> memref<1x1x128xi32, #tpu.memory_space<vmem>>
    %dma_wait3A_230 = tpu.memref_squeeze %dma_wait3A_229 : memref<1x1x128xi32, #tpu.memory_space<vmem>> -> memref<1x128xi32, #tpu.memory_space<vmem>>
    %dma_wait3A_231 = arith.constant 0 : i32
    %dma_wait3A_232 = arith.constant 0 : i32
    %dma_wait3A_233 = tpu.memref_slice %arg3[%add3A, %dma_wait3A_225, %dma_wait3A_231, %dma_wait3A_232] : memref<32x79x1x128xi32, #tpu.memory_space<hbm>> -> memref<1x1x1x128xi32, #tpu.memory_space<hbm>>
    %dma_wait3A_234 = tpu.memref_squeeze %dma_wait3A_233 : memref<1x1x1x128xi32, #tpu.memory_space<hbm>> -> memref<1x128xi32, #tpu.memory_space<hbm>>
    %dma_wait3A_235 = arith.constant 0 : i32
    %dma_wait3A_236 = arith.constant 0 : i32
    %dma_wait3A_237 = tpu.memref_slice %arg7[%dma_wait3A_226, %dma_wait3A_235, %dma_wait3A_236] : memref<2x1x128xi32, #tpu.memory_space<vmem>> -> memref<1x1x128xi32, #tpu.memory_space<vmem>>
    %dma_wait3A_238 = tpu.memref_squeeze %dma_wait3A_237 : memref<1x1x128xi32, #tpu.memory_space<vmem>> -> memref<1x128xi32, #tpu.memory_space<vmem>>
    %dma_wait3A_239 = arith.constant 0 : i32
    %dma_wait3A_240 = arith.constant 0 : i32
    %dma_wait3A_241 = tpu.memref_slice %arg3[%add3A, %dma_wait3A_225, %dma_wait3A_239, %dma_wait3A_240] : memref<32x79x1x128xi32, #tpu.memory_space<hbm>> -> memref<1x1x1x128xi32, #tpu.memory_space<hbm>>
    %dma_wait3A_242 = tpu.memref_squeeze %dma_wait3A_241 : memref<1x1x1x128xi32, #tpu.memory_space<hbm>> -> memref<1x128xi32, #tpu.memory_space<hbm>>
    tpu.wait_dma2 semaphore(%arg13 : memref<!tpu.dma_semaphore, #tpu.memory_space<semaphore_mem>>) src(%dma_wait3A_242 : memref<1x128xi32, #tpu.memory_space<hbm>>) dst(%dma_wait3A_238 : memref<1x128xi32, #tpu.memory_space<vmem>>)
    %run_scoped3A_243 = arith.constant 0 : i32
    %run_scoped3A_244 = arith.constant 0 : i32
    "tpu.region"() ({
      %run_scoped3A_250 = tpu.sem_alloc : memref<!tpu.dma_semaphore, #tpu.memory_space<semaphore_mem>>
      %dma_start3A_251 = arith.constant 0 : i32
      %dma_start3A_252 = tpu.memref_slice %arg7[%run_scoped3A_243, %run_scoped3A_244, %dma_start3A_251] : memref<2x1x128xi32, #tpu.memory_space<vmem>> -> memref<1x1x128xi32, #tpu.memory_space<vmem>>
      %dma_start3A_253 = tpu.memref_squeeze %dma_start3A_252 : memref<1x1x128xi32, #tpu.memory_space<vmem>> -> memref<128xi32, #tpu.memory_space<vmem>>
      %dma_start3A_254 = arith.constant 0 : i32
      %dma_start3A_255 = arith.constant 0 : i32
      %dma_start3A_256 = tpu.memref_slice %arg10[%dma_start3A_254, %dma_start3A_255] : memref<10240x128xf32, #tpu.memory_space<vmem_shared>> -> memref<10240x128xf32, #tpu.memory_space<vmem_shared>>
      tpu.enqueue_indirect_dma source(%arg8 : memref<128x128xf32, #tpu.memory_space<vmem>>) target(%dma_start3A_256 : memref<10240x128xf32, #tpu.memory_space<vmem_shared>>) offsets(%dma_start3A_253 : memref<128xi32, #tpu.memory_space<vmem>>) semaphore(%run_scoped3A_250 : memref<!tpu.dma_semaphore, #tpu.memory_space<semaphore_mem>>) {add = true}
      %dma_wait3A_257 = arith.constant 0 : i32
      %dma_wait3A_258 = tpu.memref_slice %arg7[%run_scoped3A_243, %run_scoped3A_244, %dma_wait3A_257] : memref<2x1x128xi32, #tpu.memory_space<vmem>> -> memref<1x1x128xi32, #tpu.memory_space<vmem>>
      %dma_wait3A_259 = tpu.memref_squeeze %dma_wait3A_258 : memref<1x1x128xi32, #tpu.memory_space<vmem>> -> memref<128xi32, #tpu.memory_space<vmem>>
      %dma_wait3A_260 = arith.constant 0 : i32
      %dma_wait3A_261 = arith.constant 0 : i32
      %dma_wait3A_262 = tpu.memref_slice %arg10[%dma_wait3A_260, %dma_wait3A_261] : memref<10240x128xf32, #tpu.memory_space<vmem_shared>> -> memref<10240x128xf32, #tpu.memory_space<vmem_shared>>
      tpu.wait_indirect_dma semaphore(%run_scoped3A_250 : memref<!tpu.dma_semaphore, #tpu.memory_space<semaphore_mem>>) src(%arg8 : memref<128x128xf32, #tpu.memory_space<vmem>>) dst(%dma_wait3A_262 : memref<10240x128xf32, #tpu.memory_space<vmem_shared>>)
      tpu.yield
    }) : () -> ()
    %barrier3A_245 = arith.constant 0 : index
    tpu.barrier barrier_id(%barrier3A_245)
    %mul3A_246 = arith.constant 640 : i32
    %mul3A_247 = arith.muli %arg1, %mul3A_246 : i32
    %mul3A_248 = arith.constant 640 : i32
    %mul3A_249 = arith.muli %arg1, %mul3A_248 : i32
    "tpu.region"() ({
      %run_scoped3A_250 = tpu.sem_alloc : memref<!tpu.dma_semaphore, #tpu.memory_space<semaphore_mem>>
      %dma_start3A_251 = arith.constant 0 : i32
      %dma_start3A_252 = tpu.memref_slice %arg5[%arg0, %mul3A_249, %dma_start3A_251] : memref<2x10240x128xf32, #tpu.memory_space<hbm>> -> memref<1x640x128xf32, #tpu.memory_space<hbm>>
      %dma_start3A_253 = tpu.memref_squeeze %dma_start3A_252 : memref<1x640x128xf32, #tpu.memory_space<hbm>> -> memref<640x128xf32, #tpu.memory_space<hbm>>
      %dma_start3A_254 = arith.constant 0 : i32
      %dma_start3A_255 = tpu.memref_slice %arg10[%mul3A_247, %dma_start3A_254] : memref<10240x128xf32, #tpu.memory_space<vmem_shared>> -> memref<640x128xf32, #tpu.memory_space<vmem_shared>>
      tpu.enqueue_dma source(%dma_start3A_255 : memref<640x128xf32, #tpu.memory_space<vmem_shared>>) target(%dma_start3A_253 : memref<640x128xf32, #tpu.memory_space<hbm>>) target_semaphore(%run_scoped3A_250 : memref<!tpu.dma_semaphore, #tpu.memory_space<semaphore_mem>>)
      %dma_wait3A_256 = arith.constant 0 : i32
      %dma_wait3A_257 = tpu.memref_slice %arg5[%arg0, %mul3A_249, %dma_wait3A_256] : memref<2x10240x128xf32, #tpu.memory_space<hbm>> -> memref<1x640x128xf32, #tpu.memory_space<hbm>>
      %dma_wait3A_258 = tpu.memref_squeeze %dma_wait3A_257 : memref<1x640x128xf32, #tpu.memory_space<hbm>> -> memref<640x128xf32, #tpu.memory_space<hbm>>
      %dma_wait3A_259 = arith.constant 0 : i32
      %dma_wait3A_260 = tpu.memref_slice %arg10[%mul3A_247, %dma_wait3A_259] : memref<10240x128xf32, #tpu.memory_space<vmem_shared>> -> memref<640x128xf32, #tpu.memory_space<vmem_shared>>
      tpu.wait_dma2 semaphore(%run_scoped3A_250 : memref<!tpu.dma_semaphore, #tpu.memory_space<semaphore_mem>>) src(%dma_wait3A_260 : memref<640x128xf32, #tpu.memory_space<vmem_shared>>) dst(%dma_wait3A_258 : memref<640x128xf32, #tpu.memory_space<hbm>>)
      tpu.yield
    }) : () -> ()
    return
  }
}

#map = affine_map<(d0, d1) -> (0, 0)>
#map1 = affine_map<(d0, d1) -> (0, 0, 0, 0)>
#map2 = affine_map<(d0, d1) -> (0, 0, 0)>
module attributes {stable_mosaic.version = 14 : i64} {
  func.func @body(%arg0: i32, %arg1: i32, %arg2: memref<32x10112xi32, #tpu.memory_space<hbm>>, %arg3: memref<32x79x1x128xi32, #tpu.memory_space<hbm>>, %arg4: memref<10000x128xf32, #tpu.memory_space<hbm>>, %arg5: memref<2x10240x128xf32, #tpu.memory_space<hbm>>, %arg6: memref<10112xi32, #tpu.memory_space<vmem>>, %arg7: memref<2x1x128xi32, #tpu.memory_space<vmem>>, %arg8: memref<128x128xf32, #tpu.memory_space<vmem>>, %arg9: memref<128x128xf32, #tpu.memory_space<vmem>>, %arg10: memref<10240x128xf32, #tpu.memory_space<vmem_shared>>, %arg11: memref<!tpu.dma_semaphore, #tpu.memory_space<semaphore_mem>>, %arg12: memref<!tpu.dma_semaphore, #tpu.memory_space<semaphore_mem>>, %arg13: memref<!tpu.dma_semaphore, #tpu.memory_space<semaphore_mem>>, %arg14: memref<!tpu.dma_semaphore, #tpu.memory_space<semaphore_mem>>, %arg15: memref<!tpu.dma_semaphore, #tpu.memory_space<semaphore_mem>>) attributes {dimension_semantics = [#tpu.dimension_semantics<core_parallel>, #tpu.dimension_semantics<subcore_parallel>], iteration_bounds = array<i64: 2, 16>, scalar_prefetch = 0 : i64, scratch_operands = 10 : i64, tpu.core_type = #tpu.core_type<sc_vector_subcore>, window_params = [{transform_indices = #map}, {transform_indices = #map1}, {transform_indices = #map}, {transform_indices = #map2}]} {
    %mul3A = arith.constant 2 : i32
    %mul3A_0 = arith.muli %arg1, %mul3A : i32
    %add3A = arith.addi %mul3A_0, %arg0 : i32
    %dma_start3A = arith.constant 0 : i32
    %dma_start3A_1 = tpu.memref_slice %arg2[%add3A, %dma_start3A] : memref<32x10112xi32, #tpu.memory_space<hbm>> -> memref<1x10112xi32, #tpu.memory_space<hbm>>
    %dma_start3A_2 = tpu.memref_squeeze %dma_start3A_1 : memref<1x10112xi32, #tpu.memory_space<hbm>> -> memref<10112xi32, #tpu.memory_space<hbm>>
    %dma_start3A_3 = arith.constant 0 : i32
    %dma_start3A_4 = tpu.memref_slice %arg2[%add3A, %dma_start3A_3] : memref<32x10112xi32, #tpu.memory_space<hbm>> -> memref<1x10112xi32, #tpu.memory_space<hbm>>
    %dma_start3A_5 = tpu.memref_squeeze %dma_start3A_4 : memref<1x10112xi32, #tpu.memory_space<hbm>> -> memref<10112xi32, #tpu.memory_space<hbm>>
    tpu.enqueue_dma source(%dma_start3A_5 : memref<10112xi32, #tpu.memory_space<hbm>>) target(%arg6 : memref<10112xi32, #tpu.memory_space<vmem>>) target_semaphore(%arg13 : memref<!tpu.dma_semaphore, #tpu.memory_space<semaphore_mem>>)
    %scan3A = arith.constant 0 : i32
    %scan3A_6 = arith.constant 0 : i32
    %scan3A_7 = arith.constant 128 : i32
    %scan3A_8 = arith.addi %scan3A_6, %scan3A_7 : i32
    %scan3A_9 = arith.constant 1 : i32
    scf.for %scan3A_250 = %scan3A_6 to %scan3A_8 step %scan3A_9  : i32 {
      %broadcast_in_dim3A = arith.constant 0.000000e+00 : f32
      %broadcast_in_dim3A_251 = vector.broadcast %broadcast_in_dim3A : f32 to vector<16xf32>
      %swap3A = arith.index_cast %scan3A_250 : i32 to index
      %swap3A_252 = arith.constant 0 : index
      %swap3A_253 = tpu.vector_load %arg8[%swap3A, %swap3A_252] {strides = array<i32>} : memref<128x128xf32, #tpu.memory_space<vmem>>, vector<1x16xf32>,
      %swap3A_254 = vector.shape_cast %swap3A_253 : vector<1x16xf32> to vector<16xf32>
      %swap3A_255 = vector.shape_cast %broadcast_in_dim3A_251 : vector<16xf32> to vector<1x16xf32>
      tpu.vector_store %arg8[%swap3A, %swap3A_252], %swap3A_255 {strides = array<i32>} : memref<128x128xf32, #tpu.memory_space<vmem>>, vector<1x16xf32>,
      %broadcast_in_dim3A_256 = arith.constant 0.000000e+00 : f32
      %broadcast_in_dim3A_257 = vector.broadcast %broadcast_in_dim3A_256 : f32 to vector<16xf32>
      %swap3A_258 = arith.index_cast %scan3A_250 : i32 to index
      %swap3A_259 = arith.constant 16 : index
      %swap3A_260 = tpu.vector_load %arg8[%swap3A_258, %swap3A_259] {strides = array<i32>} : memref<128x128xf32, #tpu.memory_space<vmem>>, vector<1x16xf32>,
      %swap3A_261 = vector.shape_cast %swap3A_260 : vector<1x16xf32> to vector<16xf32>
      %swap3A_262 = vector.shape_cast %broadcast_in_dim3A_257 : vector<16xf32> to vector<1x16xf32>
      tpu.vector_store %arg8[%swap3A_258, %swap3A_259], %swap3A_262 {strides = array<i32>} : memref<128x128xf32, #tpu.memory_space<vmem>>, vector<1x16xf32>,
      %broadcast_in_dim3A_263 = arith.constant 0.000000e+00 : f32
      %broadcast_in_dim3A_264 = vector.broadcast %broadcast_in_dim3A_263 : f32 to vector<16xf32>
      %swap3A_265 = arith.index_cast %scan3A_250 : i32 to index
      %swap3A_266 = arith.constant 32 : index
      %swap3A_267 = tpu.vector_load %arg8[%swap3A_265, %swap3A_266] {strides = array<i32>} : memref<128x128xf32, #tpu.memory_space<vmem>>, vector<1x16xf32>,
      %swap3A_268 = vector.shape_cast %swap3A_267 : vector<1x16xf32> to vector<16xf32>
      %swap3A_269 = vector.shape_cast %broadcast_in_dim3A_264 : vector<16xf32> to vector<1x16xf32>
      tpu.vector_store %arg8[%swap3A_265, %swap3A_266], %swap3A_269 {strides = array<i32>} : memref<128x128xf32, #tpu.memory_space<vmem>>, vector<1x16xf32>,
      %broadcast_in_dim3A_270 = arith.constant 0.000000e+00 : f32
      %broadcast_in_dim3A_271 = vector.broadcast %broadcast_in_dim3A_270 : f32 to vector<16xf32>
      %swap3A_272 = arith.index_cast %scan3A_250 : i32 to index
      %swap3A_273 = arith.constant 48 : index
      %swap3A_274 = tpu.vector_load %arg8[%swap3A_272, %swap3A_273] {strides = array<i32>} : memref<128x128xf32, #tpu.memory_space<vmem>>, vector<1x16xf32>,
      %swap3A_275 = vector.shape_cast %swap3A_274 : vector<1x16xf32> to vector<16xf32>
      %swap3A_276 = vector.shape_cast %broadcast_in_dim3A_271 : vector<16xf32> to vector<1x16xf32>
      tpu.vector_store %arg8[%swap3A_272, %swap3A_273], %swap3A_276 {strides = array<i32>} : memref<128x128xf32, #tpu.memory_space<vmem>>, vector<1x16xf32>,
      %broadcast_in_dim3A_277 = arith.constant 0.000000e+00 : f32
      %broadcast_in_dim3A_278 = vector.broadcast %broadcast_in_dim3A_277 : f32 to vector<16xf32>
      %swap3A_279 = arith.index_cast %scan3A_250 : i32 to index
      %swap3A_280 = arith.constant 64 : index
      %swap3A_281 = tpu.vector_load %arg8[%swap3A_279, %swap3A_280] {strides = array<i32>} : memref<128x128xf32, #tpu.memory_space<vmem>>, vector<1x16xf32>,
      %swap3A_282 = vector.shape_cast %swap3A_281 : vector<1x16xf32> to vector<16xf32>
      %swap3A_283 = vector.shape_cast %broadcast_in_dim3A_278 : vector<16xf32> to vector<1x16xf32>
      tpu.vector_store %arg8[%swap3A_279, %swap3A_280], %swap3A_283 {strides = array<i32>} : memref<128x128xf32, #tpu.memory_space<vmem>>, vector<1x16xf32>,
      %broadcast_in_dim3A_284 = arith.constant 0.000000e+00 : f32
      %broadcast_in_dim3A_285 = vector.broadcast %broadcast_in_dim3A_284 : f32 to vector<16xf32>
      %swap3A_286 = arith.index_cast %scan3A_250 : i32 to index
      %swap3A_287 = arith.constant 80 : index
      %swap3A_288 = tpu.vector_load %arg8[%swap3A_286, %swap3A_287] {strides = array<i32>} : memref<128x128xf32, #tpu.memory_space<vmem>>, vector<1x16xf32>,
      %swap3A_289 = vector.shape_cast %swap3A_288 : vector<1x16xf32> to vector<16xf32>
      %swap3A_290 = vector.shape_cast %broadcast_in_dim3A_285 : vector<16xf32> to vector<1x16xf32>
      tpu.vector_store %arg8[%swap3A_286, %swap3A_287], %swap3A_290 {strides = array<i32>} : memref<128x128xf32, #tpu.memory_space<vmem>>, vector<1x16xf32>,
      %broadcast_in_dim3A_291 = arith.constant 0.000000e+00 : f32
      %broadcast_in_dim3A_292 = vector.broadcast %broadcast_in_dim3A_291 : f32 to vector<16xf32>
      %swap3A_293 = arith.index_cast %scan3A_250 : i32 to index
      %swap3A_294 = arith.constant 96 : index
      %swap3A_295 = tpu.vector_load %arg8[%swap3A_293, %swap3A_294] {strides = array<i32>} : memref<128x128xf32, #tpu.memory_space<vmem>>, vector<1x16xf32>,
      %swap3A_296 = vector.shape_cast %swap3A_295 : vector<1x16xf32> to vector<16xf32>
      %swap3A_297 = vector.shape_cast %broadcast_in_dim3A_292 : vector<16xf32> to vector<1x16xf32>
      tpu.vector_store %arg8[%swap3A_293, %swap3A_294], %swap3A_297 {strides = array<i32>} : memref<128x128xf32, #tpu.memory_space<vmem>>, vector<1x16xf32>,
      %broadcast_in_dim3A_298 = arith.constant 0.000000e+00 : f32
      %broadcast_in_dim3A_299 = vector.broadcast %broadcast_in_dim3A_298 : f32 to vector<16xf32>
      %swap3A_300 = arith.index_cast %scan3A_250 : i32 to index
      %swap3A_301 = arith.constant 112 : index
      %swap3A_302 = tpu.vector_load %arg8[%swap3A_300, %swap3A_301] {strides = array<i32>} : memref<128x128xf32, #tpu.memory_space<vmem>>, vector<1x16xf32>,
      %swap3A_303 = vector.shape_cast %swap3A_302 : vector<1x16xf32> to vector<16xf32>
      %swap3A_304 = vector.shape_cast %broadcast_in_dim3A_299 : vector<16xf32> to vector<1x16xf32>
      tpu.vector_store %arg8[%swap3A_300, %swap3A_301], %swap3A_304 {strides = array<i32>} : memref<128x128xf32, #tpu.memory_space<vmem>>, vector<1x16xf32>,
    }
    %scan3A_10 = arith.constant 128 : i32
    %mul3A_11 = arith.constant 640 : i32
    %mul3A_12 = arith.muli %arg1, %mul3A_11 : i32
    %add3A_13 = arith.constant 0 : i32
    %add3A_14 = arith.addi %mul3A_12, %add3A_13 : i32
    %dma_start3A_15 = arith.constant 0 : i32
    %dma_start3A_16 = tpu.memref_slice %arg10[%add3A_14, %dma_start3A_15] : memref<10240x128xf32, #tpu.memory_space<vmem_shared>> -> memref<128x128xf32, #tpu.memory_space<vmem_shared>>
    %dma_start3A_17 = arith.constant 0 : i32
    %dma_start3A_18 = tpu.memref_slice %arg10[%add3A_14, %dma_start3A_17] : memref<10240x128xf32, #tpu.memory_space<vmem_shared>> -> memref<128x128xf32, #tpu.memory_space<vmem_shared>>
    tpu.enqueue_dma source(%arg8 : memref<128x128xf32, #tpu.memory_space<vmem>>) target(%dma_start3A_18 : memref<128x128xf32, #tpu.memory_space<vmem_shared>>) target_semaphore(%arg11 : memref<!tpu.dma_semaphore, #tpu.memory_space<semaphore_mem>>)
    %mul3A_19 = arith.constant 640 : i32
    %mul3A_20 = arith.muli %arg1, %mul3A_19 : i32
    %add3A_21 = arith.constant 128 : i32
    %add3A_22 = arith.addi %mul3A_20, %add3A_21 : i32
    %dma_start3A_23 = arith.constant 0 : i32
    %dma_start3A_24 = tpu.memref_slice %arg10[%add3A_22, %dma_start3A_23] : memref<10240x128xf32, #tpu.memory_space<vmem_shared>> -> memref<128x128xf32, #tpu.memory_space<vmem_shared>>
    %dma_start3A_25 = arith.constant 0 : i32
    %dma_start3A_26 = tpu.memref_slice %arg10[%add3A_22, %dma_start3A_25] : memref<10240x128xf32, #tpu.memory_space<vmem_shared>> -> memref<128x128xf32, #tpu.memory_space<vmem_shared>>
    tpu.enqueue_dma source(%arg8 : memref<128x128xf32, #tpu.memory_space<vmem>>) target(%dma_start3A_26 : memref<128x128xf32, #tpu.memory_space<vmem_shared>>) target_semaphore(%arg11 : memref<!tpu.dma_semaphore, #tpu.memory_space<semaphore_mem>>)
    %mul3A_27 = arith.constant 640 : i32
    %mul3A_28 = arith.muli %arg1, %mul3A_27 : i32
    %add3A_29 = arith.constant 256 : i32
    %add3A_30 = arith.addi %mul3A_28, %add3A_29 : i32
    %dma_start3A_31 = arith.constant 0 : i32
    %dma_start3A_32 = tpu.memref_slice %arg10[%add3A_30, %dma_start3A_31] : memref<10240x128xf32, #tpu.memory_space<vmem_shared>> -> memref<128x128xf32, #tpu.memory_space<vmem_shared>>
    %dma_start3A_33 = arith.constant 0 : i32
    %dma_start3A_34 = tpu.memref_slice %arg10[%add3A_30, %dma_start3A_33] : memref<10240x128xf32, #tpu.memory_space<vmem_shared>> -> memref<128x128xf32, #tpu.memory_space<vmem_shared>>
    tpu.enqueue_dma source(%arg8 : memref<128x128xf32, #tpu.memory_space<vmem>>) target(%dma_start3A_34 : memref<128x128xf32, #tpu.memory_space<vmem_shared>>) target_semaphore(%arg11 : memref<!tpu.dma_semaphore, #tpu.memory_space<semaphore_mem>>)
    %mul3A_35 = arith.constant 640 : i32
    %mul3A_36 = arith.muli %arg1, %mul3A_35 : i32
    %add3A_37 = arith.constant 384 : i32
    %add3A_38 = arith.addi %mul3A_36, %add3A_37 : i32
    %dma_start3A_39 = arith.constant 0 : i32
    %dma_start3A_40 = tpu.memref_slice %arg10[%add3A_38, %dma_start3A_39] : memref<10240x128xf32, #tpu.memory_space<vmem_shared>> -> memref<128x128xf32, #tpu.memory_space<vmem_shared>>
    %dma_start3A_41 = arith.constant 0 : i32
    %dma_start3A_42 = tpu.memref_slice %arg10[%add3A_38, %dma_start3A_41] : memref<10240x128xf32, #tpu.memory_space<vmem_shared>> -> memref<128x128xf32, #tpu.memory_space<vmem_shared>>
    tpu.enqueue_dma source(%arg8 : memref<128x128xf32, #tpu.memory_space<vmem>>) target(%dma_start3A_42 : memref<128x128xf32, #tpu.memory_space<vmem_shared>>) target_semaphore(%arg11 : memref<!tpu.dma_semaphore, #tpu.memory_space<semaphore_mem>>)
    %mul3A_43 = arith.constant 640 : i32
    %mul3A_44 = arith.muli %arg1, %mul3A_43 : i32
    %add3A_45 = arith.constant 512 : i32
    %add3A_46 = arith.addi %mul3A_44, %add3A_45 : i32
    %dma_start3A_47 = arith.constant 0 : i32
    %dma_start3A_48 = tpu.memref_slice %arg10[%add3A_46, %dma_start3A_47] : memref<10240x128xf32, #tpu.memory_space<vmem_shared>> -> memref<128x128xf32, #tpu.memory_space<vmem_shared>>
    %dma_start3A_49 = arith.constant 0 : i32
    %dma_start3A_50 = tpu.memref_slice %arg10[%add3A_46, %dma_start3A_49] : memref<10240x128xf32, #tpu.memory_space<vmem_shared>> -> memref<128x128xf32, #tpu.memory_space<vmem_shared>>
    tpu.enqueue_dma source(%arg8 : memref<128x128xf32, #tpu.memory_space<vmem>>) target(%dma_start3A_50 : memref<128x128xf32, #tpu.memory_space<vmem_shared>>) target_semaphore(%arg11 : memref<!tpu.dma_semaphore, #tpu.memory_space<semaphore_mem>>)
    %mul3A_51 = arith.constant 640 : i32
    %mul3A_52 = arith.muli %arg1, %mul3A_51 : i32
    %add3A_53 = arith.constant 0 : i32
    %add3A_54 = arith.addi %mul3A_52, %add3A_53 : i32
    %dma_wait3A = arith.constant 0 : i32
    %dma_wait3A_55 = tpu.memref_slice %arg10[%add3A_54, %dma_wait3A] : memref<10240x128xf32, #tpu.memory_space<vmem_shared>> -> memref<128x128xf32, #tpu.memory_space<vmem_shared>>
    %dma_wait3A_56 = arith.constant 0 : i32
    %dma_wait3A_57 = tpu.memref_slice %arg10[%add3A_54, %dma_wait3A_56] : memref<10240x128xf32, #tpu.memory_space<vmem_shared>> -> memref<128x128xf32, #tpu.memory_space<vmem_shared>>
    tpu.wait_dma2 semaphore(%arg11 : memref<!tpu.dma_semaphore, #tpu.memory_space<semaphore_mem>>) src(%arg8 : memref<128x128xf32, #tpu.memory_space<vmem>>) dst(%dma_wait3A_57 : memref<128x128xf32, #tpu.memory_space<vmem_shared>>)
    %mul3A_58 = arith.constant 640 : i32
    %mul3A_59 = arith.muli %arg1, %mul3A_58 : i32
    %add3A_60 = arith.constant 128 : i32
    %add3A_61 = arith.addi %mul3A_59, %add3A_60 : i32
    %dma_wait3A_62 = arith.constant 0 : i32
    %dma_wait3A_63 = tpu.memref_slice %arg10[%add3A_61, %dma_wait3A_62] : memref<10240x128xf32, #tpu.memory_space<vmem_shared>> -> memref<128x128xf32, #tpu.memory_space<vmem_shared>>
    %dma_wait3A_64 = arith.constant 0 : i32
    %dma_wait3A_65 = tpu.memref_slice %arg10[%add3A_61, %dma_wait3A_64] : memref<10240x128xf32, #tpu.memory_space<vmem_shared>> -> memref<128x128xf32, #tpu.memory_space<vmem_shared>>
    tpu.wait_dma2 semaphore(%arg11 : memref<!tpu.dma_semaphore, #tpu.memory_space<semaphore_mem>>) src(%arg8 : memref<128x128xf32, #tpu.memory_space<vmem>>) dst(%dma_wait3A_65 : memref<128x128xf32, #tpu.memory_space<vmem_shared>>)
    %mul3A_66 = arith.constant 640 : i32
    %mul3A_67 = arith.muli %arg1, %mul3A_66 : i32
    %add3A_68 = arith.constant 256 : i32
    %add3A_69 = arith.addi %mul3A_67, %add3A_68 : i32
    %dma_wait3A_70 = arith.constant 0 : i32
    %dma_wait3A_71 = tpu.memref_slice %arg10[%add3A_69, %dma_wait3A_70] : memref<10240x128xf32, #tpu.memory_space<vmem_shared>> -> memref<128x128xf32, #tpu.memory_space<vmem_shared>>
    %dma_wait3A_72 = arith.constant 0 : i32
    %dma_wait3A_73 = tpu.memref_slice %arg10[%add3A_69, %dma_wait3A_72] : memref<10240x128xf32, #tpu.memory_space<vmem_shared>> -> memref<128x128xf32, #tpu.memory_space<vmem_shared>>
    tpu.wait_dma2 semaphore(%arg11 : memref<!tpu.dma_semaphore, #tpu.memory_space<semaphore_mem>>) src(%arg8 : memref<128x128xf32, #tpu.memory_space<vmem>>) dst(%dma_wait3A_73 : memref<128x128xf32, #tpu.memory_space<vmem_shared>>)
    %mul3A_74 = arith.constant 640 : i32
    %mul3A_75 = arith.muli %arg1, %mul3A_74 : i32
    %add3A_76 = arith.constant 384 : i32
    %add3A_77 = arith.addi %mul3A_75, %add3A_76 : i32
    %dma_wait3A_78 = arith.constant 0 : i32
    %dma_wait3A_79 = tpu.memref_slice %arg10[%add3A_77, %dma_wait3A_78] : memref<10240x128xf32, #tpu.memory_space<vmem_shared>> -> memref<128x128xf32, #tpu.memory_space<vmem_shared>>
    %dma_wait3A_80 = arith.constant 0 : i32
    %dma_wait3A_81 = tpu.memref_slice %arg10[%add3A_77, %dma_wait3A_80] : memref<10240x128xf32, #tpu.memory_space<vmem_shared>> -> memref<128x128xf32, #tpu.memory_space<vmem_shared>>
    tpu.wait_dma2 semaphore(%arg11 : memref<!tpu.dma_semaphore, #tpu.memory_space<semaphore_mem>>) src(%arg8 : memref<128x128xf32, #tpu.memory_space<vmem>>) dst(%dma_wait3A_81 : memref<128x128xf32, #tpu.memory_space<vmem_shared>>)
    %mul3A_82 = arith.constant 640 : i32
    %mul3A_83 = arith.muli %arg1, %mul3A_82 : i32
    %add3A_84 = arith.constant 512 : i32
    %add3A_85 = arith.addi %mul3A_83, %add3A_84 : i32
    %dma_wait3A_86 = arith.constant 0 : i32
    %dma_wait3A_87 = tpu.memref_slice %arg10[%add3A_85, %dma_wait3A_86] : memref<10240x128xf32, #tpu.memory_space<vmem_shared>> -> memref<128x128xf32, #tpu.memory_space<vmem_shared>>
    %dma_wait3A_88 = arith.constant 0 : i32
    %dma_wait3A_89 = tpu.memref_slice %arg10[%add3A_85, %dma_wait3A_88] : memref<10240x128xf32, #tpu.memory_space<vmem_shared>> -> memref<128x128xf32, #tpu.memory_space<vmem_shared>>
    tpu.wait_dma2 semaphore(%arg11 : memref<!tpu.dma_semaphore, #tpu.memory_space<semaphore_mem>>) src(%arg8 : memref<128x128xf32, #tpu.memory_space<vmem>>) dst(%dma_wait3A_89 : memref<128x128xf32, #tpu.memory_space<vmem_shared>>)
    %dma_wait3A_90 = arith.constant 0 : i32
    %dma_wait3A_91 = tpu.memref_slice %arg2[%add3A, %dma_wait3A_90] : memref<32x10112xi32, #tpu.memory_space<hbm>> -> memref<1x10112xi32, #tpu.memory_space<hbm>>
    %dma_wait3A_92 = tpu.memref_squeeze %dma_wait3A_91 : memref<1x10112xi32, #tpu.memory_space<hbm>> -> memref<10112xi32, #tpu.memory_space<hbm>>
    %dma_wait3A_93 = arith.constant 0 : i32
    %dma_wait3A_94 = tpu.memref_slice %arg2[%add3A, %dma_wait3A_93] : memref<32x10112xi32, #tpu.memory_space<hbm>> -> memref<1x10112xi32, #tpu.memory_space<hbm>>
    %dma_wait3A_95 = tpu.memref_squeeze %dma_wait3A_94 : memref<1x10112xi32, #tpu.memory_space<hbm>> -> memref<10112xi32, #tpu.memory_space<hbm>>
    tpu.wait_dma2 semaphore(%arg13 : memref<!tpu.dma_semaphore, #tpu.memory_space<semaphore_mem>>) src(%dma_wait3A_95 : memref<10112xi32, #tpu.memory_space<hbm>>) dst(%arg6 : memref<10112xi32, #tpu.memory_space<vmem>>)
    %dma_start3A_96 = arith.constant 0 : i32
    %dma_start3A_97 = tpu.memref_slice %arg6[%dma_start3A_96] : memref<10112xi32, #tpu.memory_space<vmem>> -> memref<128xi32, #tpu.memory_space<vmem>>
    %dma_start3A_98 = arith.constant 0 : i32
    %dma_start3A_99 = arith.constant 0 : i32
    %dma_start3A_100 = tpu.memref_slice %arg4[%dma_start3A_98, %dma_start3A_99] : memref<10000x128xf32, #tpu.memory_space<hbm>> -> memref<10000x128xf32, #tpu.memory_space<hbm>>
    tpu.enqueue_indirect_dma source(%dma_start3A_100 : memref<10000x128xf32, #tpu.memory_space<hbm>>) target(%arg8 : memref<128x128xf32, #tpu.memory_space<vmem>>) offsets(%dma_start3A_97 : memref<128xi32, #tpu.memory_space<vmem>>) semaphore(%arg11 : memref<!tpu.dma_semaphore, #tpu.memory_space<semaphore_mem>>)
    %dma_start3A_101 = arith.constant 0 : i32
    %dma_start3A_102 = arith.constant 0 : i32
    %dma_start3A_103 = arith.constant 0 : i32
    %dma_start3A_104 = arith.constant 0 : i32
    %dma_start3A_105 = tpu.memref_slice %arg7[%dma_start3A_102, %dma_start3A_103, %dma_start3A_104] : memref<2x1x128xi32, #tpu.memory_space<vmem>> -> memref<1x1x128xi32, #tpu.memory_space<vmem>>
    %dma_start3A_106 = tpu.memref_squeeze %dma_start3A_105 : memref<1x1x128xi32, #tpu.memory_space<vmem>> -> memref<1x128xi32, #tpu.memory_space<vmem>>
    %dma_start3A_107 = arith.constant 0 : i32
    %dma_start3A_108 = arith.constant 0 : i32
    %dma_start3A_109 = tpu.memref_slice %arg3[%add3A, %dma_start3A_101, %dma_start3A_107, %dma_start3A_108] : memref<32x79x1x128xi32, #tpu.memory_space<hbm>> -> memref<1x1x1x128xi32, #tpu.memory_space<hbm>>
    %dma_start3A_110 = tpu.memref_squeeze %dma_start3A_109 : memref<1x1x1x128xi32, #tpu.memory_space<hbm>> -> memref<1x128xi32, #tpu.memory_space<hbm>>
    %dma_start3A_111 = arith.constant 0 : i32
    %dma_start3A_112 = arith.constant 0 : i32
    %dma_start3A_113 = tpu.memref_slice %arg7[%dma_start3A_102, %dma_start3A_111, %dma_start3A_112] : memref<2x1x128xi32, #tpu.memory_space<vmem>> -> memref<1x1x128xi32, #tpu.memory_space<vmem>>
    %dma_start3A_114 = tpu.memref_squeeze %dma_start3A_113 : memref<1x1x128xi32, #tpu.memory_space<vmem>> -> memref<1x128xi32, #tpu.memory_space<vmem>>
    %dma_start3A_115 = arith.constant 0 : i32
    %dma_start3A_116 = arith.constant 0 : i32
    %dma_start3A_117 = tpu.memref_slice %arg3[%add3A, %dma_start3A_101, %dma_start3A_115, %dma_start3A_116] : memref<32x79x1x128xi32, #tpu.memory_space<hbm>> -> memref<1x1x1x128xi32, #tpu.memory_space<hbm>>
    %dma_start3A_118 = tpu.memref_squeeze %dma_start3A_117 : memref<1x1x1x128xi32, #tpu.memory_space<hbm>> -> memref<1x128xi32, #tpu.memory_space<hbm>>
    tpu.enqueue_dma source(%dma_start3A_118 : memref<1x128xi32, #tpu.memory_space<hbm>>) target(%dma_start3A_114 : memref<1x128xi32, #tpu.memory_space<vmem>>) target_semaphore(%arg13 : memref<!tpu.dma_semaphore, #tpu.memory_space<semaphore_mem>>)
    %dma_start3A_119 = arith.constant 128 : i32
    %dma_start3A_120 = tpu.memref_slice %arg6[%dma_start3A_119] : memref<10112xi32, #tpu.memory_space<vmem>> -> memref<128xi32, #tpu.memory_space<vmem>>
    %dma_start3A_121 = arith.constant 0 : i32
    %dma_start3A_122 = arith.constant 0 : i32
    %dma_start3A_123 = tpu.memref_slice %arg4[%dma_start3A_121, %dma_start3A_122] : memref<10000x128xf32, #tpu.memory_space<hbm>> -> memref<10000x128xf32, #tpu.memory_space<hbm>>
    tpu.enqueue_indirect_dma source(%dma_start3A_123 : memref<10000x128xf32, #tpu.memory_space<hbm>>) target(%arg9 : memref<128x128xf32, #tpu.memory_space<vmem>>) offsets(%dma_start3A_120 : memref<128xi32, #tpu.memory_space<vmem>>) semaphore(%arg12 : memref<!tpu.dma_semaphore, #tpu.memory_space<semaphore_mem>>)
    %dma_start3A_124 = arith.constant 1 : i32
    %dma_start3A_125 = arith.constant 1 : i32
    %dma_start3A_126 = arith.constant 0 : i32
    %dma_start3A_127 = arith.constant 0 : i32
    %dma_start3A_128 = tpu.memref_slice %arg7[%dma_start3A_125, %dma_start3A_126, %dma_start3A_127] : memref<2x1x128xi32, #tpu.memory_space<vmem>> -> memref<1x1x128xi32, #tpu.memory_space<vmem>>
    %dma_start3A_129 = tpu.memref_squeeze %dma_start3A_128 : memref<1x1x128xi32, #tpu.memory_space<vmem>> -> memref<1x128xi32, #tpu.memory_space<vmem>>
    %dma_start3A_130 = arith.constant 0 : i32
    %dma_start3A_131 = arith.constant 0 : i32
    %dma_start3A_132 = tpu.memref_slice %arg3[%add3A, %dma_start3A_124, %dma_start3A_130, %dma_start3A_131] : memref<32x79x1x128xi32, #tpu.memory_space<hbm>> -> memref<1x1x1x128xi32, #tpu.memory_space<hbm>>
    %dma_start3A_133 = tpu.memref_squeeze %dma_start3A_132 : memref<1x1x1x128xi32, #tpu.memory_space<hbm>> -> memref<1x128xi32, #tpu.memory_space<hbm>>
    %dma_start3A_134 = arith.constant 0 : i32
    %dma_start3A_135 = arith.constant 0 : i32
    %dma_start3A_136 = tpu.memref_slice %arg7[%dma_start3A_125, %dma_start3A_134, %dma_start3A_135] : memref<2x1x128xi32, #tpu.memory_space<vmem>> -> memref<1x1x128xi32, #tpu.memory_space<vmem>>
    %dma_start3A_137 = tpu.memref_squeeze %dma_start3A_136 : memref<1x1x128xi32, #tpu.memory_space<vmem>> -> memref<1x128xi32, #tpu.memory_space<vmem>>
    %dma_start3A_138 = arith.constant 0 : i32
    %dma_start3A_139 = arith.constant 0 : i32
    %dma_start3A_140 = tpu.memref_slice %arg3[%add3A, %dma_start3A_124, %dma_start3A_138, %dma_start3A_139] : memref<32x79x1x128xi32, #tpu.memory_space<hbm>> -> memref<1x1x1x128xi32, #tpu.memory_space<hbm>>
    %dma_start3A_141 = tpu.memref_squeeze %dma_start3A_140 : memref<1x1x1x128xi32, #tpu.memory_space<hbm>> -> memref<1x128xi32, #tpu.memory_space<hbm>>
    tpu.enqueue_dma source(%dma_start3A_141 : memref<1x128xi32, #tpu.memory_space<hbm>>) target(%dma_start3A_137 : memref<1x128xi32, #tpu.memory_space<vmem>>) target_semaphore(%arg14 : memref<!tpu.dma_semaphore, #tpu.memory_space<semaphore_mem>>)
    %barrier3A = arith.constant 0 : index
    tpu.barrier barrier_id(%barrier3A)
    %scan3A_142 = arith.constant 0 : i32
    %scan3A_143 = arith.constant 0 : i32
    %scan3A_144 = arith.constant 38 : i32
    %scan3A_145 = arith.addi %scan3A_143, %scan3A_144 : i32
    %scan3A_146 = arith.constant 1 : i32
    scf.for %scan3A_250 = %scan3A_143 to %scan3A_145 step %scan3A_146  : i32 {
      %mul3A_251 = arith.constant 2 : i32
      %mul3A_252 = arith.muli %mul3A_251, %scan3A_250 : i32
      %mul3A_253 = arith.constant 128 : i32
      %mul3A_254 = arith.muli %mul3A_252, %mul3A_253 : i32
      %dma_wait3A_255 = tpu.memref_slice %arg6[%mul3A_254] : memref<10112xi32, #tpu.memory_space<vmem>> -> memref<128xi32, #tpu.memory_space<vmem>>
      %dma_wait3A_256 = arith.constant 0 : i32
      %dma_wait3A_257 = arith.constant 0 : i32
      %dma_wait3A_258 = tpu.memref_slice %arg4[%dma_wait3A_256, %dma_wait3A_257] : memref<10000x128xf32, #tpu.memory_space<hbm>> -> memref<10000x128xf32, #tpu.memory_space<hbm>>
      tpu.wait_indirect_dma semaphore(%arg11 : memref<!tpu.dma_semaphore, #tpu.memory_space<semaphore_mem>>) src(%dma_wait3A_258 : memref<10000x128xf32, #tpu.memory_space<hbm>>) dst(%arg8 : memref<128x128xf32, #tpu.memory_space<vmem>>)
      %dma_wait3A_259 = arith.constant 0 : i32
      %dma_wait3A_260 = arith.constant 0 : i32
      %dma_wait3A_261 = arith.constant 0 : i32
      %dma_wait3A_262 = tpu.memref_slice %arg7[%dma_wait3A_259, %dma_wait3A_260, %dma_wait3A_261] : memref<2x1x128xi32, #tpu.memory_space<vmem>> -> memref<1x1x128xi32, #tpu.memory_space<vmem>>
      %dma_wait3A_263 = tpu.memref_squeeze %dma_wait3A_262 : memref<1x1x128xi32, #tpu.memory_space<vmem>> -> memref<1x128xi32, #tpu.memory_space<vmem>>
      %dma_wait3A_264 = arith.constant 0 : i32
      %dma_wait3A_265 = arith.constant 0 : i32
      %dma_wait3A_266 = tpu.memref_slice %arg3[%add3A, %mul3A_252, %dma_wait3A_264, %dma_wait3A_265] : memref<32x79x1x128xi32, #tpu.memory_space<hbm>> -> memref<1x1x1x128xi32, #tpu.memory_space<hbm>>
      %dma_wait3A_267 = tpu.memref_squeeze %dma_wait3A_266 : memref<1x1x1x128xi32, #tpu.memory_space<hbm>> -> memref<1x128xi32, #tpu.memory_space<hbm>>
      %dma_wait3A_268 = arith.constant 0 : i32
      %dma_wait3A_269 = arith.constant 0 : i32
      %dma_wait3A_270 = tpu.memref_slice %arg7[%dma_wait3A_259, %dma_wait3A_268, %dma_wait3A_269] : memref<2x1x128xi32, #tpu.memory_space<vmem>> -> memref<1x1x128xi32, #tpu.memory_space<vmem>>
      %dma_wait3A_271 = tpu.memref_squeeze %dma_wait3A_270 : memref<1x1x128xi32, #tpu.memory_space<vmem>> -> memref<1x128xi32, #tpu.memory_space<vmem>>
      %dma_wait3A_272 = arith.constant 0 : i32
      %dma_wait3A_273 = arith.constant 0 : i32
      %dma_wait3A_274 = tpu.memref_slice %arg3[%add3A, %mul3A_252, %dma_wait3A_272, %dma_wait3A_273] : memref<32x79x1x128xi32, #tpu.memory_space<hbm>> -> memref<1x1x1x128xi32, #tpu.memory_space<hbm>>
      %dma_wait3A_275 = tpu.memref_squeeze %dma_wait3A_274 : memref<1x1x1x128xi32, #tpu.memory_space<hbm>> -> memref<1x128xi32, #tpu.memory_space<hbm>>
      tpu.wait_dma2 semaphore(%arg13 : memref<!tpu.dma_semaphore, #tpu.memory_space<semaphore_mem>>) src(%dma_wait3A_275 : memref<1x128xi32, #tpu.memory_space<hbm>>) dst(%dma_wait3A_271 : memref<1x128xi32, #tpu.memory_space<vmem>>)
      %run_scoped3A_276 = arith.constant 0 : i32
      %run_scoped3A_277 = arith.constant 0 : i32
      "tpu.region"() ({
        %run_scoped3A_355 = tpu.sem_alloc : memref<!tpu.dma_semaphore, #tpu.memory_space<semaphore_mem>>
        %dma_start3A_356 = arith.constant 0 : i32
        %dma_start3A_357 = tpu.memref_slice %arg7[%run_scoped3A_276, %run_scoped3A_277, %dma_start3A_356] : memref<2x1x128xi32, #tpu.memory_space<vmem>> -> memref<1x1x128xi32, #tpu.memory_space<vmem>>
        %dma_start3A_358 = tpu.memref_squeeze %dma_start3A_357 : memref<1x1x128xi32, #tpu.memory_space<vmem>> -> memref<128xi32, #tpu.memory_space<vmem>>
        %dma_start3A_359 = arith.constant 0 : i32
        %dma_start3A_360 = arith.constant 0 : i32
        %dma_start3A_361 = tpu.memref_slice %arg10[%dma_start3A_359, %dma_start3A_360] : memref<10240x128xf32, #tpu.memory_space<vmem_shared>> -> memref<10240x128xf32, #tpu.memory_space<vmem_shared>>
        tpu.enqueue_indirect_dma source(%arg8 : memref<128x128xf32, #tpu.memory_space<vmem>>) target(%dma_start3A_361 : memref<10240x128xf32, #tpu.memory_space<vmem_shared>>) offsets(%dma_start3A_358 : memref<128xi32, #tpu.memory_space<vmem>>) semaphore(%run_scoped3A_355 : memref<!tpu.dma_semaphore, #tpu.memory_space<semaphore_mem>>) {add = true}
        %dma_wait3A_362 = arith.constant 0 : i32
        %dma_wait3A_363 = tpu.memref_slice %arg7[%run_scoped3A_276, %run_scoped3A_277, %dma_wait3A_362] : memref<2x1x128xi32, #tpu.memory_space<vmem>> -> memref<1x1x128xi32, #tpu.memory_space<vmem>>
        %dma_wait3A_364 = tpu.memref_squeeze %dma_wait3A_363 : memref<1x1x128xi32, #tpu.memory_space<vmem>> -> memref<128xi32, #tpu.memory_space<vmem>>
        %dma_wait3A_365 = arith.constant 0 : i32
        %dma_wait3A_366 = arith.constant 0 : i32
        %dma_wait3A_367 = tpu.memref_slice %arg10[%dma_wait3A_365, %dma_wait3A_366] : memref<10240x128xf32, #tpu.memory_space<vmem_shared>> -> memref<10240x128xf32, #tpu.memory_space<vmem_shared>>
        tpu.wait_indirect_dma semaphore(%run_scoped3A_355 : memref<!tpu.dma_semaphore, #tpu.memory_space<semaphore_mem>>) src(%arg8 : memref<128x128xf32, #tpu.memory_space<vmem>>) dst(%dma_wait3A_367 : memref<10240x128xf32, #tpu.memory_space<vmem_shared>>)
        tpu.yield
      }) : () -> ()
      %add3A_278 = arith.constant 2 : i32
      %add3A_279 = arith.addi %mul3A_252, %add3A_278 : i32
      %mul3A_280 = arith.constant 128 : i32
      %mul3A_281 = arith.muli %add3A_279, %mul3A_280 : i32
      %dma_start3A_282 = tpu.memref_slice %arg6[%mul3A_281] : memref<10112xi32, #tpu.memory_space<vmem>> -> memref<128xi32, #tpu.memory_space<vmem>>
      %dma_start3A_283 = arith.constant 0 : i32
      %dma_start3A_284 = arith.constant 0 : i32
      %dma_start3A_285 = tpu.memref_slice %arg4[%dma_start3A_283, %dma_start3A_284] : memref<10000x128xf32, #tpu.memory_space<hbm>> -> memref<10000x128xf32, #tpu.memory_space<hbm>>
      tpu.enqueue_indirect_dma source(%dma_start3A_285 : memref<10000x128xf32, #tpu.memory_space<hbm>>) target(%arg8 : memref<128x128xf32, #tpu.memory_space<vmem>>) offsets(%dma_start3A_282 : memref<128xi32, #tpu.memory_space<vmem>>) semaphore(%arg11 : memref<!tpu.dma_semaphore, #tpu.memory_space<semaphore_mem>>)
      %dma_start3A_286 = arith.constant 0 : i32
      %dma_start3A_287 = arith.constant 0 : i32
      %dma_start3A_288 = arith.constant 0 : i32
      %dma_start3A_289 = tpu.memref_slice %arg7[%dma_start3A_286, %dma_start3A_287, %dma_start3A_288] : memref<2x1x128xi32, #tpu.memory_space<vmem>> -> memref<1x1x128xi32, #tpu.memory_space<vmem>>
      %dma_start3A_290 = tpu.memref_squeeze %dma_start3A_289 : memref<1x1x128xi32, #tpu.memory_space<vmem>> -> memref<1x128xi32, #tpu.memory_space<vmem>>
      %dma_start3A_291 = arith.constant 0 : i32
      %dma_start3A_292 = arith.constant 0 : i32
      %dma_start3A_293 = tpu.memref_slice %arg3[%add3A, %add3A_279, %dma_start3A_291, %dma_start3A_292] : memref<32x79x1x128xi32, #tpu.memory_space<hbm>> -> memref<1x1x1x128xi32, #tpu.memory_space<hbm>>
      %dma_start3A_294 = tpu.memref_squeeze %dma_start3A_293 : memref<1x1x1x128xi32, #tpu.memory_space<hbm>> -> memref<1x128xi32, #tpu.memory_space<hbm>>
      %dma_start3A_295 = arith.constant 0 : i32
      %dma_start3A_296 = arith.constant 0 : i32
      %dma_start3A_297 = tpu.memref_slice %arg7[%dma_start3A_286, %dma_start3A_295, %dma_start3A_296] : memref<2x1x128xi32, #tpu.memory_space<vmem>> -> memref<1x1x128xi32, #tpu.memory_space<vmem>>
      %dma_start3A_298 = tpu.memref_squeeze %dma_start3A_297 : memref<1x1x128xi32, #tpu.memory_space<vmem>> -> memref<1x128xi32, #tpu.memory_space<vmem>>
      %dma_start3A_299 = arith.constant 0 : i32
      %dma_start3A_300 = arith.constant 0 : i32
      %dma_start3A_301 = tpu.memref_slice %arg3[%add3A, %add3A_279, %dma_start3A_299, %dma_start3A_300] : memref<32x79x1x128xi32, #tpu.memory_space<hbm>> -> memref<1x1x1x128xi32, #tpu.memory_space<hbm>>
      %dma_start3A_302 = tpu.memref_squeeze %dma_start3A_301 : memref<1x1x1x128xi32, #tpu.memory_space<hbm>> -> memref<1x128xi32, #tpu.memory_space<hbm>>
      tpu.enqueue_dma source(%dma_start3A_302 : memref<1x128xi32, #tpu.memory_space<hbm>>) target(%dma_start3A_298 : memref<1x128xi32, #tpu.memory_space<vmem>>) target_semaphore(%arg13 : memref<!tpu.dma_semaphore, #tpu.memory_space<semaphore_mem>>)
      %add3A_303 = arith.constant 1 : i32
      %add3A_304 = arith.addi %mul3A_252, %add3A_303 : i32
      %mul3A_305 = arith.constant 128 : i32
      %mul3A_306 = arith.muli %add3A_304, %mul3A_305 : i32
      %dma_wait3A_307 = tpu.memref_slice %arg6[%mul3A_306] : memref<10112xi32, #tpu.memory_space<vmem>> -> memref<128xi32, #tpu.memory_space<vmem>>
      %dma_wait3A_308 = arith.constant 0 : i32
      %dma_wait3A_309 = arith.constant 0 : i32
      %dma_wait3A_310 = tpu.memref_slice %arg4[%dma_wait3A_308, %dma_wait3A_309] : memref<10000x128xf32, #tpu.memory_space<hbm>> -> memref<10000x128xf32, #tpu.memory_space<hbm>>
      tpu.wait_indirect_dma semaphore(%arg12 : memref<!tpu.dma_semaphore, #tpu.memory_space<semaphore_mem>>) src(%dma_wait3A_310 : memref<10000x128xf32, #tpu.memory_space<hbm>>) dst(%arg9 : memref<128x128xf32, #tpu.memory_space<vmem>>)
      %dma_wait3A_311 = arith.constant 1 : i32
      %dma_wait3A_312 = arith.constant 0 : i32
      %dma_wait3A_313 = arith.constant 0 : i32
      %dma_wait3A_314 = tpu.memref_slice %arg7[%dma_wait3A_311, %dma_wait3A_312, %dma_wait3A_313] : memref<2x1x128xi32, #tpu.memory_space<vmem>> -> memref<1x1x128xi32, #tpu.memory_space<vmem>>
      %dma_wait3A_315 = tpu.memref_squeeze %dma_wait3A_314 : memref<1x1x128xi32, #tpu.memory_space<vmem>> -> memref<1x128xi32, #tpu.memory_space<vmem>>
      %dma_wait3A_316 = arith.constant 0 : i32
      %dma_wait3A_317 = arith.constant 0 : i32
      %dma_wait3A_318 = tpu.memref_slice %arg3[%add3A, %add3A_304, %dma_wait3A_316, %dma_wait3A_317] : memref<32x79x1x128xi32, #tpu.memory_space<hbm>> -> memref<1x1x1x128xi32, #tpu.memory_space<hbm>>
      %dma_wait3A_319 = tpu.memref_squeeze %dma_wait3A_318 : memref<1x1x1x128xi32, #tpu.memory_space<hbm>> -> memref<1x128xi32, #tpu.memory_space<hbm>>
      %dma_wait3A_320 = arith.constant 0 : i32
      %dma_wait3A_321 = arith.constant 0 : i32
      %dma_wait3A_322 = tpu.memref_slice %arg7[%dma_wait3A_311, %dma_wait3A_320, %dma_wait3A_321] : memref<2x1x128xi32, #tpu.memory_space<vmem>> -> memref<1x1x128xi32, #tpu.memory_space<vmem>>
      %dma_wait3A_323 = tpu.memref_squeeze %dma_wait3A_322 : memref<1x1x128xi32, #tpu.memory_space<vmem>> -> memref<1x128xi32, #tpu.memory_space<vmem>>
      %dma_wait3A_324 = arith.constant 0 : i32
      %dma_wait3A_325 = arith.constant 0 : i32
      %dma_wait3A_326 = tpu.memref_slice %arg3[%add3A, %add3A_304, %dma_wait3A_324, %dma_wait3A_325] : memref<32x79x1x128xi32, #tpu.memory_space<hbm>> -> memref<1x1x1x128xi32, #tpu.memory_space<hbm>>
      %dma_wait3A_327 = tpu.memref_squeeze %dma_wait3A_326 : memref<1x1x1x128xi32, #tpu.memory_space<hbm>> -> memref<1x128xi32, #tpu.memory_space<hbm>>
      tpu.wait_dma2 semaphore(%arg14 : memref<!tpu.dma_semaphore, #tpu.memory_space<semaphore_mem>>) src(%dma_wait3A_327 : memref<1x128xi32, #tpu.memory_space<hbm>>) dst(%dma_wait3A_323 : memref<1x128xi32, #tpu.memory_space<vmem>>)
      %run_scoped3A_328 = arith.constant 1 : i32
      %run_scoped3A_329 = arith.constant 0 : i32
      "tpu.region"() ({
        %run_scoped3A_355 = tpu.sem_alloc : memref<!tpu.dma_semaphore, #tpu.memory_space<semaphore_mem>>
        %dma_start3A_356 = arith.constant 0 : i32
        %dma_start3A_357 = tpu.memref_slice %arg7[%run_scoped3A_328, %run_scoped3A_329, %dma_start3A_356] : memref<2x1x128xi32, #tpu.memory_space<vmem>> -> memref<1x1x128xi32, #tpu.memory_space<vmem>>
        %dma_start3A_358 = tpu.memref_squeeze %dma_start3A_357 : memref<1x1x128xi32, #tpu.memory_space<vmem>> -> memref<128xi32, #tpu.memory_space<vmem>>
        %dma_start3A_359 = arith.constant 0 : i32
        %dma_start3A_360 = arith.constant 0 : i32
        %dma_start3A_361 = tpu.memref_slice %arg10[%dma_start3A_359, %dma_start3A_360] : memref<10240x128xf32, #tpu.memory_space<vmem_shared>> -> memref<10240x128xf32, #tpu.memory_space<vmem_shared>>
        tpu.enqueue_indirect_dma source(%arg9 : memref<128x128xf32, #tpu.memory_space<vmem>>) target(%dma_start3A_361 : memref<10240x128xf32, #tpu.memory_space<vmem_shared>>) offsets(%dma_start3A_358 : memref<128xi32, #tpu.memory_space<vmem>>) semaphore(%run_scoped3A_355 : memref<!tpu.dma_semaphore, #tpu.memory_space<semaphore_mem>>) {add = true}
        %dma_wait3A_362 = arith.constant 0 : i32
        %dma_wait3A_363 = tpu.memref_slice %arg7[%run_scoped3A_328, %run_scoped3A_329, %dma_wait3A_362] : memref<2x1x128xi32, #tpu.memory_space<vmem>> -> memref<1x1x128xi32, #tpu.memory_space<vmem>>
        %dma_wait3A_364 = tpu.memref_squeeze %dma_wait3A_363 : memref<1x1x128xi32, #tpu.memory_space<vmem>> -> memref<128xi32, #tpu.memory_space<vmem>>
        %dma_wait3A_365 = arith.constant 0 : i32
        %dma_wait3A_366 = arith.constant 0 : i32
        %dma_wait3A_367 = tpu.memref_slice %arg10[%dma_wait3A_365, %dma_wait3A_366] : memref<10240x128xf32, #tpu.memory_space<vmem_shared>> -> memref<10240x128xf32, #tpu.memory_space<vmem_shared>>
        tpu.wait_indirect_dma semaphore(%run_scoped3A_355 : memref<!tpu.dma_semaphore, #tpu.memory_space<semaphore_mem>>) src(%arg9 : memref<128x128xf32, #tpu.memory_space<vmem>>) dst(%dma_wait3A_367 : memref<10240x128xf32, #tpu.memory_space<vmem_shared>>)
        tpu.yield
      }) : () -> ()
      %add3A_330 = arith.constant 3 : i32
      %add3A_331 = arith.addi %mul3A_252, %add3A_330 : i32
      %mul3A_332 = arith.constant 128 : i32
      %mul3A_333 = arith.muli %add3A_331, %mul3A_332 : i32
      %dma_start3A_334 = tpu.memref_slice %arg6[%mul3A_333] : memref<10112xi32, #tpu.memory_space<vmem>> -> memref<128xi32, #tpu.memory_space<vmem>>
      %dma_start3A_335 = arith.constant 0 : i32
      %dma_start3A_336 = arith.constant 0 : i32
      %dma_start3A_337 = tpu.memref_slice %arg4[%dma_start3A_335, %dma_start3A_336] : memref<10000x128xf32, #tpu.memory_space<hbm>> -> memref<10000x128xf32, #tpu.memory_space<hbm>>
      tpu.enqueue_indirect_dma source(%dma_start3A_337 : memref<10000x128xf32, #tpu.memory_space<hbm>>) target(%arg9 : memref<128x128xf32, #tpu.memory_space<vmem>>) offsets(%dma_start3A_334 : memref<128xi32, #tpu.memory_space<vmem>>) semaphore(%arg12 : memref<!tpu.dma_semaphore, #tpu.memory_space<semaphore_mem>>)
      %dma_start3A_338 = arith.constant 1 : i32
      %dma_start3A_339 = arith.constant 0 : i32
      %dma_start3A_340 = arith.constant 0 : i32
      %dma_start3A_341 = tpu.memref_slice %arg7[%dma_start3A_338, %dma_start3A_339, %dma_start3A_340] : memref<2x1x128xi32, #tpu.memory_space<vmem>> -> memref<1x1x128xi32, #tpu.memory_space<vmem>>
      %dma_start3A_342 = tpu.memref_squeeze %dma_start3A_341 : memref<1x1x128xi32, #tpu.memory_space<vmem>> -> memref<1x128xi32, #tpu.memory_space<vmem>>
      %dma_start3A_343 = arith.constant 0 : i32
      %dma_start3A_344 = arith.constant 0 : i32
      %dma_start3A_345 = tpu.memref_slice %arg3[%add3A, %add3A_331, %dma_start3A_343, %dma_start3A_344] : memref<32x79x1x128xi32, #tpu.memory_space<hbm>> -> memref<1x1x1x128xi32, #tpu.memory_space<hbm>>
      %dma_start3A_346 = tpu.memref_squeeze %dma_start3A_345 : memref<1x1x1x128xi32, #tpu.memory_space<hbm>> -> memref<1x128xi32, #tpu.memory_space<hbm>>
      %dma_start3A_347 = arith.constant 0 : i32
      %dma_start3A_348 = arith.constant 0 : i32
      %dma_start3A_349 = tpu.memref_slice %arg7[%dma_start3A_338, %dma_start3A_347, %dma_start3A_348] : memref<2x1x128xi32, #tpu.memory_space<vmem>> -> memref<1x1x128xi32, #tpu.memory_space<vmem>>
      %dma_start3A_350 = tpu.memref_squeeze %dma_start3A_349 : memref<1x1x128xi32, #tpu.memory_space<vmem>> -> memref<1x128xi32, #tpu.memory_space<vmem>>
      %dma_start3A_351 = arith.constant 0 : i32
      %dma_start3A_352 = arith.constant 0 : i32
      %dma_start3A_353 = tpu.memref_slice %arg3[%add3A, %add3A_331, %dma_start3A_351, %dma_start3A_352] : memref<32x79x1x128xi32, #tpu.memory_space<hbm>> -> memref<1x1x1x128xi32, #tpu.memory_space<hbm>>
      %dma_start3A_354 = tpu.memref_squeeze %dma_start3A_353 : memref<1x1x1x128xi32, #tpu.memory_space<hbm>> -> memref<1x128xi32, #tpu.memory_space<hbm>>
      tpu.enqueue_dma source(%dma_start3A_354 : memref<1x128xi32, #tpu.memory_space<hbm>>) target(%dma_start3A_350 : memref<1x128xi32, #tpu.memory_space<vmem>>) target_semaphore(%arg14 : memref<!tpu.dma_semaphore, #tpu.memory_space<semaphore_mem>>)
    }
    %scan3A_147 = arith.constant 38 : i32
    %dma_wait3A_148 = arith.constant 9728 : i32
    %dma_wait3A_149 = tpu.memref_slice %arg6[%dma_wait3A_148] : memref<10112xi32, #tpu.memory_space<vmem>> -> memref<128xi32, #tpu.memory_space<vmem>>
    %dma_wait3A_150 = arith.constant 0 : i32
    %dma_wait3A_151 = arith.constant 0 : i32
    %dma_wait3A_152 = tpu.memref_slice %arg4[%dma_wait3A_150, %dma_wait3A_151] : memref<10000x128xf32, #tpu.memory_space<hbm>> -> memref<10000x128xf32, #tpu.memory_space<hbm>>
    tpu.wait_indirect_dma semaphore(%arg11 : memref<!tpu.dma_semaphore, #tpu.memory_space<semaphore_mem>>) src(%dma_wait3A_152 : memref<10000x128xf32, #tpu.memory_space<hbm>>) dst(%arg8 : memref<128x128xf32, #tpu.memory_space<vmem>>)
    %dma_wait3A_153 = arith.constant 76 : i32
    %dma_wait3A_154 = arith.constant 0 : i32
    %dma_wait3A_155 = arith.constant 0 : i32
    %dma_wait3A_156 = arith.constant 0 : i32
    %dma_wait3A_157 = tpu.memref_slice %arg7[%dma_wait3A_154, %dma_wait3A_155, %dma_wait3A_156] : memref<2x1x128xi32, #tpu.memory_space<vmem>> -> memref<1x1x128xi32, #tpu.memory_space<vmem>>
    %dma_wait3A_158 = tpu.memref_squeeze %dma_wait3A_157 : memref<1x1x128xi32, #tpu.memory_space<vmem>> -> memref<1x128xi32, #tpu.memory_space<vmem>>
    %dma_wait3A_159 = arith.constant 0 : i32
    %dma_wait3A_160 = arith.constant 0 : i32
    %dma_wait3A_161 = tpu.memref_slice %arg3[%add3A, %dma_wait3A_153, %dma_wait3A_159, %dma_wait3A_160] : memref<32x79x1x128xi32, #tpu.memory_space<hbm>> -> memref<1x1x1x128xi32, #tpu.memory_space<hbm>>
    %dma_wait3A_162 = tpu.memref_squeeze %dma_wait3A_161 : memref<1x1x1x128xi32, #tpu.memory_space<hbm>> -> memref<1x128xi32, #tpu.memory_space<hbm>>
    %dma_wait3A_163 = arith.constant 0 : i32
    %dma_wait3A_164 = arith.constant 0 : i32
    %dma_wait3A_165 = tpu.memref_slice %arg7[%dma_wait3A_154, %dma_wait3A_163, %dma_wait3A_164] : memref<2x1x128xi32, #tpu.memory_space<vmem>> -> memref<1x1x128xi32, #tpu.memory_space<vmem>>
    %dma_wait3A_166 = tpu.memref_squeeze %dma_wait3A_165 : memref<1x1x128xi32, #tpu.memory_space<vmem>> -> memref<1x128xi32, #tpu.memory_space<vmem>>
    %dma_wait3A_167 = arith.constant 0 : i32
    %dma_wait3A_168 = arith.constant 0 : i32
    %dma_wait3A_169 = tpu.memref_slice %arg3[%add3A, %dma_wait3A_153, %dma_wait3A_167, %dma_wait3A_168] : memref<32x79x1x128xi32, #tpu.memory_space<hbm>> -> memref<1x1x1x128xi32, #tpu.memory_space<hbm>>
    %dma_wait3A_170 = tpu.memref_squeeze %dma_wait3A_169 : memref<1x1x1x128xi32, #tpu.memory_space<hbm>> -> memref<1x128xi32, #tpu.memory_space<hbm>>
    tpu.wait_dma2 semaphore(%arg13 : memref<!tpu.dma_semaphore, #tpu.memory_space<semaphore_mem>>) src(%dma_wait3A_170 : memref<1x128xi32, #tpu.memory_space<hbm>>) dst(%dma_wait3A_166 : memref<1x128xi32, #tpu.memory_space<vmem>>)
    %run_scoped3A = arith.constant 0 : i32
    %run_scoped3A_171 = arith.constant 0 : i32
    "tpu.region"() ({
      %run_scoped3A_250 = tpu.sem_alloc : memref<!tpu.dma_semaphore, #tpu.memory_space<semaphore_mem>>
      %dma_start3A_251 = arith.constant 0 : i32
      %dma_start3A_252 = tpu.memref_slice %arg7[%run_scoped3A, %run_scoped3A_171, %dma_start3A_251] : memref<2x1x128xi32, #tpu.memory_space<vmem>> -> memref<1x1x128xi32, #tpu.memory_space<vmem>>
      %dma_start3A_253 = tpu.memref_squeeze %dma_start3A_252 : memref<1x1x128xi32, #tpu.memory_space<vmem>> -> memref<128xi32, #tpu.memory_space<vmem>>
      %dma_start3A_254 = arith.constant 0 : i32
      %dma_start3A_255 = arith.constant 0 : i32
      %dma_start3A_256 = tpu.memref_slice %arg10[%dma_start3A_254, %dma_start3A_255] : memref<10240x128xf32, #tpu.memory_space<vmem_shared>> -> memref<10240x128xf32, #tpu.memory_space<vmem_shared>>
      tpu.enqueue_indirect_dma source(%arg8 : memref<128x128xf32, #tpu.memory_space<vmem>>) target(%dma_start3A_256 : memref<10240x128xf32, #tpu.memory_space<vmem_shared>>) offsets(%dma_start3A_253 : memref<128xi32, #tpu.memory_space<vmem>>) semaphore(%run_scoped3A_250 : memref<!tpu.dma_semaphore, #tpu.memory_space<semaphore_mem>>) {add = true}
      %dma_wait3A_257 = arith.constant 0 : i32
      %dma_wait3A_258 = tpu.memref_slice %arg7[%run_scoped3A, %run_scoped3A_171, %dma_wait3A_257] : memref<2x1x128xi32, #tpu.memory_space<vmem>> -> memref<1x1x128xi32, #tpu.memory_space<vmem>>
      %dma_wait3A_259 = tpu.memref_squeeze %dma_wait3A_258 : memref<1x1x128xi32, #tpu.memory_space<vmem>> -> memref<128xi32, #tpu.memory_space<vmem>>
      %dma_wait3A_260 = arith.constant 0 : i32
      %dma_wait3A_261 = arith.constant 0 : i32
      %dma_wait3A_262 = tpu.memref_slice %arg10[%dma_wait3A_260, %dma_wait3A_261] : memref<10240x128xf32, #tpu.memory_space<vmem_shared>> -> memref<10240x128xf32, #tpu.memory_space<vmem_shared>>
      tpu.wait_indirect_dma semaphore(%run_scoped3A_250 : memref<!tpu.dma_semaphore, #tpu.memory_space<semaphore_mem>>) src(%arg8 : memref<128x128xf32, #tpu.memory_space<vmem>>) dst(%dma_wait3A_262 : memref<10240x128xf32, #tpu.memory_space<vmem_shared>>)
      tpu.yield
    }) : () -> ()
    %dma_start3A_172 = arith.constant 9984 : i32
    %dma_start3A_173 = tpu.memref_slice %arg6[%dma_start3A_172] : memref<10112xi32, #tpu.memory_space<vmem>> -> memref<128xi32, #tpu.memory_space<vmem>>
    %dma_start3A_174 = arith.constant 0 : i32
    %dma_start3A_175 = arith.constant 0 : i32
    %dma_start3A_176 = tpu.memref_slice %arg4[%dma_start3A_174, %dma_start3A_175] : memref<10000x128xf32, #tpu.memory_space<hbm>> -> memref<10000x128xf32, #tpu.memory_space<hbm>>
    tpu.enqueue_indirect_dma source(%dma_start3A_176 : memref<10000x128xf32, #tpu.memory_space<hbm>>) target(%arg8 : memref<128x128xf32, #tpu.memory_space<vmem>>) offsets(%dma_start3A_173 : memref<128xi32, #tpu.memory_space<vmem>>) semaphore(%arg11 : memref<!tpu.dma_semaphore, #tpu.memory_space<semaphore_mem>>)
    %dma_start3A_177 = arith.constant 78 : i32
    %dma_start3A_178 = arith.constant 0 : i32
    %dma_start3A_179 = arith.constant 0 : i32
    %dma_start3A_180 = arith.constant 0 : i32
    %dma_start3A_181 = tpu.memref_slice %arg7[%dma_start3A_178, %dma_start3A_179, %dma_start3A_180] : memref<2x1x128xi32, #tpu.memory_space<vmem>> -> memref<1x1x128xi32, #tpu.memory_space<vmem>>
    %dma_start3A_182 = tpu.memref_squeeze %dma_start3A_181 : memref<1x1x128xi32, #tpu.memory_space<vmem>> -> memref<1x128xi32, #tpu.memory_space<vmem>>
    %dma_start3A_183 = arith.constant 0 : i32
    %dma_start3A_184 = arith.constant 0 : i32
    %dma_start3A_185 = tpu.memref_slice %arg3[%add3A, %dma_start3A_177, %dma_start3A_183, %dma_start3A_184] : memref<32x79x1x128xi32, #tpu.memory_space<hbm>> -> memref<1x1x1x128xi32, #tpu.memory_space<hbm>>
    %dma_start3A_186 = tpu.memref_squeeze %dma_start3A_185 : memref<1x1x1x128xi32, #tpu.memory_space<hbm>> -> memref<1x128xi32, #tpu.memory_space<hbm>>
    %dma_start3A_187 = arith.constant 0 : i32
    %dma_start3A_188 = arith.constant 0 : i32
    %dma_start3A_189 = tpu.memref_slice %arg7[%dma_start3A_178, %dma_start3A_187, %dma_start3A_188] : memref<2x1x128xi32, #tpu.memory_space<vmem>> -> memref<1x1x128xi32, #tpu.memory_space<vmem>>
    %dma_start3A_190 = tpu.memref_squeeze %dma_start3A_189 : memref<1x1x128xi32, #tpu.memory_space<vmem>> -> memref<1x128xi32, #tpu.memory_space<vmem>>
    %dma_start3A_191 = arith.constant 0 : i32
    %dma_start3A_192 = arith.constant 0 : i32
    %dma_start3A_193 = tpu.memref_slice %arg3[%add3A, %dma_start3A_177, %dma_start3A_191, %dma_start3A_192] : memref<32x79x1x128xi32, #tpu.memory_space<hbm>> -> memref<1x1x1x128xi32, #tpu.memory_space<hbm>>
    %dma_start3A_194 = tpu.memref_squeeze %dma_start3A_193 : memref<1x1x1x128xi32, #tpu.memory_space<hbm>> -> memref<1x128xi32, #tpu.memory_space<hbm>>
    tpu.enqueue_dma source(%dma_start3A_194 : memref<1x128xi32, #tpu.memory_space<hbm>>) target(%dma_start3A_190 : memref<1x128xi32, #tpu.memory_space<vmem>>) target_semaphore(%arg13 : memref<!tpu.dma_semaphore, #tpu.memory_space<semaphore_mem>>)
    %dma_wait3A_195 = arith.constant 9856 : i32
    %dma_wait3A_196 = tpu.memref_slice %arg6[%dma_wait3A_195] : memref<10112xi32, #tpu.memory_space<vmem>> -> memref<128xi32, #tpu.memory_space<vmem>>
    %dma_wait3A_197 = arith.constant 0 : i32
    %dma_wait3A_198 = arith.constant 0 : i32
    %dma_wait3A_199 = tpu.memref_slice %arg4[%dma_wait3A_197, %dma_wait3A_198] : memref<10000x128xf32, #tpu.memory_space<hbm>> -> memref<10000x128xf32, #tpu.memory_space<hbm>>
    tpu.wait_indirect_dma semaphore(%arg12 : memref<!tpu.dma_semaphore, #tpu.memory_space<semaphore_mem>>) src(%dma_wait3A_199 : memref<10000x128xf32, #tpu.memory_space<hbm>>) dst(%arg9 : memref<128x128xf32, #tpu.memory_space<vmem>>)
    %dma_wait3A_200 = arith.constant 77 : i32
    %dma_wait3A_201 = arith.constant 1 : i32
    %dma_wait3A_202 = arith.constant 0 : i32
    %dma_wait3A_203 = arith.constant 0 : i32
    %dma_wait3A_204 = tpu.memref_slice %arg7[%dma_wait3A_201, %dma_wait3A_202, %dma_wait3A_203] : memref<2x1x128xi32, #tpu.memory_space<vmem>> -> memref<1x1x128xi32, #tpu.memory_space<vmem>>
    %dma_wait3A_205 = tpu.memref_squeeze %dma_wait3A_204 : memref<1x1x128xi32, #tpu.memory_space<vmem>> -> memref<1x128xi32, #tpu.memory_space<vmem>>
    %dma_wait3A_206 = arith.constant 0 : i32
    %dma_wait3A_207 = arith.constant 0 : i32
    %dma_wait3A_208 = tpu.memref_slice %arg3[%add3A, %dma_wait3A_200, %dma_wait3A_206, %dma_wait3A_207] : memref<32x79x1x128xi32, #tpu.memory_space<hbm>> -> memref<1x1x1x128xi32, #tpu.memory_space<hbm>>
    %dma_wait3A_209 = tpu.memref_squeeze %dma_wait3A_208 : memref<1x1x1x128xi32, #tpu.memory_space<hbm>> -> memref<1x128xi32, #tpu.memory_space<hbm>>
    %dma_wait3A_210 = arith.constant 0 : i32
    %dma_wait3A_211 = arith.constant 0 : i32
    %dma_wait3A_212 = tpu.memref_slice %arg7[%dma_wait3A_201, %dma_wait3A_210, %dma_wait3A_211] : memref<2x1x128xi32, #tpu.memory_space<vmem>> -> memref<1x1x128xi32, #tpu.memory_space<vmem>>
    %dma_wait3A_213 = tpu.memref_squeeze %dma_wait3A_212 : memref<1x1x128xi32, #tpu.memory_space<vmem>> -> memref<1x128xi32, #tpu.memory_space<vmem>>
    %dma_wait3A_214 = arith.constant 0 : i32
    %dma_wait3A_215 = arith.constant 0 : i32
    %dma_wait3A_216 = tpu.memref_slice %arg3[%add3A, %dma_wait3A_200, %dma_wait3A_214, %dma_wait3A_215] : memref<32x79x1x128xi32, #tpu.memory_space<hbm>> -> memref<1x1x1x128xi32, #tpu.memory_space<hbm>>
    %dma_wait3A_217 = tpu.memref_squeeze %dma_wait3A_216 : memref<1x1x1x128xi32, #tpu.memory_space<hbm>> -> memref<1x128xi32, #tpu.memory_space<hbm>>
    tpu.wait_dma2 semaphore(%arg14 : memref<!tpu.dma_semaphore, #tpu.memory_space<semaphore_mem>>) src(%dma_wait3A_217 : memref<1x128xi32, #tpu.memory_space<hbm>>) dst(%dma_wait3A_213 : memref<1x128xi32, #tpu.memory_space<vmem>>)
    %run_scoped3A_218 = arith.constant 1 : i32
    %run_scoped3A_219 = arith.constant 0 : i32
    "tpu.region"() ({
      %run_scoped3A_250 = tpu.sem_alloc : memref<!tpu.dma_semaphore, #tpu.memory_space<semaphore_mem>>
      %dma_start3A_251 = arith.constant 0 : i32
      %dma_start3A_252 = tpu.memref_slice %arg7[%run_scoped3A_218, %run_scoped3A_219, %dma_start3A_251] : memref<2x1x128xi32, #tpu.memory_space<vmem>> -> memref<1x1x128xi32, #tpu.memory_space<vmem>>
      %dma_start3A_253 = tpu.memref_squeeze %dma_start3A_252 : memref<1x1x128xi32, #tpu.memory_space<vmem>> -> memref<128xi32, #tpu.memory_space<vmem>>
      %dma_start3A_254 = arith.constant 0 : i32
      %dma_start3A_255 = arith.constant 0 : i32
      %dma_start3A_256 = tpu.memref_slice %arg10[%dma_start3A_254, %dma_start3A_255] : memref<10240x128xf32, #tpu.memory_space<vmem_shared>> -> memref<10240x128xf32, #tpu.memory_space<vmem_shared>>
      tpu.enqueue_indirect_dma source(%arg9 : memref<128x128xf32, #tpu.memory_space<vmem>>) target(%dma_start3A_256 : memref<10240x128xf32, #tpu.memory_space<vmem_shared>>) offsets(%dma_start3A_253 : memref<128xi32, #tpu.memory_space<vmem>>) semaphore(%run_scoped3A_250 : memref<!tpu.dma_semaphore, #tpu.memory_space<semaphore_mem>>) {add = true}
      %dma_wait3A_257 = arith.constant 0 : i32
      %dma_wait3A_258 = tpu.memref_slice %arg7[%run_scoped3A_218, %run_scoped3A_219, %dma_wait3A_257] : memref<2x1x128xi32, #tpu.memory_space<vmem>> -> memref<1x1x128xi32, #tpu.memory_space<vmem>>
      %dma_wait3A_259 = tpu.memref_squeeze %dma_wait3A_258 : memref<1x1x128xi32, #tpu.memory_space<vmem>> -> memref<128xi32, #tpu.memory_space<vmem>>
      %dma_wait3A_260 = arith.constant 0 : i32
      %dma_wait3A_261 = arith.constant 0 : i32
      %dma_wait3A_262 = tpu.memref_slice %arg10[%dma_wait3A_260, %dma_wait3A_261] : memref<10240x128xf32, #tpu.memory_space<vmem_shared>> -> memref<10240x128xf32, #tpu.memory_space<vmem_shared>>
      tpu.wait_indirect_dma semaphore(%run_scoped3A_250 : memref<!tpu.dma_semaphore, #tpu.memory_space<semaphore_mem>>) src(%arg9 : memref<128x128xf32, #tpu.memory_space<vmem>>) dst(%dma_wait3A_262 : memref<10240x128xf32, #tpu.memory_space<vmem_shared>>)
      tpu.yield
    }) : () -> ()
    %dma_wait3A_220 = arith.constant 9984 : i32
    %dma_wait3A_221 = tpu.memref_slice %arg6[%dma_wait3A_220] : memref<10112xi32, #tpu.memory_space<vmem>> -> memref<128xi32, #tpu.memory_space<vmem>>
    %dma_wait3A_222 = arith.constant 0 : i32
    %dma_wait3A_223 = arith.constant 0 : i32
    %dma_wait3A_224 = tpu.memref_slice %arg4[%dma_wait3A_222, %dma_wait3A_223] : memref<10000x128xf32, #tpu.memory_space<hbm>> -> memref<10000x128xf32, #tpu.memory_space<hbm>>
    tpu.wait_indirect_dma semaphore(%arg11 : memref<!tpu.dma_semaphore, #tpu.memory_space<semaphore_mem>>) src(%dma_wait3A_224 : memref<10000x128xf32, #tpu.memory_space<hbm>>) dst(%arg8 : memref<128x128xf32, #tpu.memory_space<vmem>>)
    %dma_wait3A_225 = arith.constant 78 : i32
    %dma_wait3A_226 = arith.constant 0 : i32
    %dma_wait3A_227 = arith.constant 0 : i32
    %dma_wait3A_228 = arith.constant 0 : i32
    %dma_wait3A_229 = tpu.memref_slice %arg7[%dma_wait3A_226, %dma_wait3A_227, %dma_wait3A_228] : memref<2x1x128xi32, #tpu.memory_space<vmem>> -> memref<1x1x128xi32, #tpu.memory_space<vmem>>
    %dma_wait3A_230 = tpu.memref_squeeze %dma_wait3A_229 : memref<1x1x128xi32, #tpu.memory_space<vmem>> -> memref<1x128xi32, #tpu.memory_space<vmem>>
    %dma_wait3A_231 = arith.constant 0 : i32
    %dma_wait3A_232 = arith.constant 0 : i32
    %dma_wait3A_233 = tpu.memref_slice %arg3[%add3A, %dma_wait3A_225, %dma_wait3A_231, %dma_wait3A_232] : memref<32x79x1x128xi32, #tpu.memory_space<hbm>> -> memref<1x1x1x128xi32, #tpu.memory_space<hbm>>
    %dma_wait3A_234 = tpu.memref_squeeze %dma_wait3A_233 : memref<1x1x1x128xi32, #tpu.memory_space<hbm>> -> memref<1x128xi32, #tpu.memory_space<hbm>>
    %dma_wait3A_235 = arith.constant 0 : i32
    %dma_wait3A_236 = arith.constant 0 : i32
    %dma_wait3A_237 = tpu.memref_slice %arg7[%dma_wait3A_226, %dma_wait3A_235, %dma_wait3A_236] : memref<2x1x128xi32, #tpu.memory_space<vmem>> -> memref<1x1x128xi32, #tpu.memory_space<vmem>>
    %dma_wait3A_238 = tpu.memref_squeeze %dma_wait3A_237 : memref<1x1x128xi32, #tpu.memory_space<vmem>> -> memref<1x128xi32, #tpu.memory_space<vmem>>
    %dma_wait3A_239 = arith.constant 0 : i32
    %dma_wait3A_240 = arith.constant 0 : i32
    %dma_wait3A_241 = tpu.memref_slice %arg3[%add3A, %dma_wait3A_225, %dma_wait3A_239, %dma_wait3A_240] : memref<32x79x1x128xi32, #tpu.memory_space<hbm>> -> memref<1x1x1x128xi32, #tpu.memory_space<hbm>>
    %dma_wait3A_242 = tpu.memref_squeeze %dma_wait3A_241 : memref<1x1x1x128xi32, #tpu.memory_space<hbm>> -> memref<1x128xi32, #tpu.memory_space<hbm>>
    tpu.wait_dma2 semaphore(%arg13 : memref<!tpu.dma_semaphore, #tpu.memory_space<semaphore_mem>>) src(%dma_wait3A_242 : memref<1x128xi32, #tpu.memory_space<hbm>>) dst(%dma_wait3A_238 : memref<1x128xi32, #tpu.memory_space<vmem>>)
    %run_scoped3A_243 = arith.constant 0 : i32
    %run_scoped3A_244 = arith.constant 0 : i32
    "tpu.region"() ({
      %run_scoped3A_250 = tpu.sem_alloc : memref<!tpu.dma_semaphore, #tpu.memory_space<semaphore_mem>>
      %dma_start3A_251 = arith.constant 0 : i32
      %dma_start3A_252 = tpu.memref_slice %arg7[%run_scoped3A_243, %run_scoped3A_244, %dma_start3A_251] : memref<2x1x128xi32, #tpu.memory_space<vmem>> -> memref<1x1x128xi32, #tpu.memory_space<vmem>>
      %dma_start3A_253 = tpu.memref_squeeze %dma_start3A_252 : memref<1x1x128xi32, #tpu.memory_space<vmem>> -> memref<128xi32, #tpu.memory_space<vmem>>
      %dma_start3A_254 = arith.constant 0 : i32
      %dma_start3A_255 = arith.constant 0 : i32
      %dma_start3A_256 = tpu.memref_slice %arg10[%dma_start3A_254, %dma_start3A_255] : memref<10240x128xf32, #tpu.memory_space<vmem_shared>> -> memref<10240x128xf32, #tpu.memory_space<vmem_shared>>
      tpu.enqueue_indirect_dma source(%arg8 : memref<128x128xf32, #tpu.memory_space<vmem>>) target(%dma_start3A_256 : memref<10240x128xf32, #tpu.memory_space<vmem_shared>>) offsets(%dma_start3A_253 : memref<128xi32, #tpu.memory_space<vmem>>) semaphore(%run_scoped3A_250 : memref<!tpu.dma_semaphore, #tpu.memory_space<semaphore_mem>>) {add = true}
      %dma_wait3A_257 = arith.constant 0 : i32
      %dma_wait3A_258 = tpu.memref_slice %arg7[%run_scoped3A_243, %run_scoped3A_244, %dma_wait3A_257] : memref<2x1x128xi32, #tpu.memory_space<vmem>> -> memref<1x1x128xi32, #tpu.memory_space<vmem>>
      %dma_wait3A_259 = tpu.memref_squeeze %dma_wait3A_258 : memref<1x1x128xi32, #tpu.memory_space<vmem>> -> memref<128xi32, #tpu.memory_space<vmem>>
      %dma_wait3A_260 = arith.constant 0 : i32
      %dma_wait3A_261 = arith.constant 0 : i32
      %dma_wait3A_262 = tpu.memref_slice %arg10[%dma_wait3A_260, %dma_wait3A_261] : memref<10240x128xf32, #tpu.memory_space<vmem_shared>> -> memref<10240x128xf32, #tpu.memory_space<vmem_shared>>
      tpu.wait_indirect_dma semaphore(%run_scoped3A_250 : memref<!tpu.dma_semaphore, #tpu.memory_space<semaphore_mem>>) src(%arg8 : memref<128x128xf32, #tpu.memory_space<vmem>>) dst(%dma_wait3A_262 : memref<10240x128xf32, #tpu.memory_space<vmem_shared>>)
      tpu.yield
    }) : () -> ()
    %barrier3A_245 = arith.constant 0 : index
    tpu.barrier barrier_id(%barrier3A_245)
    %mul3A_246 = arith.constant 640 : i32
    %mul3A_247 = arith.muli %arg1, %mul3A_246 : i32
    %mul3A_248 = arith.constant 640 : i32
    %mul3A_249 = arith.muli %arg1, %mul3A_248 : i32
    "tpu.region"() ({
      %run_scoped3A_250 = tpu.sem_alloc : memref<!tpu.dma_semaphore, #tpu.memory_space<semaphore_mem>>
      %dma_start3A_251 = arith.constant 0 : i32
      %dma_start3A_252 = tpu.memref_slice %arg5[%arg0, %mul3A_249, %dma_start3A_251] : memref<2x10240x128xf32, #tpu.memory_space<hbm>> -> memref<1x640x128xf32, #tpu.memory_space<hbm>>
      %dma_start3A_253 = tpu.memref_squeeze %dma_start3A_252 : memref<1x640x128xf32, #tpu.memory_space<hbm>> -> memref<640x128xf32, #tpu.memory_space<hbm>>
      %dma_start3A_254 = arith.constant 0 : i32
      %dma_start3A_255 = tpu.memref_slice %arg10[%mul3A_247, %dma_start3A_254] : memref<10240x128xf32, #tpu.memory_space<vmem_shared>> -> memref<640x128xf32, #tpu.memory_space<vmem_shared>>
      tpu.enqueue_dma source(%dma_start3A_255 : memref<640x128xf32, #tpu.memory_space<vmem_shared>>) target(%dma_start3A_253 : memref<640x128xf32, #tpu.memory_space<hbm>>) target_semaphore(%run_scoped3A_250 : memref<!tpu.dma_semaphore, #tpu.memory_space<semaphore_mem>>)
      %dma_wait3A_256 = arith.constant 0 : i32
      %dma_wait3A_257 = tpu.memref_slice %arg5[%arg0, %mul3A_249, %dma_wait3A_256] : memref<2x10240x128xf32, #tpu.memory_space<hbm>> -> memref<1x640x128xf32, #tpu.memory_space<hbm>>
      %dma_wait3A_258 = tpu.memref_squeeze %dma_wait3A_257 : memref<1x640x128xf32, #tpu.memory_space<hbm>> -> memref<640x128xf32, #tpu.memory_space<hbm>>
      %dma_wait3A_259 = arith.constant 0 : i32
      %dma_wait3A_260 = tpu.memref_slice %arg10[%mul3A_247, %dma_wait3A_259] : memref<10240x128xf32, #tpu.memory_space<vmem_shared>> -> memref<640x128xf32, #tpu.memory_space<vmem_shared>>
      tpu.wait_dma2 semaphore(%run_scoped3A_250 : memref<!tpu.dma_semaphore, #tpu.memory_space<semaphore_mem>>) src(%dma_wait3A_260 : memref<640x128xf32, #tpu.memory_space<vmem_shared>>) dst(%dma_wait3A_258 : memref<640x128xf32, #tpu.memory_space<hbm>>)
      tpu.yield
    }) : () -> ()
    return
  }
}

module attributes {stable_mosaic.version = 14 : i64} {
  func.func @_split_body(%arg0: memref<2x320000xi32, #tpu.memory_space<vmem>>, %arg1: memref<320000xi32, #tpu.memory_space<vmem>>, %arg2: memref<320000xi32, #tpu.memory_space<vmem>>) attributes {dimension_semantics = [], scalar_prefetch = 0 : i64, scratch_operands = 0 : i64, tpu.core_type = #tpu.core_type<tc>} {
    %get3A = arith.constant 0 : index
    %get3A_0 = arith.constant 0 : index
    %get3A_1 = vector.load %arg0[%get3A, %get3A_0] : memref<2x320000xi32, #tpu.memory_space<vmem>>, vector<1x320000xi32>
    %get3A_2 = vector.shape_cast %get3A_1 : vector<1x320000xi32> to vector<320000xi32>
    %swap3A = arith.constant 0 : index
    %swap3A_3 = vector.load %arg1[%swap3A] : memref<320000xi32, #tpu.memory_space<vmem>>, vector<320000xi32>
    tpu.vector_store %arg1[%swap3A], %get3A_2 {strides = array<i32>} : memref<320000xi32, #tpu.memory_space<vmem>>, vector<320000xi32>,
    %get3A_4 = arith.constant 1 : index
    %get3A_5 = arith.constant 0 : index
    %get3A_6 = vector.load %arg0[%get3A_4, %get3A_5] : memref<2x320000xi32, #tpu.memory_space<vmem>>, vector<1x320000xi32>
    %get3A_7 = vector.shape_cast %get3A_6 : vector<1x320000xi32> to vector<320000xi32>
    %swap3A_8 = arith.constant 0 : index
    %swap3A_9 = vector.load %arg2[%swap3A_8] : memref<320000xi32, #tpu.memory_space<vmem>>, vector<320000xi32>
    tpu.vector_store %arg2[%swap3A_8], %get3A_7 {strides = array<i32>} : memref<320000xi32, #tpu.memory_space<vmem>>, vector<320000xi32>,
    return
  }
}

module attributes {stable_mosaic.version = 14 : i64} {
  func.func @_tc1_body(%arg0: i32, %arg1: memref<2000x128xf32, #tpu.memory_space<vmem>>, %arg2: memref<128x128xf32, #tpu.memory_space<vmem>>, %arg3: memref<2x2000x1xf32, #tpu.memory_space<vmem>>, %arg4: memref<2000x128xf32, #tpu.memory_space<vmem>>) attributes {dimension_semantics = [#tpu.dimension_semantics<arbitrary>], iteration_bounds = array<i64: 5>, scalar_prefetch = 0 : i64, scratch_operands = 0 : i64, tpu.core_type = #tpu.core_type<tc>, window_params = [{transform_indices = @transform_0, window_bounds = array<i64: 2000, 128>}, {pipeline_mode = #tpu.pipeline_mode<synchronous>, transform_indices = @transform_1, window_bounds = array<i64: 128, 128>}, {transform_indices = @transform_2, window_bounds = array<i64: 2, 2000, 1>}, {transform_indices = @transform_3, window_bounds = array<i64: 2000, 128>}]} {
    %get3A = arith.constant 0 : index
    %get3A_0 = arith.constant 0 : index
    %get3A_1 = vector.load %arg1[%get3A, %get3A_0] : memref<2000x128xf32, #tpu.memory_space<vmem>>, vector<2000x128xf32>
    %get3A_2 = arith.constant 0 : index
    %get3A_3 = arith.constant 0 : index
    %get3A_4 = vector.load %arg2[%get3A_2, %get3A_3] : memref<128x128xf32, #tpu.memory_space<vmem>>, vector<128x128xf32>
    %dot_general3A = arith.constant dense<0.000000e+00> : vector<2000x128xf32>
    %dot_general3A_5 = tpu.matmul %get3A_1, %get3A_4, %dot_general3A {dimension_numbers = #tpu.dot_dimension_numbers<[1], [0], [0], [1], [0, 0, 1, 1], [], []>, transpose_lhs_hint = false} : vector<2000x128xf32>, vector<128x128xf32>, vector<2000x128xf32> -> vector<2000x128xf32>
    %get3A_6 = arith.constant 0 : index
    %get3A_7 = arith.constant 0 : index
    %get3A_8 = arith.constant 0 : index
    %get3A_9 = vector.load %arg3[%get3A_6, %get3A_7, %get3A_8] : memref<2x2000x1xf32, #tpu.memory_space<vmem>>, vector<1x2000x1xf32>
    %get3A_10 = vector.shape_cast %get3A_9 : vector<1x2000x1xf32> to vector<2000x1xf32>
    %get3A_11 = arith.constant 1 : index
    %get3A_12 = arith.constant 0 : index
    %get3A_13 = arith.constant 0 : index
    %get3A_14 = vector.load %arg3[%get3A_11, %get3A_12, %get3A_13] : memref<2x2000x1xf32, #tpu.memory_space<vmem>>, vector<1x2000x1xf32>
    %get3A_15 = vector.shape_cast %get3A_14 : vector<1x2000x1xf32> to vector<2000x1xf32>
    %add3A = arith.addf %get3A_10, %get3A_15 : vector<2000x1xf32>
    %add3A_16 = arith.constant 1.000000e+00 : f32
    %add3A_17 = vector.broadcast %add3A_16 : f32 to vector<2000x1xf32>
    %add3A_18 = arith.addf %add3A, %add3A_17 : vector<2000x1xf32>
    %rsqrt3A = math.rsqrt %add3A_18 : vector<2000x1xf32>
    %mul3A = vector.broadcast %rsqrt3A : vector<2000x1xf32> to vector<2000x128xf32>
    %mul3A_19 = arith.mulf %dot_general3A_5, %mul3A : vector<2000x128xf32>
    %swap3A = arith.constant 0 : index
    %swap3A_20 = arith.constant 0 : index
    %swap3A_21 = vector.load %arg4[%swap3A, %swap3A_20] : memref<2000x128xf32, #tpu.memory_space<vmem>>, vector<2000x128xf32>
    tpu.vector_store %arg4[%swap3A, %swap3A_20], %mul3A_19 {strides = array<i32>} : memref<2000x128xf32, #tpu.memory_space<vmem>>, vector<2000x128xf32>,
    return
  }
  func.func @transform_0(%arg0: i32) -> (i32, i32) {
    %c0_i32 = arith.constant 0 : i32
    %c0_i32_0 = arith.constant 0 : i32
    return %arg0, %c0_i32 : i32, i32
  }
  func.func @transform_1(%arg0: i32) -> (i32, i32) {
    %c0_i32 = arith.constant 0 : i32
    %c0_i32_0 = arith.constant 0 : i32
    %c0_i32_1 = arith.constant 0 : i32
    return %c0_i32, %c0_i32_0 : i32, i32
  }
  func.func @transform_2(%arg0: i32) -> (i32, i32, i32) {
    %c0_i32 = arith.constant 0 : i32
    %c0_i32_0 = arith.constant 0 : i32
    %c0_i32_1 = arith.constant 0 : i32
    return %c0_i32, %arg0, %c0_i32_0 : i32, i32, i32
  }
  func.func @transform_3(%arg0: i32) -> (i32, i32) {
    %c0_i32 = arith.constant 0 : i32
    %c0_i32_0 = arith.constant 0 : i32
    return %arg0, %c0_i32 : i32, i32
  }
}

module attributes {stable_mosaic.version = 14 : i64} {
  func.func @_tc2_body(%arg0: i32, %arg1: memref<2x2000x128xf32, #tpu.memory_space<vmem>>, %arg2: memref<2000x128xf32, #tpu.memory_space<vmem>>, %arg3: memref<2x2000x1xf32, #tpu.memory_space<vmem>>, %arg4: memref<128x128xf32, #tpu.memory_space<vmem>>, %arg5: memref<1x128xf32, #tpu.memory_space<vmem>>, %arg6: memref<2000x128xf32, #tpu.memory_space<vmem>>) attributes {dimension_semantics = [#tpu.dimension_semantics<arbitrary>], iteration_bounds = array<i64: 5>, scalar_prefetch = 0 : i64, scratch_operands = 0 : i64, tpu.core_type = #tpu.core_type<tc>, window_params = [{transform_indices = @transform_0, window_bounds = array<i64: 2, 2000, 128>}, {transform_indices = @transform_1, window_bounds = array<i64: 2000, 128>}, {transform_indices = @transform_2, window_bounds = array<i64: 2, 2000, 1>}, {pipeline_mode = #tpu.pipeline_mode<synchronous>, transform_indices = @transform_3, window_bounds = array<i64: 128, 128>}, {pipeline_mode = #tpu.pipeline_mode<synchronous>, transform_indices = @transform_4, window_bounds = array<i64: 1, 128>}, {transform_indices = @transform_5, window_bounds = array<i64: 2000, 128>}]} {
    %get3A = arith.constant 0 : index
    %get3A_0 = arith.constant 0 : index
    %get3A_1 = arith.constant 0 : index
    %get3A_2 = vector.load %arg3[%get3A, %get3A_0, %get3A_1] : memref<2x2000x1xf32, #tpu.memory_space<vmem>>, vector<1x2000x1xf32>
    %get3A_3 = vector.shape_cast %get3A_2 : vector<1x2000x1xf32> to vector<2000x1xf32>
    %get3A_4 = arith.constant 1 : index
    %get3A_5 = arith.constant 0 : index
    %get3A_6 = arith.constant 0 : index
    %get3A_7 = vector.load %arg3[%get3A_4, %get3A_5, %get3A_6] : memref<2x2000x1xf32, #tpu.memory_space<vmem>>, vector<1x2000x1xf32>
    %get3A_8 = vector.shape_cast %get3A_7 : vector<1x2000x1xf32> to vector<2000x1xf32>
    %add3A = arith.addf %get3A_3, %get3A_8 : vector<2000x1xf32>
    %add3A_9 = arith.constant 1.000000e+00 : f32
    %add3A_10 = vector.broadcast %add3A_9 : f32 to vector<2000x1xf32>
    %add3A_11 = arith.addf %add3A, %add3A_10 : vector<2000x1xf32>
    %rsqrt3A = math.rsqrt %add3A_11 : vector<2000x1xf32>
    %get3A_12 = arith.constant 0 : index
    %get3A_13 = arith.constant 0 : index
    %get3A_14 = arith.constant 0 : index
    %get3A_15 = vector.load %arg1[%get3A_12, %get3A_13, %get3A_14] : memref<2x2000x128xf32, #tpu.memory_space<vmem>>, vector<1x2000x128xf32>
    %get3A_16 = vector.shape_cast %get3A_15 : vector<1x2000x128xf32> to vector<2000x128xf32>
    %get3A_17 = arith.constant 1 : index
    %get3A_18 = arith.constant 0 : index
    %get3A_19 = arith.constant 0 : index
    %get3A_20 = vector.load %arg1[%get3A_17, %get3A_18, %get3A_19] : memref<2x2000x128xf32, #tpu.memory_space<vmem>>, vector<1x2000x128xf32>
    %get3A_21 = vector.shape_cast %get3A_20 : vector<1x2000x128xf32> to vector<2000x128xf32>
    %add3A_22 = arith.addf %get3A_16, %get3A_21 : vector<2000x128xf32>
    %get3A_23 = arith.constant 0 : index
    %get3A_24 = arith.constant 0 : index
    %get3A_25 = vector.load %arg2[%get3A_23, %get3A_24] : memref<2000x128xf32, #tpu.memory_space<vmem>>, vector<2000x128xf32>
    %add3A_26 = arith.addf %add3A_22, %get3A_25 : vector<2000x128xf32>
    %mul3A = vector.broadcast %rsqrt3A : vector<2000x1xf32> to vector<2000x128xf32>
    %mul3A_27 = arith.mulf %add3A_26, %mul3A : vector<2000x128xf32>
    %get3A_28 = arith.constant 0 : index
    %get3A_29 = arith.constant 0 : index
    %get3A_30 = vector.load %arg5[%get3A_28, %get3A_29] : memref<1x128xf32, #tpu.memory_space<vmem>>, vector<1x128xf32>
    %add3A_31 = vector.broadcast %get3A_30 : vector<1x128xf32> to vector<2000x128xf32>
    %add3A_32 = arith.addf %mul3A_27, %add3A_31 : vector<2000x128xf32>
    %max3A = arith.constant 0.000000e+00 : f32
    %max3A_33 = vector.broadcast %max3A : f32 to vector<2000x128xf32>
    %max3A_34 = arith.maximumf %add3A_32, %max3A_33 : vector<2000x128xf32>
    %get3A_35 = arith.constant 0 : index
    %get3A_36 = arith.constant 0 : index
    %get3A_37 = vector.load %arg4[%get3A_35, %get3A_36] : memref<128x128xf32, #tpu.memory_space<vmem>>, vector<128x128xf32>
    %dot_general3A = arith.constant dense<0.000000e+00> : vector<2000x128xf32>
    %dot_general3A_38 = tpu.matmul %max3A_34, %get3A_37, %dot_general3A {dimension_numbers = #tpu.dot_dimension_numbers<[1], [0], [0], [1], [0, 0, 1, 1], [], []>, transpose_lhs_hint = false} : vector<2000x128xf32>, vector<128x128xf32>, vector<2000x128xf32> -> vector<2000x128xf32>
    %mul3A_39 = vector.broadcast %rsqrt3A : vector<2000x1xf32> to vector<2000x128xf32>
    %mul3A_40 = arith.mulf %dot_general3A_38, %mul3A_39 : vector<2000x128xf32>
    %swap3A = arith.constant 0 : index
    %swap3A_41 = arith.constant 0 : index
    %swap3A_42 = vector.load %arg6[%swap3A, %swap3A_41] : memref<2000x128xf32, #tpu.memory_space<vmem>>, vector<2000x128xf32>
    tpu.vector_store %arg6[%swap3A, %swap3A_41], %mul3A_40 {strides = array<i32>} : memref<2000x128xf32, #tpu.memory_space<vmem>>, vector<2000x128xf32>,
    return
  }
  func.func @transform_0(%arg0: i32) -> (i32, i32, i32) {
    %c0_i32 = arith.constant 0 : i32
    %c0_i32_0 = arith.constant 0 : i32
    %c0_i32_1 = arith.constant 0 : i32
    return %c0_i32, %arg0, %c0_i32_0 : i32, i32, i32
  }
  func.func @transform_1(%arg0: i32) -> (i32, i32) {
    %c0_i32 = arith.constant 0 : i32
    %c0_i32_0 = arith.constant 0 : i32
    return %arg0, %c0_i32 : i32, i32
  }
  func.func @transform_2(%arg0: i32) -> (i32, i32, i32) {
    %c0_i32 = arith.constant 0 : i32
    %c0_i32_0 = arith.constant 0 : i32
    %c0_i32_1 = arith.constant 0 : i32
    return %c0_i32, %arg0, %c0_i32_0 : i32, i32, i32
  }
  func.func @transform_3(%arg0: i32) -> (i32, i32) {
    %c0_i32 = arith.constant 0 : i32
    %c0_i32_0 = arith.constant 0 : i32
    %c0_i32_1 = arith.constant 0 : i32
    return %c0_i32, %c0_i32_0 : i32, i32
  }
  func.func @transform_4(%arg0: i32) -> (i32, i32) {
    %c0_i32 = arith.constant 0 : i32
    %c0_i32_0 = arith.constant 0 : i32
    %c0_i32_1 = arith.constant 0 : i32
    return %c0_i32, %c0_i32_0 : i32, i32
  }
  func.func @transform_5(%arg0: i32) -> (i32, i32) {
    %c0_i32 = arith.constant 0 : i32
    %c0_i32_0 = arith.constant 0 : i32
    return %arg0, %c0_i32 : i32, i32
  }
}

module attributes {stable_mosaic.version = 14 : i64} {
  func.func @_tc3_body(%arg0: i32, %arg1: memref<2x2000x128xf32, #tpu.memory_space<vmem>>, %arg2: memref<2000x128xf32, #tpu.memory_space<vmem>>, %arg3: memref<2x2000x1xf32, #tpu.memory_space<vmem>>, %arg4: memref<1x128xf32, #tpu.memory_space<vmem>>, %arg5: memref<128x64xf32, #tpu.memory_space<vmem>>, %arg6: memref<1x64xf32, #tpu.memory_space<vmem>>, %arg7: memref<2000x64xf32, #tpu.memory_space<vmem>>) attributes {dimension_semantics = [#tpu.dimension_semantics<arbitrary>], iteration_bounds = array<i64: 5>, scalar_prefetch = 0 : i64, scratch_operands = 0 : i64, tpu.core_type = #tpu.core_type<tc>, window_params = [{transform_indices = @transform_0, window_bounds = array<i64: 2, 2000, 128>}, {transform_indices = @transform_1, window_bounds = array<i64: 2000, 128>}, {transform_indices = @transform_2, window_bounds = array<i64: 2, 2000, 1>}, {pipeline_mode = #tpu.pipeline_mode<synchronous>, transform_indices = @transform_3, window_bounds = array<i64: 1, 128>}, {pipeline_mode = #tpu.pipeline_mode<synchronous>, transform_indices = @transform_4, window_bounds = array<i64: 128, 64>}, {pipeline_mode = #tpu.pipeline_mode<synchronous>, transform_indices = @transform_5, window_bounds = array<i64: 1, 64>}, {transform_indices = @transform_6, window_bounds = array<i64: 2000, 64>}]} {
    %get3A = arith.constant 0 : index
    %get3A_0 = arith.constant 0 : index
    %get3A_1 = arith.constant 0 : index
    %get3A_2 = vector.load %arg1[%get3A, %get3A_0, %get3A_1] : memref<2x2000x128xf32, #tpu.memory_space<vmem>>, vector<1x2000x128xf32>
    %get3A_3 = vector.shape_cast %get3A_2 : vector<1x2000x128xf32> to vector<2000x128xf32>
    %get3A_4 = arith.constant 1 : index
    %get3A_5 = arith.constant 0 : index
    %get3A_6 = arith.constant 0 : index
    %get3A_7 = vector.load %arg1[%get3A_4, %get3A_5, %get3A_6] : memref<2x2000x128xf32, #tpu.memory_space<vmem>>, vector<1x2000x128xf32>
    %get3A_8 = vector.shape_cast %get3A_7 : vector<1x2000x128xf32> to vector<2000x128xf32>
    %add3A = arith.addf %get3A_3, %get3A_8 : vector<2000x128xf32>
    %get3A_9 = arith.constant 0 : index
    %get3A_10 = arith.constant 0 : index
    %get3A_11 = vector.load %arg2[%get3A_9, %get3A_10] : memref<2000x128xf32, #tpu.memory_space<vmem>>, vector<2000x128xf32>
    %add3A_12 = arith.addf %add3A, %get3A_11 : vector<2000x128xf32>
    %get3A_13 = arith.constant 0 : index
    %get3A_14 = arith.constant 0 : index
    %get3A_15 = arith.constant 0 : index
    %get3A_16 = vector.load %arg3[%get3A_13, %get3A_14, %get3A_15] : memref<2x2000x1xf32, #tpu.memory_space<vmem>>, vector<1x2000x1xf32>
    %get3A_17 = vector.shape_cast %get3A_16 : vector<1x2000x1xf32> to vector<2000x1xf32>
    %get3A_18 = arith.constant 1 : index
    %get3A_19 = arith.constant 0 : index
    %get3A_20 = arith.constant 0 : index
    %get3A_21 = vector.load %arg3[%get3A_18, %get3A_19, %get3A_20] : memref<2x2000x1xf32, #tpu.memory_space<vmem>>, vector<1x2000x1xf32>
    %get3A_22 = vector.shape_cast %get3A_21 : vector<1x2000x1xf32> to vector<2000x1xf32>
    %add3A_23 = arith.addf %get3A_17, %get3A_22 : vector<2000x1xf32>
    %add3A_24 = arith.constant 1.000000e+00 : f32
    %add3A_25 = vector.broadcast %add3A_24 : f32 to vector<2000x1xf32>
    %add3A_26 = arith.addf %add3A_23, %add3A_25 : vector<2000x1xf32>
    %rsqrt3A = math.rsqrt %add3A_26 : vector<2000x1xf32>
    %mul3A = vector.broadcast %rsqrt3A : vector<2000x1xf32> to vector<2000x128xf32>
    %mul3A_27 = arith.mulf %add3A_12, %mul3A : vector<2000x128xf32>
    %get3A_28 = arith.constant 0 : index
    %get3A_29 = arith.constant 0 : index
    %get3A_30 = vector.load %arg4[%get3A_28, %get3A_29] : memref<1x128xf32, #tpu.memory_space<vmem>>, vector<1x128xf32>
    %add3A_31 = vector.broadcast %get3A_30 : vector<1x128xf32> to vector<2000x128xf32>
    %add3A_32 = arith.addf %mul3A_27, %add3A_31 : vector<2000x128xf32>
    %max3A = arith.constant 0.000000e+00 : f32
    %max3A_33 = vector.broadcast %max3A : f32 to vector<2000x128xf32>
    %max3A_34 = arith.maximumf %add3A_32, %max3A_33 : vector<2000x128xf32>
    %get3A_35 = arith.constant 0 : index
    %get3A_36 = arith.constant 0 : index
    %get3A_37 = vector.load %arg5[%get3A_35, %get3A_36] : memref<128x64xf32, #tpu.memory_space<vmem>>, vector<128x64xf32>
    %dot_general3A = arith.constant dense<0.000000e+00> : vector<2000x64xf32>
    %dot_general3A_38 = tpu.matmul %max3A_34, %get3A_37, %dot_general3A {dimension_numbers = #tpu.dot_dimension_numbers<[1], [0], [0], [1], [0, 0, 1, 1], [], []>, transpose_lhs_hint = false} : vector<2000x128xf32>, vector<128x64xf32>, vector<2000x64xf32> -> vector<2000x64xf32>
    %get3A_39 = arith.constant 0 : index
    %get3A_40 = arith.constant 0 : index
    %get3A_41 = vector.load %arg6[%get3A_39, %get3A_40] : memref<1x64xf32, #tpu.memory_space<vmem>>, vector<1x64xf32>
    %add3A_42 = vector.broadcast %get3A_41 : vector<1x64xf32> to vector<2000x64xf32>
    %add3A_43 = arith.addf %dot_general3A_38, %add3A_42 : vector<2000x64xf32>
    %swap3A = arith.constant 0 : index
    %swap3A_44 = arith.constant 0 : index
    %swap3A_45 = vector.load %arg7[%swap3A, %swap3A_44] : memref<2000x64xf32, #tpu.memory_space<vmem>>, vector<2000x64xf32>
    tpu.vector_store %arg7[%swap3A, %swap3A_44], %add3A_43 {strides = array<i32>} : memref<2000x64xf32, #tpu.memory_space<vmem>>, vector<2000x64xf32>,
    return
  }
  func.func @transform_0(%arg0: i32) -> (i32, i32, i32) {
    %c0_i32 = arith.constant 0 : i32
    %c0_i32_0 = arith.constant 0 : i32
    %c0_i32_1 = arith.constant 0 : i32
    return %c0_i32, %arg0, %c0_i32_0 : i32, i32, i32
  }
  func.func @transform_1(%arg0: i32) -> (i32, i32) {
    %c0_i32 = arith.constant 0 : i32
    %c0_i32_0 = arith.constant 0 : i32
    return %arg0, %c0_i32 : i32, i32
  }
  func.func @transform_2(%arg0: i32) -> (i32, i32, i32) {
    %c0_i32 = arith.constant 0 : i32
    %c0_i32_0 = arith.constant 0 : i32
    %c0_i32_1 = arith.constant 0 : i32
    return %c0_i32, %arg0, %c0_i32_0 : i32, i32, i32
  }
  func.func @transform_3(%arg0: i32) -> (i32, i32) {
    %c0_i32 = arith.constant 0 : i32
    %c0_i32_0 = arith.constant 0 : i32
    %c0_i32_1 = arith.constant 0 : i32
    return %c0_i32, %c0_i32_0 : i32, i32
  }
  func.func @transform_4(%arg0: i32) -> (i32, i32) {
    %c0_i32 = arith.constant 0 : i32
    %c0_i32_0 = arith.constant 0 : i32
    %c0_i32_1 = arith.constant 0 : i32
    return %c0_i32, %c0_i32_0 : i32, i32
  }
  func.func @transform_5(%arg0: i32) -> (i32, i32) {
    %c0_i32 = arith.constant 0 : i32
    %c0_i32_0 = arith.constant 0 : i32
    %c0_i32_1 = arith.constant 0 : i32
    return %c0_i32, %c0_i32_0 : i32, i32
  }
  func.func @transform_6(%arg0: i32) -> (i32, i32) {
    %c0_i32 = arith.constant 0 : i32
    %c0_i32_0 = arith.constant 0 : i32
    return %arg0, %c0_i32 : i32, i32
  }
}

</mosaic_0001>

<sc_bundles>
// kernel: kernel.12.cloned.1.call-start
scs
__scs_entry_jumppad:
0x0: {  	(pc) =	sbr.rel $0x88, $3  }
0x1: {  	(tag) =	ssettag $0x0;
	lr =	simm.s32 $0x1  }
0x2: {  	[smem:$0x3F99] =	sst lr;
	_ =	strace $0xD0000000  }
0x3: {  	_ = 	snop  }
0x4: {  	_ = 	snop  }
0x5: {  	_ = 	snop  }
0x6: {  	_ = 	snop  }
0x7: {  	_ = 	snop  }
__scs_overlays_trampoline_lowered:
0x8: {  	[smem:$0x3FA8] =	sst s0  }
0x9: {  	[smem:$0x3FA9] =	sst s1  }
0xa: {  	[smem:$0x3FAA] =	sst s2  }
0xb: {  	[smem:$0x3FAB] =	sst s3  }
0xc: {  	[smem:$0x3FAC] =	sst s4  }
0xd: {  	[smem:$0x3FAD] =	sst s5  }
0xe: {  	[smem:$0x3FAE] =	sst s6  }
0xf: {  	[smem:$0x3FAF] =	sst s7  }
0x10: {  	[smem:$0x3FB0] =	sst s8  }
0x11: {  	[smem:$0x3FB1] =	sst s9;
	s0 =	simm.s32 @!p0 $0x0  }
0x12: {  	s1 =	sld [smem:$0x3F97];
	s0 =	simm.s32 @p0 $0x1  }
0x13: {  	[smem:$0x3FB2] =	sst s0;
	s0 =	simm.s32 @!p1 $0x0  }
0x14: {  	s2 =	sld [smem:$0x3F96];
	s0 =	simm.s32 @p1 $0x1  }
0x15: {  	[smem:$0x3FB3] =	sst s0;
	s0 =	simm.s32 @!p2 $0x0  }
0x16: {  	s3 =	sld [smem:$0x3FDB];
	s0 =	simm.s32 @p2 $0x1  }
0x17: {  	s4 =	simm.s32 $0x1BF5;
	[smem:$0x3FB5] =	sst s0  }
0x18: {  	s0 =	sld [smem:$0x3F98];
	_ =	swait.ge [sflag:s4], $0x0  }
0x19: {  	s7 =	sld [smem:$0x3F99]  }
0x1a: {  	s8 =	sadd.s32 $0xFFFFE003, lr  }
0x1b: {  	s9 =	sadd.s32 $0xFFFFFEF7, lr;
	s5 =	simm.s32 $0xFFFFFFFF;
	p2 =	slt.u32 s8, $0xFFFFF086  }
0x1c: {  	p1 =	slt.u32 s9, $0xF7A;
	s5 =	simm.s32 @!p2 $0x0  }
0x1d: {  	s5 =	simm.s32 @p1 $0x1;
	p0 =	seq.s32 s7, s2  }
0x1e: {  	s7 =	smul.u32 @!p0 $0xF7A, s2;
	p2 =	seq.s32 @!p0 s5, $0x0  }
0x1f: {  	s9 =	smul.u32 $0xF7A, s1;
	s8 =	simm.s32 @!p0 $0x1BF5;
	p2 =	por !p2, p0  }
0x20: {  	[sflag:s8] =	ssyncset.s32 @!p0 $0xFFFFF086;
	s6 =	sadd.s32 @!p0 s3, s7;
	s7 =	simm.s32 @!p0 $0x108  }
0x21: {  	s3 =	sadd.s32 s3, s9;
	s6 =	sadd.s32 @!p0 $0x88, s6;
	s7 =	simm.s32 @p2 $0x1082  }
0x22: {  	[simem:s7], [sflag:s8] =	dma.local @!p0 [hbm:s6], $0xF7A  }
0x23: {  	s9 =	sor.u32 $0xD0000000, s2;
	s6 =	simm.s32 $0x108;
	_ =	swait.ge @!p0 [sflag:s8], $0x0  }
0x24: {  	s3 =	sadd.s32 $0x88, s3;
	s6 =	simm.s32 @!p1 $0x1082;
	[sflag:s4] =	ssyncset.s32 $0xFFFFF086  }
0x25: {  	[simem:s6], [sflag:s4] =	dma.local [hbm:s3], $0xF7A  }
0x26: {  	[smem:$0x3F99] =	sst s1;
	(tag) =	ssettag s2;
	_ =	strace s9  }
0x27: {  	s1 =	sld [smem:$0x3FA9]  }
0x28: {  	s2 =	sld [smem:$0x3FAA]  }
0x29: {  	s4 =	sld [smem:$0x3FAC]  }
0x2a: {  	p0 =	seq.s32 s5, $0x0;
	s5 =	sld [smem:$0x3FAD]  }
0x2b: {  	s6 =	sld [smem:$0x3FAE]  }
0x2c: {  	s7 =	sld [smem:$0x3FAF]  }
0x2d: {  	s3 =	simm.s32 $0x108;
	s8 =	sld [smem:$0x3FB0]  }
0x2e: {  	s3 =	simm.s32 @!p0 $0x1082;
	s9 =	sld [smem:$0x3FB1]  }
0x2f: {  	lr =	sadd.s32 s0, s3;
	s0 =	sld [smem:$0x3FA8]  }
0x30: {  	s3 =	sld [smem:$0x3FAB]  }
0x31: {  	[smem:$0x3FB4] =	sst s10  }
0x32: {  	s10 =	sld [smem:$0x3FB2];
	_ =	sdelay $0x3  }
0x33: {  	p0 =	seq.s32 s10, $0x1;
	s10 =	sld [smem:$0x3FB4];
	_ =	sdelay $0x3  }
0x34: {  	[smem:$0x3FB4] =	sst s10  }
0x35: {  	s10 =	sld [smem:$0x3FB3];
	_ =	sdelay $0x3  }
0x36: {  	p1 =	seq.s32 s10, $0x1;
	s10 =	sld [smem:$0x3FB4];
	_ =	sdelay $0x3  }
0x37: {  	[smem:$0x3FB4] =	sst s10  }
0x38: {  	s10 =	sld [smem:$0x3FB5]  }
0x39: {  	_ = 	snop;
	(pc) =	sbr.ind lr, $3  }
0x3a: {  	_ = 	snop  }
0x3b: {  	_ = 	snop  }
0x3c: {  	p2 =	seq.s32 s10, $0x1;
	s10 =	sld [smem:$0x3FB4]  }
0x3d: {  	_ =	shalt  }
0x3e: {  	_ =	shalt  }
0x3f: {  	_ =	shalt  }
0x40: {  	_ =	shalt  }
0x41: {  	_ =	shalt  }
0x42: {  	_ =	shalt  }
0x43: {  	_ =	shalt  }
0x44: {  	_ =	shalt  }
0x45: {  	_ =	shalt  }
0x46: {  	_ =	shalt  }
0x47: {  	_ =	shalt  }
0x48: {  	_ =	shalt  }
0x49: {  	_ =	shalt  }
0x4a: {  	_ =	shalt  }
0x4b: {  	_ =	shalt  }
0x4c: {  	_ =	shalt  }
0x4d: {  	_ =	shalt  }
0x4e: {  	_ =	shalt  }
0x4f: {  	_ =	shalt  }
0x50: {  	_ =	shalt  }
0x51: {  	_ =	shalt  }
0x52: {  	_ =	shalt  }
0x53: {  	_ =	shalt  }
0x54: {  	_ =	shalt  }
0x55: {  	_ =	shalt  }
0x56: {  	_ =	shalt  }
0x57: {  	_ =	shalt  }
0x58: {  	_ =	shalt  }
0x59: {  	_ =	shalt  }
0x5a: {  	_ =	shalt  }
0x5b: {  	_ =	shalt  }
0x5c: {  	_ =	shalt  }
0x5d: {  	_ =	shalt  }
0x5e: {  	_ =	shalt  }
0x5f: {  	_ =	shalt  }
0x60: {  	_ =	shalt  }
0x61: {  	_ =	shalt  }
0x62: {  	_ =	shalt  }
0x63: {  	_ =	shalt  }
0x64: {  	_ =	shalt  }
0x65: {  	_ =	shalt  }
0x66: {  	_ =	shalt  }
0x67: {  	_ =	shalt  }
0x68: {  	_ =	shalt  }
0x69: {  	_ =	shalt  }
0x6a: {  	_ =	shalt  }
0x6b: {  	_ =	shalt  }
0x6c: {  	_ =	shalt  }
0x6d: {  	_ =	shalt  }
0x6e: {  	_ =	shalt  }
0x6f: {  	_ =	shalt  }
0x70: {  	_ =	shalt  }
0x71: {  	_ =	shalt  }
0x72: {  	_ =	shalt  }
0x73: {  	_ =	shalt  }
0x74: {  	_ =	shalt  }
0x75: {  	_ =	shalt  }
0x76: {  	_ =	shalt  }
0x77: {  	_ =	shalt  }
0x78: {  	_ =	shalt  }
0x79: {  	_ =	shalt  }
0x7a: {  	_ =	shalt  }
0x7b: {  	_ =	shalt  }
0x7c: {  	_ =	shalt  }
0x7d: {  	_ =	shalt  }
0x7e: {  	_ =	shalt  }
0x7f: {  	_ =	shalt  }
0x80: {  	_ =	shalt  }
0x81: {  	_ =	shalt  }
0x82: {  	_ =	shalt  }
0x83: {  	_ =	shalt  }
0x84: {  	_ =	shalt  }
0x85: {  	_ =	shalt  }
0x86: {  	_ =	shalt  }
0x87: {  	_ =	shalt  }
.Lfunc_end0:
.L_simem_size_0:
called_computation.1_lowered:
.L_overlay_start_0:
0x88: {  	s2 =	sld [smem:$0x3FD9]  }
0x89: {  	s3 =	sld [smem:$0x3FFE];
	_ =	sdelay $0x1  }
0x8a: {  	s1 =	srdreg.scid  }
0x8b: {  	s0 =	sand.u32 $0x1, s1  }
0x8c: {  	s16 =	sshll.u32 s0, $0xA;
	s2 =	sadd.s32 s3, s2  }
0x8d: {  	s2 =	sadd.s32 s2, s16  }
0x8e: {  	[smem:$0x3FC0] =	sst s2  }
0x8f: {  	_ = 	snop  }
0x90: {  	(tm) =	ssettm $0x1  }
0x91: {  	s17 =	sld [smem:$0x3FFB];
	_ =	sdelay $0x3  }
0x92: {  	_ =	strace s17  }
0x93: {  	s2 =	sld [smem:$0x3FFC];
	_ =	sdelay $0x3  }
0x94: {  	_ =	strace s2  }
0x95: {  	s2 =	sld [smem:$0x3FFD];
	_ =	sdelay $0x3  }
0x96: {  	_ =	strace s2  }
0x97: {  	_ =	strace $0x8FFFFFFF  }
0x98: {  	s18 =	sld [smem:$0x3FDB];
	_ =	sdelay $0x1  }
0x99: {  	s19 =	simm.s32 $_scs_section_size  }
0x9a: {  	s4 =	simm.s32 $_size__tile_overlayer_lowered;
	s5 =	simm.s32 $_tile_overlayer_lowered  }
0x9b: {  	s22 =	simm.s32 $0x1BFF;
	s21 =	sshll.u32 s5, $0x1;
	s2 =	sadd.s32 s19, s18  }
0x9c: {  	s6 =	simm.s32 $0x0;
	s20 =	sshll.u32 s4, $0x1;
	s4 =	sadd.s32 s21, s2  }
0x9d: {  	[timem:s6], [sflag:s22] =	dma.local [hbm:s4], s20  }
0x9e: {  	_ =	swait.ge [sflag:s22], s20  }
0x9f: {  	s3 =	ssub.s32 $0x0, s20;
	[sflag:s22] =	ssyncset.done $0x0  }
0xa0: {  	[sflag:s22] =	ssyncadd.s32 s3;
	_ =	sdelay $0x1  }
0xa1: {  	s23 =	simm.s32 $0x1B8B  }
0xa2: {  	_ =	swait.ge [sflag:s23], $0x1  }
0xa3: {  	[sflag:s23] =	ssyncset.done $0x0  }
0xa4: {  	s25 =	simm.s32 $0x1B8E;
	s24 =	sld [smem:$0x3FFE];
	[sflag:s23] =	ssyncadd.s32 $0xFFFFFFFF  }
0xa5: {  	s26 =	simm.s32 $execute0_lowered;
	[smem:$0x3FD2] =	sst s25  }
0xa6: {  	s4 =	sshll.u32 s26, $0x1;
	_ =	strace $0x80000049;
	[dreg:$0x1] =	wrdreg $0xFFFFFFFF  }
0xa7: {  	s28 =	simm.s32 $_size_execute0_lowered;
	s2 =	sadd.s32 s2, s4;
	[dreg:$0x0] =	wrdreg $0x0  }
0xa8: {  	s4 =	sshll.u32 s28, $0x1;
	[dreg:$0x2] =	wrdreg s2  }
0xa9: {  	[dreg:$0x3] =	wrdreg s4  }
0xaa: {  	[dreg:$0x4] =	wrdreg $0xC0  }
0xab: {  	_ =	task [dreg:s6], $0x5FFFF  }
0xac: {  	[dreg:$0x1] =	wrdreg $0xFFFFFFFF  }
0xad: {  	[dreg:$0x0] =	wrdreg $0x60  }
0xae: {  	[dreg:$0x2] =	wrdreg s24  }
0xaf: {  	[dreg:$0x3] =	wrdreg $0xA8800  }
0xb0: {  	[dreg:$0x4] =	wrdreg $0x9  }
0xb1: {  	_ =	task.clear_ibuf [dreg:s6], $0x5FFFF;
	_ =	strace $0x90000049  }
0xb2: {  	s29 =	simm.s32 $0x9;
	_ =	strace $0x8000004B  }
0xb3: {  	_ =	swait.ge [sflag:s29], $0x1  }
0xb4: {  	[sflag:s29] =	ssyncadd.s32 $0xFFFFFFFF  }
0xb5: {  	_ =	strace $0x9000004B  }
0xb6: {  	_ =	sfence  }
0xb7: {  	s30 =	sld [smem:$0x0];
	_ =	sdelay $0x2  }
0xb8: {  	s31 =	sshll.u32 s1, $0xD;
	s1 =	sshrl.u32 s1, $0x2  }
0xb9: {  	s3 =	sand.u32 $0x4000, s31;
	s1 =	sadd.s32 s1, s30  }
0xba: {  	s0 =	sor.u32 s3, s0;
	s1 =	sshll.u32 s1, $0x11  }
0xbb: {  	s0 =	sor.u32 s1, s0  }
0xbc: {  	s0 =	sadd.s32 $0x8F2B, s0  }
0xbd: {  	[sflag:s0] =	ssyncadd.remote.s32 $0x1  }
0xbe: {  	_ =	sfence.sel $0xFFFF  }
0xbf: {  	[dreg:$0x0] =	wrdreg $0xFFFFFFFF;
	(pc) =	sbr.abs _section_cstart, $3  }
0xc0: {  	[dreg:$0x1] =	wrdreg $0xFFFFFFFF  }
0xc1: {  	_ =	task.clear_ibuf [dreg:s6], $0x2FFFF;
	_ =	strace $0x9FFFFFFF  }
0xc2: {  	(tm) =	ssettm $0x7FFFFFFF  }
0xc3: {  	_ =	shalt  }
tec
execute0_lowered:
.L_overlay_start_1:
0x0: {  	(tag) =	ssettag $0x1  }
0x1: {  	s0 =	srdreg.scid  }
0x2: {  	s11 =	stileid.u32;
	s6 =	rddreg [dreg:$0x0]  }
0x3: {  	s2 =	rddreg [dreg:$0x1];
	s19 =	simm.s32 $0x80;
	s23 =	smul.u32 $0x14000, s11  }
0x4: {  	s21 =	simm.s32 $0x2880;
	s28 =	simm.s32 $0x5;
	s9 =	smul.u32 $0x50000, s11  }
0x5: {  	s29 =	simm.s32 $0x2;
	s3 =	sshrl.u32 s11, $0x2;
	s13 =	smul.u32 $0x4F00, s11  }
0x6: {  	s0 =	sand.u32 $0x1, s0;
	s1 =	sshll.u32 s11, $0x1;
	s4 =	smul.u32 $0x13C00, s3  }
0x7: {  	s30 =	simm.s32 $0x4;
	s1 =	sor.u32 s0, s1;
	s7 =	smul.u32 $0x140000, s0  }
0x8: {  	s3 =	simm.s32 $0x0;
	s24 =	ssub.s32 $0x2, s0;
	s0 =	smul.u32 $0x2780, s0  }
0x9: {  	s22 =	sshll.u32 s1, $0x7;
	[smem:$0x7FF] =	sst s3;
	s10 =	sshrl.u32 s24, $0x1  }
0xa: {  	s9 =	sshrl.u32 s9, $0x2;
	s1 =	smul.u32 $0x2780, s1;
	s5 =	sand.u32 $0x380, s22  }
0xb: {  	_ =	strace $0x8000004A;
	s16 =	ssub.s32 s24, s10;
	s0 =	sadd.s32 s0, s13  }
0xc: {  	s22 =	simm.s32 $0x1;
	s24 =	simm.s32 $0x2780;
	s4 =	sor.u32 s4, s5  }
0xd: {  	s5 =	sadd.s32 s23, s7;
	s1 =	sshrl.u32 s1, $0x3;
	s31 =	sadd.s32 $0x180, s0  }
0xe: {  	s16 =	smax.u32 s16, $0x1;
	s18 =	sadd.s32 $0x100, s0;
	s4 =	sshrl.u32 s4, $0x3  }
0xf: {  	s7 =	sshrl.u32 s5, $0x3;
	s5 =	sadd.s32 $0x67800, s6;
	s8 =	sadd.s32 s4, s6  }
0x10: {  	s4 =	sadd.s32 $0x3C00, s6;
	s7 =	sadd.s32 s7, s6;
	s6 =	sadd.s32 s9, s2  }
0x11: {  	s23 =	simm.s32 $0x3;
	s8 =	sadd.s32 $0xDA00, s8;
	s25 =	sadd.s32 $0x4000, s6  }
0x12: {  	s26 =	sadd.s32 $0x8000, s6;
	s10 =	sadd.s32 $0xC000, s6;
	[dreg:$0x3] =	wrdreg s8  }
0x13: {  	s11 =	sadd.s32 $0x10000, s6;
	s12 =	sadd.s32 s4, s1;
	[dreg:$0x4] =	wrdreg s25  }
0x14: {  	s15 =	sadd.s32 $0x8EA00, s7;
	s1 =	sshrl.u32 s31, $0x3;
	[dreg:$0x5] =	wrdreg s26  }
0x15: {  	s13 =	sadd.s32 $0x10, s12;
	s14 =	sadd.s32 $0x4E0, s12;
	s17 =	sadd.s32 s1, s4  }
0x16: {  	v0 =	vimm.f32 $0.0e+00;
	s25 =	simm.s32 $0x6880;
	s26 =	simm.s32 $0x2800;
	s1 =	simm.s32 $0x0  }
.LBB2_1:
0x17: {  	s0 =	rddreg [dreg:$0x3];
	s7 =	simm.s32 $0x400  }
0x18: {  	[tilespmem:s3], [sflag:$0x3] =	stream.strided.gather [hbm4b:s0+s19], $0x2780, s7, s19, $0x38;
	[tilespmem:$0x1E880] =	vst v63  }
0x19: {  	s20 =	simm.s32 $0x200;
	s0 =	simm.s32 $0x0  }
.LBB2_2:
0x1a: {  	p0 =	sne.s32 s20, $0xFE00;
	[tilespmem:s0+$0x28F0] =	vst v0  }
0x1b: {  	[tilespmem:s0+$0x2880] =	vst v0  }
0x1c: {  	[tilespmem:s0+$0x2890] =	vst v0  }
.Ltmp0:
0x1d: {  	[tilespmem:s0+$0x28A0] =	vst v0;
	(pc) =	sbr.rel @p0 .LBB2_2-.Ltmp0, $4  }
0x1e: {  	[tilespmem:s0+$0x28B0] =	vst v0  }
0x1f: {  	[tilespmem:s0+$0x28C0] =	vst v0  }
0x20: {  	[tilespmem:s0+$0x28D0] =	vst v0  }
0x21: {  	[tilespmem:s0+$0x28E0] =	vst v0;
	s0 =	sshra.s32 s20, $0x2;
	s20 =	sadd.s32 $0x200, s20  }
0x22: {  	[tilespmem:s0+$0x28F0] =	vst v0  }
0x23: {  	[tilespmem:s0+$0x2880] =	vst v0  }
0x24: {  	[tilespmem:s0+$0x2890] =	vst v0  }
0x25: {  	[tilespmem:s0+$0x28A0] =	vst v0  }
0x26: {  	[tilespmem:s0+$0x28B0] =	vst v0  }
0x27: {  	[tilespmem:s0+$0x28C0] =	vst v0  }
0x28: {  	[tilespmem:s0+$0x28D0] =	vst v0  }
0x29: {  	[tilespmem:s0+$0x28E0] =	vst v0  }
0x2a: {  	[spmem:s6] =	stream.linear.scatter [tilespmem:s21], [sflag:$0x1], $0x4000, $0x38;
	[tilespmem:$0x1E880] =	vst v63  }
0x2b: {  	s9 =	rddreg [dreg:$0x4]  }
0x2c: {  	[spmem:s9] =	stream.linear.scatter [tilespmem:s21], [sflag:$0x1], $0x4000, $0x38;
	[tilespmem:$0x1E880] =	vst v63  }
0x2d: {  	s20 =	rddreg [dreg:$0x5]  }
0x2e: {  	[spmem:s20] =	stream.linear.scatter [tilespmem:s21], [sflag:$0x1], $0x4000, $0x38;
	[tilespmem:$0x1E880] =	vst v63  }
0x2f: {  	_ = 	snop  }
0x30: {  	[spmem:s10] =	stream.linear.scatter [tilespmem:s21], [sflag:$0x1], $0x4000, $0x38;
	[tilespmem:$0x1E880] =	vst v63  }
0x31: {  	_ = 	snop  }
0x32: {  	[spmem:s11] =	stream.linear.scatter [tilespmem:s21], [sflag:$0x1], $0x4000, $0x38;
	[tilespmem:$0x1E880] =	vst v63  }
0x33: {  	_ =	swait.ge [sflag:s22], $0x4000  }
0x34: {  	[sflag:s22] =	ssyncset.done $0x0  }
0x35: {  	[sflag:s22] =	ssyncadd.s32 $0xFFFFC000  }
0x36: {  	_ =	swait.ge [sflag:s22], $0x4000  }
0x37: {  	[sflag:s22] =	ssyncset.done $0x0  }
0x38: {  	[sflag:s22] =	ssyncadd.s32 $0xFFFFC000  }
0x39: {  	_ =	swait.ge [sflag:s22], $0x4000  }
0x3a: {  	[sflag:s22] =	ssyncset.done $0x0  }
0x3b: {  	[sflag:s22] =	ssyncadd.s32 $0xFFFFC000  }
0x3c: {  	_ =	swait.ge [sflag:s22], $0x4000  }
0x3d: {  	[sflag:s22] =	ssyncset.done $0x0  }
0x3e: {  	[sflag:s22] =	ssyncadd.s32 $0xFFFFC000  }
0x3f: {  	_ =	swait.ge [sflag:s22], $0x4000  }
0x40: {  	[sflag:s22] =	ssyncset.done $0x0  }
0x41: {  	[sflag:s22] =	ssyncadd.s32 $0xFFFFC000  }
0x42: {  	_ =	swait.ge [sflag:s23], $0x2780  }
0x43: {  	[sflag:s23] =	ssyncset.done $0x0  }
0x44: {  	s7 =	simm.s32 $0x0;
	[sflag:s23] =	ssyncadd.s32 $0xFFFFD880  }
0x45: {  	[tilespmem:s21], [sflag:$0x1] =	stream.indirect.gather [hbm4b:s5+s19], $0x80, s7, s19, $0xb8;
	[tilespmem:$0x1E880] =	vst v63  }
0x46: {  	_ = 	snop  }
0x47: {  	[tilespmem:s24], [sflag:$0x3] =	stream.linear.gather [hbm4b:s12+s7], $0x80, $0x38;
	[tilespmem:$0x1E880] =	vst v63  }
0x48: {  	_ = 	snop  }
0x49: {  	[tilespmem:s25], [sflag:$0x2] =	stream.indirect.gather [hbm4b:s5+s19], $0x80, s19, s19, $0xb8;
	[tilespmem:$0x1E880] =	vst v63  }
0x4a: {  	_ = 	snop  }
0x4b: {  	[tilespmem:s26], [sflag:$0x4] =	stream.linear.gather [hbm4b:s13+s7], $0x80, $0x38;
	[tilespmem:$0x1E880] =	vst v63  }
0x4c: {  	[bflag:$0x0] =	sbarrier.arrive $0xFFFF  }
0x4d: {  	_ =	swait.ge [sflag:s22], $0x4000  }
0x4e: {  	[sflag:s22] =	ssyncset.done $0x0  }
0x4f: {  	[sflag:s22] =	ssyncadd.s32 $0xFFFFC000  }
0x50: {  	_ =	swait.ge [sflag:s23], $0x80  }
0x51: {  	[sflag:s23] =	ssyncset.done $0x0  }
0x52: {  	[sflag:s23] =	ssyncadd.s32 $0xFFFFFF80  }
0x53: {  	[spmem:s2] =	stream.indirect.scatter.add.f32 [tilespmem:s21], [sflag:$0x5], $0x80, s24, s19, $0xb8;
	[tilespmem:$0x1E880] =	vst v63  }
0x54: {  	_ =	swait.ge [sflag:s28], $0x4000  }
0x55: {  	[sflag:s28] =	ssyncset.done $0x0  }
0x56: {  	s8 =	simm.s32 $0x100;
	s7 =	sshrl.u32 s18, $0x3;
	[sflag:s28] =	ssyncadd.s32 $0xFFFFC000  }
0x57: {  	[tilespmem:s21], [sflag:$0x1] =	stream.indirect.gather [hbm4b:s5+s19], $0x80, s8, s19, $0xb8;
	[tilespmem:$0x1E880] =	vst v63  }
0x58: {  	s9 =	sadd.s32 s4, s7  }
0x59: {  	[tilespmem:s24], [sflag:$0x3] =	stream.linear.gather [hbm4b:s9+s3], $0x80, $0x38;
	[tilespmem:$0x1E880] =	vst v63  }
0x5a: {  	_ =	swait.ge [sflag:s29], $0x4000  }
0x5b: {  	[sflag:s29] =	ssyncset.done $0x0  }
0x5c: {  	[sflag:s29] =	ssyncadd.s32 $0xFFFFC000  }
0x5d: {  	_ =	swait.ge [sflag:s30], $0x80  }
0x5e: {  	[sflag:s30] =	ssyncset.done $0x0  }
0x5f: {  	[sflag:s30] =	ssyncadd.s32 $0xFFFFFF80  }
0x60: {  	[spmem:s2] =	stream.indirect.scatter.add.f32 [tilespmem:s25], [sflag:$0x5], $0x80, s26, s19, $0xb8;
	[tilespmem:$0x1E880] =	vst v63  }
0x61: {  	_ =	swait.ge [sflag:s28], $0x4000  }
0x62: {  	[sflag:s28] =	ssyncset.done $0x0  }
0x63: {  	s0 =	simm.s32 $0x20;
	s20 =	simm.s32 $0x180;
	[sflag:s28] =	ssyncadd.s32 $0xFFFFC000  }
0x64: {  	[tilespmem:s25], [sflag:$0x2] =	stream.indirect.gather [hbm4b:s5+s19], $0x80, s20, s19, $0xb8;
	[tilespmem:$0x1E880] =	vst v63  }
0x65: {  	s31 =	sadd.s32 $0x100, s18;
	s7 =	sadd.s32 $0x0, s17;
	s20 =	simm.s32 $0x280  }
.LBB2_4:
0x66: {  	[tilespmem:s26], [sflag:$0x4] =	stream.linear.gather [hbm4b:s7+s3], $0x80, $0x38;
	[tilespmem:$0x1E880] =	vst v63  }
0x67: {  	s7 =	smov.u32 s0  }
0x68: {  	p0 =	sne.s32 s0, $0x4A0;
	s0 =	sadd.s32 $0x20, s0;
	_ =	swait.ge [sflag:s22], $0x4000  }
0x69: {  	[sflag:s22] =	ssyncset.done $0x0  }
0x6a: {  	[sflag:s22] =	ssyncadd.s32 $0xFFFFC000  }
0x6b: {  	_ =	swait.ge [sflag:s23], $0x80  }
0x6c: {  	[sflag:s23] =	ssyncset.done $0x0  }
0x6d: {  	[sflag:s23] =	ssyncadd.s32 $0xFFFFFF80  }
0x6e: {  	[spmem:s2] =	stream.indirect.scatter.add.f32 [tilespmem:s21], [sflag:$0x5], $0x80, s24, s19, $0xb8;
	[tilespmem:$0x1E880] =	vst v63  }
0x6f: {  	_ =	swait.ge [sflag:s28], $0x4000  }
0x70: {  	[sflag:s28] =	ssyncset.done $0x0  }
0x71: {  	s8 =	sadd.s32 $0xFFFFFF80, s20;
	s9 =	sshrl.u32 s31, $0x3;
	[sflag:s28] =	ssyncadd.s32 $0xFFFFC000  }
0x72: {  	[tilespmem:s21], [sflag:$0x1] =	stream.indirect.gather [hbm4b:s5+s19], $0x80, s8, s19, $0xb8;
	[tilespmem:$0x1E880] =	vst v63  }
0x73: {  	s8 =	sadd.s32 s4, s9  }
0x74: {  	[tilespmem:s24], [sflag:$0x3] =	stream.linear.gather [hbm4b:s8+s3], $0x80, $0x38;
	[tilespmem:$0x1E880] =	vst v63  }
0x75: {  	_ =	swait.ge [sflag:s29], $0x4000  }
0x76: {  	[sflag:s29] =	ssyncset.done $0x0  }
0x77: {  	[sflag:s29] =	ssyncadd.s32 $0xFFFFC000  }
0x78: {  	_ =	swait.ge [sflag:s30], $0x80  }
0x79: {  	[sflag:s30] =	ssyncset.done $0x0  }
0x7a: {  	[sflag:s30] =	ssyncadd.s32 $0xFFFFFF80  }
0x7b: {  	[spmem:s2] =	stream.indirect.scatter.add.f32 [tilespmem:s25], [sflag:$0x5], $0x80, s26, s19, $0xb8;
	[tilespmem:$0x1E880] =	vst v63  }
.Ltmp1:
0x7c: {  	_ =	swait.ge [sflag:s28], $0x4000;
	(pc) =	sbr.rel @p0 .LBB2_4-.Ltmp1, $4  }
0x7d: {  	[sflag:s28] =	ssyncset.done $0x0  }
0x7e: {  	[sflag:s28] =	ssyncadd.s32 $0xFFFFC000  }
0x7f: {  	[tilespmem:s25], [sflag:$0x2] =	stream.indirect.gather [hbm4b:s5+s19], $0x80, s20, s19, $0xb8;
	[tilespmem:$0x1E880] =	vst v63  }
0x80: {  	s31 =	sadd.s32 $0x100, s31;
	s7 =	sadd.s32 s7, s17;
	s20 =	sadd.s32 $0x100, s20  }
0x81: {  	[tilespmem:s26], [sflag:$0x4] =	stream.linear.gather [hbm4b:s7+s3], $0x80, $0x38;
	[tilespmem:$0x1E880] =	vst v63  }
0x82: {  	_ =	swait.ge [sflag:s22], $0x4000  }
0x83: {  	[sflag:s22] =	ssyncset.done $0x0  }
0x84: {  	[sflag:s22] =	ssyncadd.s32 $0xFFFFC000  }
0x85: {  	_ =	swait.ge [sflag:s23], $0x80  }
0x86: {  	[sflag:s23] =	ssyncset.done $0x0  }
0x87: {  	[sflag:s23] =	ssyncadd.s32 $0xFFFFFF80  }
0x88: {  	[spmem:s2] =	stream.indirect.scatter.add.f32 [tilespmem:s21], [sflag:$0x5], $0x80, s24, s19, $0xb8;
	[tilespmem:$0x1E880] =	vst v63  }
0x89: {  	_ =	swait.ge [sflag:s28], $0x4000  }
0x8a: {  	[sflag:s28] =	ssyncset.done $0x0  }
0x8b: {  	s0 =	simm.s32 $0x2700;
	[sflag:s28] =	ssyncadd.s32 $0xFFFFC000  }
0x8c: {  	[tilespmem:s21], [sflag:$0x1] =	stream.indirect.gather [hbm4b:s5+s19], $0x80, s0, s19, $0xb8;
	[tilespmem:$0x1E880] =	vst v63  }
0x8d: {  	_ = 	snop  }
0x8e: {  	[tilespmem:s24], [sflag:$0x3] =	stream.linear.gather [hbm4b:s14+s3], $0x80, $0x38;
	[tilespmem:$0x1E880] =	vst v63  }
0x8f: {  	_ =	swait.ge [sflag:s29], $0x4000  }
0x90: {  	[sflag:s29] =	ssyncset.done $0x0  }
0x91: {  	[sflag:s29] =	ssyncadd.s32 $0xFFFFC000  }
0x92: {  	_ =	swait.ge [sflag:s30], $0x80  }
0x93: {  	[sflag:s30] =	ssyncset.done $0x0  }
0x94: {  	[sflag:s30] =	ssyncadd.s32 $0xFFFFFF80  }
0x95: {  	[spmem:s2] =	stream.indirect.scatter.add.f32 [tilespmem:s25], [sflag:$0x5], $0x80, s26, s19, $0xb8;
	[tilespmem:$0x1E880] =	vst v63  }
0x96: {  	_ =	swait.ge [sflag:s28], $0x4000  }
0x97: {  	[sflag:s28] =	ssyncset.done $0x0  }
0x98: {  	[sflag:s28] =	ssyncadd.s32 $0xFFFFC000  }
0x99: {  	_ =	swait.ge [sflag:s22], $0x4000  }
0x9a: {  	[sflag:s22] =	ssyncset.done $0x0  }
0x9b: {  	[sflag:s22] =	ssyncadd.s32 $0xFFFFC000  }
0x9c: {  	_ =	swait.ge [sflag:s23], $0x80  }
0x9d: {  	[sflag:s23] =	ssyncset.done $0x0  }
0x9e: {  	[sflag:s23] =	ssyncadd.s32 $0xFFFFFF80  }
0x9f: {  	[spmem:s2] =	stream.indirect.scatter.add.f32 [tilespmem:s21], [sflag:$0x5], $0x80, s24, s19, $0xb8;
	[tilespmem:$0x1E880] =	vst v63  }
0xa0: {  	s20 =	stileid.u32;
	_ =	swait.ge [sflag:s28], $0x4000  }
0xa1: {  	s31 =	sshrl.u32 s6, $0x3;
	s1 =	sadd.s32 $0x1, s1;
	[sflag:s28] =	ssyncset.done $0x0  }
0xa2: {  	p0 =	sne.s32 s1, s16;
	s0 =	sshll.u32 s20, $0x6;
	[sflag:s28] =	ssyncadd.s32 $0xFFFFC000  }
.Ltmp2:
0xa3: {  	s0 =	sor.u32 $0x1C05, s0;
	[bflag:$0x0] =	sbarrier.arrive $0xFFFF;
	(pc) =	sbr.rel @p0 .LBB2_1-.Ltmp2, $4  }
0xa4: {  	[hbm:s15], [sflag:s0] =	dma.local [spmem:s31], $0x2800  }
0xa5: {  	_ =	swait.ge [sflag:s28], $0x2800  }
0xa6: {  	[sflag:s28] =	ssyncset.done $0x0  }
0xa7: {  	[sflag:s28] =	ssyncadd.s32 $0xFFFFD800  }
0xa8: {  	_ =	sfence.sel $0x180000  }
0xa9: {  	[bflag:$0x0] =	sbarrier.arrive $0xFFFF  }
0xaa: {  	_ =	strace $0x9000004A  }
0xab: {  	s0 =	stileid.u32;
	[bflag:$0x2] =	sbarrier.arrive $0xFFFF  }
0xac: {  	p0 =	sne.s32 s0, $0x0;
	s0 =	rddreg [dreg:$0x2]  }
0xad: {  	s0 =	sadd.s32 @!p0 $0x100000, s0  }
0xae: {  	[sflag:s0] =	ssyncadd.tile.s32 @!p0 $0x1;
	_ =	shalt  }
.Lfunc_end2:
_tile_overlayer_lowered:
.L_overlay_start_2:
0xaf: {  	(tag) =	ssettag $0x2  }
0xb0: {  	s0 =	rddreg [dreg:$0x0];
	s2 =	stileid.u32  }
0xb1: {  	s1 =	rddreg [dreg:$0x1];
	p0 =	sne.s32 s2, $0x0  }
0xb2: {  	s3 =	rddreg [dreg:$0x2];
	[bflag:$0x3] =	sbarrier.arrive $0xFFFF;
	s2 =	simm.s32 @!p0 $0x1C05  }
0xb3: {  	[timem:s3], [sflag:s2] =	dma.local @!p0 [hbm:s0], s1  }
0xb4: {  	s0 =	simm.s32 @!p0 $0x5  }
0xb5: {  	_ =	swait.ge @!p0 [sflag:s0], s1  }
0xb6: {  	s1 =	ssub.s32 @!p0 $0x0, s1;
	[sflag:s0] =	ssyncset.done @!p0 $0x0  }
0xb7: {  	[sflag:s0] =	ssyncadd.s32 @!p0 s1  }
0xb8: {  	[bflag:$0x3] =	sbarrier.arrive $0xFFFF  }
0xb9: {  	_ =	shalt  }

// kernel: kernel.15.cloned.1.call-start
scs
__scs_entry_jumppad:
0x0: {  	(pc) =	sbr.rel $0x88, $3  }
0x1: {  	(tag) =	ssettag $0x0;
	lr =	simm.s32 $0x1  }
0x2: {  	[smem:$0x3F99] =	sst lr;
	_ =	strace $0xD0000000  }
0x3: {  	_ = 	snop  }
0x4: {  	_ = 	snop  }
0x5: {  	_ = 	snop  }
0x6: {  	_ = 	snop  }
0x7: {  	_ = 	snop  }
__scs_overlays_trampoline_lowered:
0x8: {  	[smem:$0x3FA8] =	sst s0  }
0x9: {  	[smem:$0x3FA9] =	sst s1  }
0xa: {  	[smem:$0x3FAA] =	sst s2  }
0xb: {  	[smem:$0x3FAB] =	sst s3  }
0xc: {  	[smem:$0x3FAC] =	sst s4  }
0xd: {  	[smem:$0x3FAD] =	sst s5  }
0xe: {  	[smem:$0x3FAE] =	sst s6  }
0xf: {  	[smem:$0x3FAF] =	sst s7  }
0x10: {  	[smem:$0x3FB0] =	sst s8  }
0x11: {  	[smem:$0x3FB1] =	sst s9;
	s0 =	simm.s32 @!p0 $0x0  }
0x12: {  	s1 =	sld [smem:$0x3F97];
	s0 =	simm.s32 @p0 $0x1  }
0x13: {  	[smem:$0x3FB2] =	sst s0;
	s0 =	simm.s32 @!p1 $0x0  }
0x14: {  	s2 =	sld [smem:$0x3F96];
	s0 =	simm.s32 @p1 $0x1  }
0x15: {  	[smem:$0x3FB3] =	sst s0;
	s0 =	simm.s32 @!p2 $0x0  }
0x16: {  	s3 =	sld [smem:$0x3FDB];
	s0 =	simm.s32 @p2 $0x1  }
0x17: {  	s4 =	simm.s32 $0x1BF5;
	[smem:$0x3FB5] =	sst s0  }
0x18: {  	s0 =	sld [smem:$0x3F98];
	_ =	swait.ge [sflag:s4], $0x0  }
0x19: {  	s7 =	sld [smem:$0x3F99]  }
0x1a: {  	s8 =	sadd.s32 $0xFFFFE003, lr  }
0x1b: {  	s9 =	sadd.s32 $0xFFFFFEF7, lr;
	s5 =	simm.s32 $0xFFFFFFFF;
	p2 =	slt.u32 s8, $0xFFFFF086  }
0x1c: {  	p1 =	slt.u32 s9, $0xF7A;
	s5 =	simm.s32 @!p2 $0x0  }
0x1d: {  	s5 =	simm.s32 @p1 $0x1;
	p0 =	seq.s32 s7, s2  }
0x1e: {  	s7 =	smul.u32 @!p0 $0xF7A, s2;
	p2 =	seq.s32 @!p0 s5, $0x0  }
0x1f: {  	s9 =	smul.u32 $0xF7A, s1;
	s8 =	simm.s32 @!p0 $0x1BF5;
	p2 =	por !p2, p0  }
0x20: {  	[sflag:s8] =	ssyncset.s32 @!p0 $0xFFFFF086;
	s6 =	sadd.s32 @!p0 s3, s7;
	s7 =	simm.s32 @!p0 $0x108  }
0x21: {  	s3 =	sadd.s32 s3, s9;
	s6 =	sadd.s32 @!p0 $0x88, s6;
	s7 =	simm.s32 @p2 $0x1082  }
0x22: {  	[simem:s7], [sflag:s8] =	dma.local @!p0 [hbm:s6], $0xF7A  }
0x23: {  	s9 =	sor.u32 $0xD0000000, s2;
	s6 =	simm.s32 $0x108;
	_ =	swait.ge @!p0 [sflag:s8], $0x0  }
0x24: {  	s3 =	sadd.s32 $0x88, s3;
	s6 =	simm.s32 @!p1 $0x1082;
	[sflag:s4] =	ssyncset.s32 $0xFFFFF086  }
0x25: {  	[simem:s6], [sflag:s4] =	dma.local [hbm:s3], $0xF7A  }
0x26: {  	[smem:$0x3F99] =	sst s1;
	(tag) =	ssettag s2;
	_ =	strace s9  }
0x27: {  	s1 =	sld [smem:$0x3FA9]  }
0x28: {  	s2 =	sld [smem:$0x3FAA]  }
0x29: {  	s4 =	sld [smem:$0x3FAC]  }
0x2a: {  	p0 =	seq.s32 s5, $0x0;
	s5 =	sld [smem:$0x3FAD]  }
0x2b: {  	s6 =	sld [smem:$0x3FAE]  }
0x2c: {  	s7 =	sld [smem:$0x3FAF]  }
0x2d: {  	s3 =	simm.s32 $0x108;
	s8 =	sld [smem:$0x3FB0]  }
0x2e: {  	s3 =	simm.s32 @!p0 $0x1082;
	s9 =	sld [smem:$0x3FB1]  }
0x2f: {  	lr =	sadd.s32 s0, s3;
	s0 =	sld [smem:$0x3FA8]  }
0x30: {  	s3 =	sld [smem:$0x3FAB]  }
0x31: {  	[smem:$0x3FB4] =	sst s10  }
0x32: {  	s10 =	sld [smem:$0x3FB2];
	_ =	sdelay $0x3  }
0x33: {  	p0 =	seq.s32 s10, $0x1;
	s10 =	sld [smem:$0x3FB4];
	_ =	sdelay $0x3  }
0x34: {  	[smem:$0x3FB4] =	sst s10  }
0x35: {  	s10 =	sld [smem:$0x3FB3];
	_ =	sdelay $0x3  }
0x36: {  	p1 =	seq.s32 s10, $0x1;
	s10 =	sld [smem:$0x3FB4];
	_ =	sdelay $0x3  }
0x37: {  	[smem:$0x3FB4] =	sst s10  }
0x38: {  	s10 =	sld [smem:$0x3FB5]  }
0x39: {  	_ = 	snop;
	(pc) =	sbr.ind lr, $3  }
0x3a: {  	_ = 	snop  }
0x3b: {  	_ = 	snop  }
0x3c: {  	p2 =	seq.s32 s10, $0x1;
	s10 =	sld [smem:$0x3FB4]  }
0x3d: {  	_ =	shalt  }
0x3e: {  	_ =	shalt  }
0x3f: {  	_ =	shalt  }
0x40: {  	_ =	shalt  }
0x41: {  	_ =	shalt  }
0x42: {  	_ =	shalt  }
0x43: {  	_ =	shalt  }
0x44: {  	_ =	shalt  }
0x45: {  	_ =	shalt  }
0x46: {  	_ =	shalt  }
0x47: {  	_ =	shalt  }
0x48: {  	_ =	shalt  }
0x49: {  	_ =	shalt  }
0x4a: {  	_ =	shalt  }
0x4b: {  	_ =	shalt  }
0x4c: {  	_ =	shalt  }
0x4d: {  	_ =	shalt  }
0x4e: {  	_ =	shalt  }
0x4f: {  	_ =	shalt  }
0x50: {  	_ =	shalt  }
0x51: {  	_ =	shalt  }
0x52: {  	_ =	shalt  }
0x53: {  	_ =	shalt  }
0x54: {  	_ =	shalt  }
0x55: {  	_ =	shalt  }
0x56: {  	_ =	shalt  }
0x57: {  	_ =	shalt  }
0x58: {  	_ =	shalt  }
0x59: {  	_ =	shalt  }
0x5a: {  	_ =	shalt  }
0x5b: {  	_ =	shalt  }
0x5c: {  	_ =	shalt  }
0x5d: {  	_ =	shalt  }
0x5e: {  	_ =	shalt  }
0x5f: {  	_ =	shalt  }
0x60: {  	_ =	shalt  }
0x61: {  	_ =	shalt  }
0x62: {  	_ =	shalt  }
0x63: {  	_ =	shalt  }
0x64: {  	_ =	shalt  }
0x65: {  	_ =	shalt  }
0x66: {  	_ =	shalt  }
0x67: {  	_ =	shalt  }
0x68: {  	_ =	shalt  }
0x69: {  	_ =	shalt  }
0x6a: {  	_ =	shalt  }
0x6b: {  	_ =	shalt  }
0x6c: {  	_ =	shalt  }
0x6d: {  	_ =	shalt  }
0x6e: {  	_ =	shalt  }
0x6f: {  	_ =	shalt  }
0x70: {  	_ =	shalt  }
0x71: {  	_ =	shalt  }
0x72: {  	_ =	shalt  }
0x73: {  	_ =	shalt  }
0x74: {  	_ =	shalt  }
0x75: {  	_ =	shalt  }
0x76: {  	_ =	shalt  }
0x77: {  	_ =	shalt  }
0x78: {  	_ =	shalt  }
0x79: {  	_ =	shalt  }
0x7a: {  	_ =	shalt  }
0x7b: {  	_ =	shalt  }
0x7c: {  	_ =	shalt  }
0x7d: {  	_ =	shalt  }
0x7e: {  	_ =	shalt  }
0x7f: {  	_ =	shalt  }
0x80: {  	_ =	shalt  }
0x81: {  	_ =	shalt  }
0x82: {  	_ =	shalt  }
0x83: {  	_ =	shalt  }
0x84: {  	_ =	shalt  }
0x85: {  	_ =	shalt  }
0x86: {  	_ =	shalt  }
0x87: {  	_ =	shalt  }
.Lfunc_end0:
.L_simem_size_0:
called_computation.2_lowered:
.L_overlay_start_0:
0x88: {  	s2 =	sld [smem:$0x3FD9]  }
0x89: {  	s3 =	sld [smem:$0x3FFE];
	_ =	sdelay $0x1  }
0x8a: {  	s1 =	srdreg.scid  }
0x8b: {  	s0 =	sand.u32 $0x1, s1  }
0x8c: {  	s16 =	sshll.u32 s0, $0xA;
	s2 =	sadd.s32 s3, s2  }
0x8d: {  	s2 =	sadd.s32 s2, s16  }
0x8e: {  	[smem:$0x3FC0] =	sst s2  }
0x8f: {  	_ = 	snop  }
0x90: {  	(tm) =	ssettm $0x1  }
0x91: {  	s17 =	sld [smem:$0x3FFB];
	_ =	sdelay $0x3  }
0x92: {  	_ =	strace s17  }
0x93: {  	s2 =	sld [smem:$0x3FFC];
	_ =	sdelay $0x3  }
0x94: {  	_ =	strace s2  }
0x95: {  	s2 =	sld [smem:$0x3FFD];
	_ =	sdelay $0x3  }
0x96: {  	_ =	strace s2  }
0x97: {  	_ =	strace $0x8FFFFFFF  }
0x98: {  	s18 =	sld [smem:$0x3FDB];
	_ =	sdelay $0x1  }
0x99: {  	s19 =	simm.s32 $_scs_section_size  }
0x9a: {  	s4 =	simm.s32 $_size__tile_overlayer_lowered;
	s5 =	simm.s32 $_tile_overlayer_lowered  }
0x9b: {  	s22 =	simm.s32 $0x1BFF;
	s21 =	sshll.u32 s5, $0x1;
	s2 =	sadd.s32 s19, s18  }
0x9c: {  	s6 =	simm.s32 $0x0;
	s20 =	sshll.u32 s4, $0x1;
	s4 =	sadd.s32 s21, s2  }
0x9d: {  	[timem:s6], [sflag:s22] =	dma.local [hbm:s4], s20  }
0x9e: {  	_ =	swait.ge [sflag:s22], s20  }
0x9f: {  	s3 =	ssub.s32 $0x0, s20;
	[sflag:s22] =	ssyncset.done $0x0  }
0xa0: {  	[sflag:s22] =	ssyncadd.s32 s3;
	_ =	sdelay $0x1  }
0xa1: {  	s23 =	simm.s32 $0x1B8B  }
0xa2: {  	_ =	swait.ge [sflag:s23], $0x1  }
0xa3: {  	[sflag:s23] =	ssyncset.done $0x0  }
0xa4: {  	s25 =	simm.s32 $0x1B8E;
	s24 =	sld [smem:$0x3FFE];
	[sflag:s23] =	ssyncadd.s32 $0xFFFFFFFF  }
0xa5: {  	s26 =	simm.s32 $execute0_lowered;
	[smem:$0x3FD2] =	sst s25  }
0xa6: {  	s4 =	sshll.u32 s26, $0x1;
	_ =	strace $0x8000004C;
	[dreg:$0x1] =	wrdreg $0xFFFFFFFF  }
0xa7: {  	s28 =	simm.s32 $_size_execute0_lowered;
	s2 =	sadd.s32 s2, s4;
	[dreg:$0x0] =	wrdreg $0x0  }
0xa8: {  	s4 =	sshll.u32 s28, $0x1;
	[dreg:$0x2] =	wrdreg s2  }
0xa9: {  	[dreg:$0x3] =	wrdreg s4  }
0xaa: {  	[dreg:$0x4] =	wrdreg $0xC0  }
0xab: {  	_ =	task [dreg:s6], $0x5FFFF  }
0xac: {  	[dreg:$0x1] =	wrdreg $0xFFFFFFFF  }
0xad: {  	[dreg:$0x0] =	wrdreg $0x60  }
0xae: {  	[dreg:$0x2] =	wrdreg s24  }
0xaf: {  	[dreg:$0x3] =	wrdreg $0xA8800  }
0xb0: {  	[dreg:$0x4] =	wrdreg $0x9  }
0xb1: {  	_ =	task.clear_ibuf [dreg:s6], $0x5FFFF;
	_ =	strace $0x9000004C  }
0xb2: {  	s29 =	simm.s32 $0x9;
	_ =	strace $0x8000004E  }
0xb3: {  	_ =	swait.ge [sflag:s29], $0x1  }
0xb4: {  	[sflag:s29] =	ssyncadd.s32 $0xFFFFFFFF  }
0xb5: {  	_ =	strace $0x9000004E  }
0xb6: {  	_ =	sfence  }
0xb7: {  	s30 =	sld [smem:$0x0];
	_ =	sdelay $0x2  }
0xb8: {  	s31 =	sshll.u32 s1, $0xD;
	s1 =	sshrl.u32 s1, $0x2  }
0xb9: {  	s3 =	sand.u32 $0x4000, s31;
	s1 =	sadd.s32 s1, s30  }
0xba: {  	s0 =	sor.u32 s3, s0;
	s1 =	sshll.u32 s1, $0x11  }
0xbb: {  	s0 =	sor.u32 s1, s0  }
0xbc: {  	s0 =	sadd.s32 $0x8F2B, s0  }
0xbd: {  	[sflag:s0] =	ssyncadd.remote.s32 $0x1  }
0xbe: {  	_ =	sfence.sel $0xFFFF  }
0xbf: {  	[dreg:$0x0] =	wrdreg $0xFFFFFFFF;
	(pc) =	sbr.abs _section_cstart, $3  }
0xc0: {  	[dreg:$0x1] =	wrdreg $0xFFFFFFFF  }
0xc1: {  	_ =	task.clear_ibuf [dreg:s6], $0x2FFFF;
	_ =	strace $0x9FFFFFFF  }
0xc2: {  	(tm) =	ssettm $0x7FFFFFFF  }
0xc3: {  	_ =	shalt  }
tec
execute0_lowered:
.L_overlay_start_1:
0x0: {  	(tag) =	ssettag $0x1  }
0x1: {  	s0 =	srdreg.scid  }
0x2: {  	s11 =	stileid.u32;
	s6 =	rddreg [dreg:$0x0]  }
0x3: {  	s2 =	rddreg [dreg:$0x1];
	s19 =	simm.s32 $0x80;
	s23 =	smul.u32 $0x14000, s11  }
0x4: {  	s21 =	simm.s32 $0x2880;
	s28 =	simm.s32 $0x5;
	s9 =	smul.u32 $0x50000, s11  }
0x5: {  	s29 =	simm.s32 $0x2;
	s3 =	sshrl.u32 s11, $0x2;
	s13 =	smul.u32 $0x4F00, s11  }
0x6: {  	s0 =	sand.u32 $0x1, s0;
	s1 =	sshll.u32 s11, $0x1;
	s4 =	smul.u32 $0x13C00, s3  }
0x7: {  	s30 =	simm.s32 $0x4;
	s1 =	sor.u32 s0, s1;
	s7 =	smul.u32 $0x140000, s0  }
0x8: {  	s3 =	simm.s32 $0x0;
	s24 =	ssub.s32 $0x2, s0;
	s0 =	smul.u32 $0x2780, s0  }
0x9: {  	s22 =	sshll.u32 s1, $0x7;
	[smem:$0x7FF] =	sst s3;
	s10 =	sshrl.u32 s24, $0x1  }
0xa: {  	s9 =	sshrl.u32 s9, $0x2;
	s1 =	smul.u32 $0x2780, s1;
	s5 =	sand.u32 $0x380, s22  }
0xb: {  	_ =	strace $0x8000004D;
	s16 =	ssub.s32 s24, s10;
	s0 =	sadd.s32 s0, s13  }
0xc: {  	s22 =	simm.s32 $0x1;
	s24 =	simm.s32 $0x2780;
	s4 =	sor.u32 s4, s5  }
0xd: {  	s5 =	sadd.s32 s23, s7;
	s1 =	sshrl.u32 s1, $0x3;
	s31 =	sadd.s32 $0x180, s0  }
0xe: {  	s16 =	smax.u32 s16, $0x1;
	s18 =	sadd.s32 $0x100, s0;
	s4 =	sshrl.u32 s4, $0x3  }
0xf: {  	s7 =	sshrl.u32 s5, $0x3;
	s5 =	sadd.s32 $0x67800, s6;
	s8 =	sadd.s32 s4, s6  }
0x10: {  	s4 =	sadd.s32 $0x3C00, s6;
	s7 =	sadd.s32 s7, s6;
	s6 =	sadd.s32 s9, s2  }
0x11: {  	s23 =	simm.s32 $0x3;
	s8 =	sadd.s32 $0xDA00, s8;
	s25 =	sadd.s32 $0x4000, s6  }
0x12: {  	s26 =	sadd.s32 $0x8000, s6;
	s10 =	sadd.s32 $0xC000, s6;
	[dreg:$0x3] =	wrdreg s8  }
0x13: {  	s11 =	sadd.s32 $0x10000, s6;
	s12 =	sadd.s32 s4, s1;
	[dreg:$0x4] =	wrdreg s25  }
0x14: {  	s15 =	sadd.s32 $0x8EA00, s7;
	s1 =	sshrl.u32 s31, $0x3;
	[dreg:$0x5] =	wrdreg s26  }
0x15: {  	s13 =	sadd.s32 $0x10, s12;
	s14 =	sadd.s32 $0x4E0, s12;
	s17 =	sadd.s32 s1, s4  }
0x16: {  	v0 =	vimm.f32 $0.0e+00;
	s25 =	simm.s32 $0x6880;
	s26 =	simm.s32 $0x2800;
	s1 =	simm.s32 $0x0  }
.LBB2_1:
0x17: {  	s0 =	rddreg [dreg:$0x3];
	s7 =	simm.s32 $0x400  }
0x18: {  	[tilespmem:s3], [sflag:$0x3] =	stream.strided.gather [hbm4b:s0+s19], $0x2780, s7, s19, $0x38;
	[tilespmem:$0x1E880] =	vst v63  }
0x19: {  	s20 =	simm.s32 $0x200;
	s0 =	simm.s32 $0x0  }
.LBB2_2:
0x1a: {  	p0 =	sne.s32 s20, $0xFE00;
	[tilespmem:s0+$0x28F0] =	vst v0  }
0x1b: {  	[tilespmem:s0+$0x2880] =	vst v0  }
0x1c: {  	[tilespmem:s0+$0x2890] =	vst v0  }
.Ltmp0:
0x1d: {  	[tilespmem:s0+$0x28A0] =	vst v0;
	(pc) =	sbr.rel @p0 .LBB2_2-.Ltmp0, $4  }
0x1e: {  	[tilespmem:s0+$0x28B0] =	vst v0  }
0x1f: {  	[tilespmem:s0+$0x28C0] =	vst v0  }
0x20: {  	[tilespmem:s0+$0x28D0] =	vst v0  }
0x21: {  	[tilespmem:s0+$0x28E0] =	vst v0;
	s0 =	sshra.s32 s20, $0x2;
	s20 =	sadd.s32 $0x200, s20  }
0x22: {  	[tilespmem:s0+$0x28F0] =	vst v0  }
0x23: {  	[tilespmem:s0+$0x2880] =	vst v0  }
0x24: {  	[tilespmem:s0+$0x2890] =	vst v0  }
0x25: {  	[tilespmem:s0+$0x28A0] =	vst v0  }
0x26: {  	[tilespmem:s0+$0x28B0] =	vst v0  }
0x27: {  	[tilespmem:s0+$0x28C0] =	vst v0  }
0x28: {  	[tilespmem:s0+$0x28D0] =	vst v0  }
0x29: {  	[tilespmem:s0+$0x28E0] =	vst v0  }
0x2a: {  	[spmem:s6] =	stream.linear.scatter [tilespmem:s21], [sflag:$0x1], $0x4000, $0x38;
	[tilespmem:$0x1E880] =	vst v63  }
0x2b: {  	s9 =	rddreg [dreg:$0x4]  }
0x2c: {  	[spmem:s9] =	stream.linear.scatter [tilespmem:s21], [sflag:$0x1], $0x4000, $0x38;
	[tilespmem:$0x1E880] =	vst v63  }
0x2d: {  	s20 =	rddreg [dreg:$0x5]  }
0x2e: {  	[spmem:s20] =	stream.linear.scatter [tilespmem:s21], [sflag:$0x1], $0x4000, $0x38;
	[tilespmem:$0x1E880] =	vst v63  }
0x2f: {  	_ = 	snop  }
0x30: {  	[spmem:s10] =	stream.linear.scatter [tilespmem:s21], [sflag:$0x1], $0x4000, $0x38;
	[tilespmem:$0x1E880] =	vst v63  }
0x31: {  	_ = 	snop  }
0x32: {  	[spmem:s11] =	stream.linear.scatter [tilespmem:s21], [sflag:$0x1], $0x4000, $0x38;
	[tilespmem:$0x1E880] =	vst v63  }
0x33: {  	_ =	swait.ge [sflag:s22], $0x4000  }
0x34: {  	[sflag:s22] =	ssyncset.done $0x0  }
0x35: {  	[sflag:s22] =	ssyncadd.s32 $0xFFFFC000  }
0x36: {  	_ =	swait.ge [sflag:s22], $0x4000  }
0x37: {  	[sflag:s22] =	ssyncset.done $0x0  }
0x38: {  	[sflag:s22] =	ssyncadd.s32 $0xFFFFC000  }
0x39: {  	_ =	swait.ge [sflag:s22], $0x4000  }
0x3a: {  	[sflag:s22] =	ssyncset.done $0x0  }
0x3b: {  	[sflag:s22] =	ssyncadd.s32 $0xFFFFC000  }
0x3c: {  	_ =	swait.ge [sflag:s22], $0x4000  }
0x3d: {  	[sflag:s22] =	ssyncset.done $0x0  }
0x3e: {  	[sflag:s22] =	ssyncadd.s32 $0xFFFFC000  }
0x3f: {  	_ =	swait.ge [sflag:s22], $0x4000  }
0x40: {  	[sflag:s22] =	ssyncset.done $0x0  }
0x41: {  	[sflag:s22] =	ssyncadd.s32 $0xFFFFC000  }
0x42: {  	_ =	swait.ge [sflag:s23], $0x2780  }
0x43: {  	[sflag:s23] =	ssyncset.done $0x0  }
0x44: {  	s7 =	simm.s32 $0x0;
	[sflag:s23] =	ssyncadd.s32 $0xFFFFD880  }
0x45: {  	[tilespmem:s21], [sflag:$0x1] =	stream.indirect.gather [hbm4b:s5+s19], $0x80, s7, s19, $0xb8;
	[tilespmem:$0x1E880] =	vst v63  }
0x46: {  	_ = 	snop  }
0x47: {  	[tilespmem:s24], [sflag:$0x3] =	stream.linear.gather [hbm4b:s12+s7], $0x80, $0x38;
	[tilespmem:$0x1E880] =	vst v63  }
0x48: {  	_ = 	snop  }
0x49: {  	[tilespmem:s25], [sflag:$0x2] =	stream.indirect.gather [hbm4b:s5+s19], $0x80, s19, s19, $0xb8;
	[tilespmem:$0x1E880] =	vst v63  }
0x4a: {  	_ = 	snop  }
0x4b: {  	[tilespmem:s26], [sflag:$0x4] =	stream.linear.gather [hbm4b:s13+s7], $0x80, $0x38;
	[tilespmem:$0x1E880] =	vst v63  }
0x4c: {  	[bflag:$0x0] =	sbarrier.arrive $0xFFFF  }
0x4d: {  	_ =	swait.ge [sflag:s22], $0x4000  }
0x4e: {  	[sflag:s22] =	ssyncset.done $0x0  }
0x4f: {  	[sflag:s22] =	ssyncadd.s32 $0xFFFFC000  }
0x50: {  	_ =	swait.ge [sflag:s23], $0x80  }
0x51: {  	[sflag:s23] =	ssyncset.done $0x0  }
0x52: {  	[sflag:s23] =	ssyncadd.s32 $0xFFFFFF80  }
0x53: {  	[spmem:s2] =	stream.indirect.scatter.add.f32 [tilespmem:s21], [sflag:$0x5], $0x80, s24, s19, $0xb8;
	[tilespmem:$0x1E880] =	vst v63  }
0x54: {  	_ =	swait.ge [sflag:s28], $0x4000  }
0x55: {  	[sflag:s28] =	ssyncset.done $0x0  }
0x56: {  	s8 =	simm.s32 $0x100;
	s7 =	sshrl.u32 s18, $0x3;
	[sflag:s28] =	ssyncadd.s32 $0xFFFFC000  }
0x57: {  	[tilespmem:s21], [sflag:$0x1] =	stream.indirect.gather [hbm4b:s5+s19], $0x80, s8, s19, $0xb8;
	[tilespmem:$0x1E880] =	vst v63  }
0x58: {  	s9 =	sadd.s32 s4, s7  }
0x59: {  	[tilespmem:s24], [sflag:$0x3] =	stream.linear.gather [hbm4b:s9+s3], $0x80, $0x38;
	[tilespmem:$0x1E880] =	vst v63  }
0x5a: {  	_ =	swait.ge [sflag:s29], $0x4000  }
0x5b: {  	[sflag:s29] =	ssyncset.done $0x0  }
0x5c: {  	[sflag:s29] =	ssyncadd.s32 $0xFFFFC000  }
0x5d: {  	_ =	swait.ge [sflag:s30], $0x80  }
0x5e: {  	[sflag:s30] =	ssyncset.done $0x0  }
0x5f: {  	[sflag:s30] =	ssyncadd.s32 $0xFFFFFF80  }
0x60: {  	[spmem:s2] =	stream.indirect.scatter.add.f32 [tilespmem:s25], [sflag:$0x5], $0x80, s26, s19, $0xb8;
	[tilespmem:$0x1E880] =	vst v63  }
0x61: {  	_ =	swait.ge [sflag:s28], $0x4000  }
0x62: {  	[sflag:s28] =	ssyncset.done $0x0  }
0x63: {  	s0 =	simm.s32 $0x20;
	s20 =	simm.s32 $0x180;
	[sflag:s28] =	ssyncadd.s32 $0xFFFFC000  }
0x64: {  	[tilespmem:s25], [sflag:$0x2] =	stream.indirect.gather [hbm4b:s5+s19], $0x80, s20, s19, $0xb8;
	[tilespmem:$0x1E880] =	vst v63  }
0x65: {  	s31 =	sadd.s32 $0x100, s18;
	s7 =	sadd.s32 $0x0, s17;
	s20 =	simm.s32 $0x280  }
.LBB2_4:
0x66: {  	[tilespmem:s26], [sflag:$0x4] =	stream.linear.gather [hbm4b:s7+s3], $0x80, $0x38;
	[tilespmem:$0x1E880] =	vst v63  }
0x67: {  	s7 =	smov.u32 s0  }
0x68: {  	p0 =	sne.s32 s0, $0x4A0;
	s0 =	sadd.s32 $0x20, s0;
	_ =	swait.ge [sflag:s22], $0x4000  }
0x69: {  	[sflag:s22] =	ssyncset.done $0x0  }
0x6a: {  	[sflag:s22] =	ssyncadd.s32 $0xFFFFC000  }
0x6b: {  	_ =	swait.ge [sflag:s23], $0x80  }
0x6c: {  	[sflag:s23] =	ssyncset.done $0x0  }
0x6d: {  	[sflag:s23] =	ssyncadd.s32 $0xFFFFFF80  }
0x6e: {  	[spmem:s2] =	stream.indirect.scatter.add.f32 [tilespmem:s21], [sflag:$0x5], $0x80, s24, s19, $0xb8;
	[tilespmem:$0x1E880] =	vst v63  }
0x6f: {  	_ =	swait.ge [sflag:s28], $0x4000  }
0x70: {  	[sflag:s28] =	ssyncset.done $0x0  }
0x71: {  	s8 =	sadd.s32 $0xFFFFFF80, s20;
	s9 =	sshrl.u32 s31, $0x3;
	[sflag:s28] =	ssyncadd.s32 $0xFFFFC000  }
0x72: {  	[tilespmem:s21], [sflag:$0x1] =	stream.indirect.gather [hbm4b:s5+s19], $0x80, s8, s19, $0xb8;
	[tilespmem:$0x1E880] =	vst v63  }
0x73: {  	s8 =	sadd.s32 s4, s9  }
0x74: {  	[tilespmem:s24], [sflag:$0x3] =	stream.linear.gather [hbm4b:s8+s3], $0x80, $0x38;
	[tilespmem:$0x1E880] =	vst v63  }
0x75: {  	_ =	swait.ge [sflag:s29], $0x4000  }
0x76: {  	[sflag:s29] =	ssyncset.done $0x0  }
0x77: {  	[sflag:s29] =	ssyncadd.s32 $0xFFFFC000  }
0x78: {  	_ =	swait.ge [sflag:s30], $0x80  }
0x79: {  	[sflag:s30] =	ssyncset.done $0x0  }
0x7a: {  	[sflag:s30] =	ssyncadd.s32 $0xFFFFFF80  }
0x7b: {  	[spmem:s2] =	stream.indirect.scatter.add.f32 [tilespmem:s25], [sflag:$0x5], $0x80, s26, s19, $0xb8;
	[tilespmem:$0x1E880] =	vst v63  }
.Ltmp1:
0x7c: {  	_ =	swait.ge [sflag:s28], $0x4000;
	(pc) =	sbr.rel @p0 .LBB2_4-.Ltmp1, $4  }
0x7d: {  	[sflag:s28] =	ssyncset.done $0x0  }
0x7e: {  	[sflag:s28] =	ssyncadd.s32 $0xFFFFC000  }
0x7f: {  	[tilespmem:s25], [sflag:$0x2] =	stream.indirect.gather [hbm4b:s5+s19], $0x80, s20, s19, $0xb8;
	[tilespmem:$0x1E880] =	vst v63  }
0x80: {  	s31 =	sadd.s32 $0x100, s31;
	s7 =	sadd.s32 s7, s17;
	s20 =	sadd.s32 $0x100, s20  }
0x81: {  	[tilespmem:s26], [sflag:$0x4] =	stream.linear.gather [hbm4b:s7+s3], $0x80, $0x38;
	[tilespmem:$0x1E880] =	vst v63  }
0x82: {  	_ =	swait.ge [sflag:s22], $0x4000  }
0x83: {  	[sflag:s22] =	ssyncset.done $0x0  }
0x84: {  	[sflag:s22] =	ssyncadd.s32 $0xFFFFC000  }
0x85: {  	_ =	swait.ge [sflag:s23], $0x80  }
0x86: {  	[sflag:s23] =	ssyncset.done $0x0  }
0x87: {  	[sflag:s23] =	ssyncadd.s32 $0xFFFFFF80  }
0x88: {  	[spmem:s2] =	stream.indirect.scatter.add.f32 [tilespmem:s21], [sflag:$0x5], $0x80, s24, s19, $0xb8;
	[tilespmem:$0x1E880] =	vst v63  }
0x89: {  	_ =	swait.ge [sflag:s28], $0x4000  }
0x8a: {  	[sflag:s28] =	ssyncset.done $0x0  }
0x8b: {  	s0 =	simm.s32 $0x2700;
	[sflag:s28] =	ssyncadd.s32 $0xFFFFC000  }
0x8c: {  	[tilespmem:s21], [sflag:$0x1] =	stream.indirect.gather [hbm4b:s5+s19], $0x80, s0, s19, $0xb8;
	[tilespmem:$0x1E880] =	vst v63  }
0x8d: {  	_ = 	snop  }
0x8e: {  	[tilespmem:s24], [sflag:$0x3] =	stream.linear.gather [hbm4b:s14+s3], $0x80, $0x38;
	[tilespmem:$0x1E880] =	vst v63  }
0x8f: {  	_ =	swait.ge [sflag:s29], $0x4000  }
0x90: {  	[sflag:s29] =	ssyncset.done $0x0  }
0x91: {  	[sflag:s29] =	ssyncadd.s32 $0xFFFFC000  }
0x92: {  	_ =	swait.ge [sflag:s30], $0x80  }
0x93: {  	[sflag:s30] =	ssyncset.done $0x0  }
0x94: {  	[sflag:s30] =	ssyncadd.s32 $0xFFFFFF80  }
0x95: {  	[spmem:s2] =	stream.indirect.scatter.add.f32 [tilespmem:s25], [sflag:$0x5], $0x80, s26, s19, $0xb8;
	[tilespmem:$0x1E880] =	vst v63  }
0x96: {  	_ =	swait.ge [sflag:s28], $0x4000  }
0x97: {  	[sflag:s28] =	ssyncset.done $0x0  }
0x98: {  	[sflag:s28] =	ssyncadd.s32 $0xFFFFC000  }
0x99: {  	_ =	swait.ge [sflag:s22], $0x4000  }
0x9a: {  	[sflag:s22] =	ssyncset.done $0x0  }
0x9b: {  	[sflag:s22] =	ssyncadd.s32 $0xFFFFC000  }
0x9c: {  	_ =	swait.ge [sflag:s23], $0x80  }
0x9d: {  	[sflag:s23] =	ssyncset.done $0x0  }
0x9e: {  	[sflag:s23] =	ssyncadd.s32 $0xFFFFFF80  }
0x9f: {  	[spmem:s2] =	stream.indirect.scatter.add.f32 [tilespmem:s21], [sflag:$0x5], $0x80, s24, s19, $0xb8;
	[tilespmem:$0x1E880] =	vst v63  }
0xa0: {  	s20 =	stileid.u32;
	_ =	swait.ge [sflag:s28], $0x4000  }
0xa1: {  	s31 =	sshrl.u32 s6, $0x3;
	s1 =	sadd.s32 $0x1, s1;
	[sflag:s28] =	ssyncset.done $0x0  }
0xa2: {  	p0 =	sne.s32 s1, s16;
	s0 =	sshll.u32 s20, $0x6;
	[sflag:s28] =	ssyncadd.s32 $0xFFFFC000  }
.Ltmp2:
0xa3: {  	s0 =	sor.u32 $0x1C05, s0;
	[bflag:$0x0] =	sbarrier.arrive $0xFFFF;
	(pc) =	sbr.rel @p0 .LBB2_1-.Ltmp2, $4  }
0xa4: {  	[hbm:s15], [sflag:s0] =	dma.local [spmem:s31], $0x2800  }
0xa5: {  	_ =	swait.ge [sflag:s28], $0x2800  }
0xa6: {  	[sflag:s28] =	ssyncset.done $0x0  }
0xa7: {  	[sflag:s28] =	ssyncadd.s32 $0xFFFFD800  }
0xa8: {  	_ =	sfence.sel $0x180000  }
0xa9: {  	[bflag:$0x0] =	sbarrier.arrive $0xFFFF  }
0xaa: {  	_ =	strace $0x9000004D  }
0xab: {  	s0 =	stileid.u32;
	[bflag:$0x2] =	sbarrier.arrive $0xFFFF  }
0xac: {  	p0 =	sne.s32 s0, $0x0;
	s0 =	rddreg [dreg:$0x2]  }
0xad: {  	s0 =	sadd.s32 @!p0 $0x100000, s0  }
0xae: {  	[sflag:s0] =	ssyncadd.tile.s32 @!p0 $0x1;
	_ =	shalt  }
.Lfunc_end2:
_tile_overlayer_lowered:
.L_overlay_start_2:
0xaf: {  	(tag) =	ssettag $0x2  }
0xb0: {  	s0 =	rddreg [dreg:$0x0];
	s2 =	stileid.u32  }
0xb1: {  	s1 =	rddreg [dreg:$0x1];
	p0 =	sne.s32 s2, $0x0  }
0xb2: {  	s3 =	rddreg [dreg:$0x2];
	[bflag:$0x3] =	sbarrier.arrive $0xFFFF;
	s2 =	simm.s32 @!p0 $0x1C05  }
0xb3: {  	[timem:s3], [sflag:s2] =	dma.local @!p0 [hbm:s0], s1  }
0xb4: {  	s0 =	simm.s32 @!p0 $0x5  }
0xb5: {  	_ =	swait.ge @!p0 [sflag:s0], s1  }
0xb6: {  	s1 =	ssub.s32 @!p0 $0x0, s1;
	[sflag:s0] =	ssyncset.done @!p0 $0x0  }
0xb7: {  	[sflag:s0] =	ssyncadd.s32 @!p0 s1  }
0xb8: {  	[bflag:$0x3] =	sbarrier.arrive $0xFFFF  }
0xb9: {  	_ =	shalt  }

// kernel: kernel.9.cloned.1.call-start
scs
__scs_entry_jumppad:
0x0: {  	(pc) =	sbr.rel $0x88, $3  }
0x1: {  	(tag) =	ssettag $0x0;
	lr =	simm.s32 $0x1  }
0x2: {  	[smem:$0x3F99] =	sst lr;
	_ =	strace $0xD0000000  }
0x3: {  	_ = 	snop  }
0x4: {  	_ = 	snop  }
0x5: {  	_ = 	snop  }
0x6: {  	_ = 	snop  }
0x7: {  	_ = 	snop  }
__scs_overlays_trampoline_lowered:
0x8: {  	[smem:$0x3FA8] =	sst s0  }
0x9: {  	[smem:$0x3FA9] =	sst s1  }
0xa: {  	[smem:$0x3FAA] =	sst s2  }
0xb: {  	[smem:$0x3FAB] =	sst s3  }
0xc: {  	[smem:$0x3FAC] =	sst s4  }
0xd: {  	[smem:$0x3FAD] =	sst s5  }
0xe: {  	[smem:$0x3FAE] =	sst s6  }
0xf: {  	[smem:$0x3FAF] =	sst s7  }
0x10: {  	[smem:$0x3FB0] =	sst s8  }
0x11: {  	[smem:$0x3FB1] =	sst s9;
	s0 =	simm.s32 @!p0 $0x0  }
0x12: {  	s1 =	sld [smem:$0x3F97];
	s0 =	simm.s32 @p0 $0x1  }
0x13: {  	[smem:$0x3FB2] =	sst s0;
	s0 =	simm.s32 @!p1 $0x0  }
0x14: {  	s2 =	sld [smem:$0x3F96];
	s0 =	simm.s32 @p1 $0x1  }
0x15: {  	[smem:$0x3FB3] =	sst s0;
	s0 =	simm.s32 @!p2 $0x0  }
0x16: {  	s3 =	sld [smem:$0x3FDB];
	s0 =	simm.s32 @p2 $0x1  }
0x17: {  	s4 =	simm.s32 $0x1BF5;
	[smem:$0x3FB5] =	sst s0  }
0x18: {  	s0 =	sld [smem:$0x3F98];
	_ =	swait.ge [sflag:s4], $0x0  }
0x19: {  	s7 =	sld [smem:$0x3F99]  }
0x1a: {  	s8 =	sadd.s32 $0xFFFFE003, lr  }
0x1b: {  	s9 =	sadd.s32 $0xFFFFFEF7, lr;
	s5 =	simm.s32 $0xFFFFFFFF;
	p2 =	slt.u32 s8, $0xFFFFF086  }
0x1c: {  	p1 =	slt.u32 s9, $0xF7A;
	s5 =	simm.s32 @!p2 $0x0  }
0x1d: {  	s5 =	simm.s32 @p1 $0x1;
	p0 =	seq.s32 s7, s2  }
0x1e: {  	s7 =	smul.u32 @!p0 $0xF7A, s2;
	p2 =	seq.s32 @!p0 s5, $0x0  }
0x1f: {  	s9 =	smul.u32 $0xF7A, s1;
	s8 =	simm.s32 @!p0 $0x1BF5;
	p2 =	por !p2, p0  }
0x20: {  	[sflag:s8] =	ssyncset.s32 @!p0 $0xFFFFF086;
	s6 =	sadd.s32 @!p0 s3, s7;
	s7 =	simm.s32 @!p0 $0x108  }
0x21: {  	s3 =	sadd.s32 s3, s9;
	s6 =	sadd.s32 @!p0 $0x88, s6;
	s7 =	simm.s32 @p2 $0x1082  }
0x22: {  	[simem:s7], [sflag:s8] =	dma.local @!p0 [hbm:s6], $0xF7A  }
0x23: {  	s9 =	sor.u32 $0xD0000000, s2;
	s6 =	simm.s32 $0x108;
	_ =	swait.ge @!p0 [sflag:s8], $0x0  }
0x24: {  	s3 =	sadd.s32 $0x88, s3;
	s6 =	simm.s32 @!p1 $0x1082;
	[sflag:s4] =	ssyncset.s32 $0xFFFFF086  }
0x25: {  	[simem:s6], [sflag:s4] =	dma.local [hbm:s3], $0xF7A  }
0x26: {  	[smem:$0x3F99] =	sst s1;
	(tag) =	ssettag s2;
	_ =	strace s9  }
0x27: {  	s1 =	sld [smem:$0x3FA9]  }
0x28: {  	s2 =	sld [smem:$0x3FAA]  }
0x29: {  	s4 =	sld [smem:$0x3FAC]  }
0x2a: {  	p0 =	seq.s32 s5, $0x0;
	s5 =	sld [smem:$0x3FAD]  }
0x2b: {  	s6 =	sld [smem:$0x3FAE]  }
0x2c: {  	s7 =	sld [smem:$0x3FAF]  }
0x2d: {  	s3 =	simm.s32 $0x108;
	s8 =	sld [smem:$0x3FB0]  }
0x2e: {  	s3 =	simm.s32 @!p0 $0x1082;
	s9 =	sld [smem:$0x3FB1]  }
0x2f: {  	lr =	sadd.s32 s0, s3;
	s0 =	sld [smem:$0x3FA8]  }
0x30: {  	s3 =	sld [smem:$0x3FAB]  }
0x31: {  	[smem:$0x3FB4] =	sst s10  }
0x32: {  	s10 =	sld [smem:$0x3FB2];
	_ =	sdelay $0x3  }
0x33: {  	p0 =	seq.s32 s10, $0x1;
	s10 =	sld [smem:$0x3FB4];
	_ =	sdelay $0x3  }
0x34: {  	[smem:$0x3FB4] =	sst s10  }
0x35: {  	s10 =	sld [smem:$0x3FB3];
	_ =	sdelay $0x3  }
0x36: {  	p1 =	seq.s32 s10, $0x1;
	s10 =	sld [smem:$0x3FB4];
	_ =	sdelay $0x3  }
0x37: {  	[smem:$0x3FB4] =	sst s10  }
0x38: {  	s10 =	sld [smem:$0x3FB5]  }
0x39: {  	_ = 	snop;
	(pc) =	sbr.ind lr, $3  }
0x3a: {  	_ = 	snop  }
0x3b: {  	_ = 	snop  }
0x3c: {  	p2 =	seq.s32 s10, $0x1;
	s10 =	sld [smem:$0x3FB4]  }
0x3d: {  	_ =	shalt  }
0x3e: {  	_ =	shalt  }
0x3f: {  	_ =	shalt  }
0x40: {  	_ =	shalt  }
0x41: {  	_ =	shalt  }
0x42: {  	_ =	shalt  }
0x43: {  	_ =	shalt  }
0x44: {  	_ =	shalt  }
0x45: {  	_ =	shalt  }
0x46: {  	_ =	shalt  }
0x47: {  	_ =	shalt  }
0x48: {  	_ =	shalt  }
0x49: {  	_ =	shalt  }
0x4a: {  	_ =	shalt  }
0x4b: {  	_ =	shalt  }
0x4c: {  	_ =	shalt  }
0x4d: {  	_ =	shalt  }
0x4e: {  	_ =	shalt  }
0x4f: {  	_ =	shalt  }
0x50: {  	_ =	shalt  }
0x51: {  	_ =	shalt  }
0x52: {  	_ =	shalt  }
0x53: {  	_ =	shalt  }
0x54: {  	_ =	shalt  }
0x55: {  	_ =	shalt  }
0x56: {  	_ =	shalt  }
0x57: {  	_ =	shalt  }
0x58: {  	_ =	shalt  }
0x59: {  	_ =	shalt  }
0x5a: {  	_ =	shalt  }
0x5b: {  	_ =	shalt  }
0x5c: {  	_ =	shalt  }
0x5d: {  	_ =	shalt  }
0x5e: {  	_ =	shalt  }
0x5f: {  	_ =	shalt  }
0x60: {  	_ =	shalt  }
0x61: {  	_ =	shalt  }
0x62: {  	_ =	shalt  }
0x63: {  	_ =	shalt  }
0x64: {  	_ =	shalt  }
0x65: {  	_ =	shalt  }
0x66: {  	_ =	shalt  }
0x67: {  	_ =	shalt  }
0x68: {  	_ =	shalt  }
0x69: {  	_ =	shalt  }
0x6a: {  	_ =	shalt  }
0x6b: {  	_ =	shalt  }
0x6c: {  	_ =	shalt  }
0x6d: {  	_ =	shalt  }
0x6e: {  	_ =	shalt  }
0x6f: {  	_ =	shalt  }
0x70: {  	_ =	shalt  }
0x71: {  	_ =	shalt  }
0x72: {  	_ =	shalt  }
0x73: {  	_ =	shalt  }
0x74: {  	_ =	shalt  }
0x75: {  	_ =	shalt  }
0x76: {  	_ =	shalt  }
0x77: {  	_ =	shalt  }
0x78: {  	_ =	shalt  }
0x79: {  	_ =	shalt  }
0x7a: {  	_ =	shalt  }
0x7b: {  	_ =	shalt  }
0x7c: {  	_ =	shalt  }
0x7d: {  	_ =	shalt  }
0x7e: {  	_ =	shalt  }
0x7f: {  	_ =	shalt  }
0x80: {  	_ =	shalt  }
0x81: {  	_ =	shalt  }
0x82: {  	_ =	shalt  }
0x83: {  	_ =	shalt  }
0x84: {  	_ =	shalt  }
0x85: {  	_ =	shalt  }
0x86: {  	_ =	shalt  }
0x87: {  	_ =	shalt  }
.Lfunc_end0:
.L_simem_size_0:
called_computation_lowered:
.L_overlay_start_0:
0x88: {  	s2 =	sld [smem:$0x3FD9]  }
0x89: {  	s3 =	sld [smem:$0x3FFE];
	_ =	sdelay $0x1  }
0x8a: {  	s1 =	srdreg.scid  }
0x8b: {  	s0 =	sand.u32 $0x1, s1  }
0x8c: {  	s17 =	sshll.u32 s0, $0xA;
	s2 =	sadd.s32 s3, s2  }
0x8d: {  	s2 =	sadd.s32 s2, s17  }
0x8e: {  	[smem:$0x3FC0] =	sst s2  }
0x8f: {  	_ = 	snop  }
0x90: {  	s2 =	sld [smem:$0x3FD0];
	(tm) =	ssettm $0x1  }
0x91: {  	s18 =	sld [smem:$0x3FFB];
	_ =	sdelay $0x3  }
0x92: {  	_ =	strace s18  }
0x93: {  	s3 =	sld [smem:$0x3FFC];
	_ =	sdelay $0x3  }
0x94: {  	_ =	strace s3  }
0x95: {  	s3 =	sld [smem:$0x3FFD];
	_ =	sdelay $0x3  }
0x96: {  	_ =	strace s3  }
0x97: {  	_ =	strace $0x8FFFFFFF  }
0x98: {  	s19 =	sld [smem:$0x3FDB];
	_ =	sdelay $0x1  }
0x99: {  	s4 =	simm.s32 $_scs_section_size  }
0x9a: {  	s5 =	simm.s32 $_size__tile_overlayer_lowered;
	s6 =	simm.s32 $_tile_overlayer_lowered  }
0x9b: {  	s22 =	simm.s32 $0x1BFF;
	s21 =	sshll.u32 s6, $0x1;
	s3 =	sadd.s32 s4, s19  }
0x9c: {  	s7 =	simm.s32 $0x0;
	s20 =	sshll.u32 s5, $0x1;
	s5 =	sadd.s32 s21, s3  }
0x9d: {  	[timem:s7], [sflag:s22] =	dma.local [hbm:s5], s20  }
0x9e: {  	_ =	swait.ge [sflag:s22], s20  }
0x9f: {  	s4 =	ssub.s32 $0x0, s20;
	[sflag:s22] =	ssyncset.done $0x0  }
0xa0: {  	[sflag:s22] =	ssyncadd.s32 s4;
	_ =	sdelay $0x1  }
0xa1: {  	s23 =	simm.s32 $0x1B8B  }
0xa2: {  	_ =	swait.ge [sflag:s23], $0x1  }
0xa3: {  	[sflag:s23] =	ssyncset.done $0x0  }
0xa4: {  	s25 =	simm.s32 $0x1B8E;
	s24 =	sld [smem:$0x3FFE];
	[sflag:s23] =	ssyncadd.s32 $0xFFFFFFFF  }
0xa5: {  	s26 =	simm.s32 $execute0_lowered;
	[smem:$0x3FD2] =	sst s25  }
0xa6: {  	s5 =	sshll.u32 s26, $0x1;
	_ =	strace $0x80000046;
	[dreg:$0x1] =	wrdreg $0xFFFFFFFF  }
0xa7: {  	s28 =	simm.s32 $_size_execute0_lowered;
	s3 =	sadd.s32 s3, s5;
	[dreg:$0x0] =	wrdreg $0x0  }
0xa8: {  	s5 =	sshll.u32 s28, $0x1;
	[dreg:$0x2] =	wrdreg s3  }
0xa9: {  	[dreg:$0x3] =	wrdreg s5  }
0xaa: {  	[dreg:$0x4] =	wrdreg $0xC0  }
0xab: {  	_ =	task [dreg:s7], $0x5FFFF  }
0xac: {  	[dreg:$0x1] =	wrdreg $0xFFFFFFFF  }
0xad: {  	[dreg:$0x0] =	wrdreg $0x60  }
0xae: {  	[dreg:$0x2] =	wrdreg s2  }
0xaf: {  	[dreg:$0x3] =	wrdreg s24  }
0xb0: {  	[dreg:$0x4] =	wrdreg $0x2B000  }
0xb1: {  	[dreg:$0x5] =	wrdreg $0x9  }
0xb2: {  	_ =	task.clear_ibuf [dreg:s7], $0x6FFFF;
	_ =	strace $0x90000046  }
0xb3: {  	s29 =	simm.s32 $0x9;
	_ =	strace $0x80000048  }
0xb4: {  	_ =	swait.ge [sflag:s29], $0x1  }
0xb5: {  	[sflag:s29] =	ssyncadd.s32 $0xFFFFFFFF  }
0xb6: {  	_ =	strace $0x90000048  }
0xb7: {  	_ =	sfence  }
0xb8: {  	s30 =	sld [smem:$0x0];
	_ =	sdelay $0x2  }
0xb9: {  	s31 =	sshll.u32 s1, $0xD;
	s1 =	sshrl.u32 s1, $0x2  }
0xba: {  	s3 =	sand.u32 $0x4000, s31;
	s1 =	sadd.s32 s1, s30  }
0xbb: {  	s0 =	sor.u32 s3, s0;
	s1 =	sshll.u32 s1, $0x11  }
0xbc: {  	s0 =	sor.u32 s1, s0  }
0xbd: {  	s0 =	sadd.s32 $0x8F2B, s0  }
0xbe: {  	[sflag:s0] =	ssyncadd.remote.s32 $0x1  }
0xbf: {  	_ =	sfence.sel $0xFFFF  }
0xc0: {  	[dreg:$0x0] =	wrdreg $0xFFFFFFFF;
	(pc) =	sbr.abs _section_cstart, $3  }
0xc1: {  	[dreg:$0x1] =	wrdreg $0xFFFFFFFF  }
0xc2: {  	_ =	task.clear_ibuf [dreg:s7], $0x2FFFF;
	_ =	strace $0x9FFFFFFF  }
0xc3: {  	(tm) =	ssettm $0x7FFFFFFF  }
tec
execute0_lowered:
.L_overlay_start_1:
0x0: {  	(tag) =	ssettag $0x1  }
0x1: {  	s4 =	rddreg [dreg:$0x0]  }
0x2: {  	s5 =	rddreg [dreg:$0x1]  }
0x3: {  	s2 =	rddreg [dreg:$0x2]  }
0x4: {  	s0 =	rddreg [dreg:$0x3];
	s6 =	srdreg.scid  }
0x5: {  	s1 =	stileid.u32;
	s3 =	simm.s32 $0x0;
	s11 =	simm.s32 $0x80  }
0x6: {  	s12 =	simm.s32 $0x2800;
	s15 =	simm.s32 $0x20;
	s16 =	simm.s32 $0x10  }
0x7: {  	s17 =	simm.s32 $0x0;
	s6 =	sand.u32 $0x1, s6;
	s7 =	smul.u32 $0x500, s1  }
0x8: {  	[smem:$0x7FF] =	sst s3;
	s29 =	sshll.u32 s1, $0x1;
	s30 =	smul.u32 $0xA00, s1  }
0x9: {  	s13 =	sshll.u32 s1, $0x6;
	s8 =	sshll.u32 s6, $0x7;
	_ =	strace $0x80000047  }
0xa: {  	s9 =	ssub.s32 $0x2, s6;
	s6 =	sor.u32 s6, s29;
	s13 =	sor.u32 $0x1C02, s13  }
0xb: {  	s7 =	sor.u32 s8, s7;
	s10 =	sshrl.u32 s9, $0x1;
	s6 =	smul.u32 $0x500, s6  }
0xc: {  	s31 =	sshrl.u32 s30, $0x2;
	s8 =	simm.s32 $0x2880;
	s7 =	sshrl.u32 s7, $0x3  }
0xd: {  	s9 =	ssub.s32 s9, s10;
	s10 =	simm.s32 $0x1;
	s7 =	sadd.s32 s7, s5  }
0xe: {  	s4 =	sadd.s32 s4, s6;
	s5 =	sadd.s32 s31, s2;
	s6 =	sadd.s32 $0x3200, s7  }
0xf: {  	v0 =	vimm.f32 $0.0e+00;
	v1 =	vimm.f32 $1.000000000e+00;
	s7 =	smax.u32 s9, $0x1;
	s9 =	simm.s32 $0x2;
	s14 =	sshrl.u32 s5, $0x3  }
.LBB2_1:
0x10: {  	[tilespmem:s3], [sflag:$0x1] =	stream.linear.gather [hbm4b:s4+s3], $0x2780, $0x38;
	[tilespmem:$0x2D80] =	vst v63  }
0x11: {  	[tilespmem:$0x2880] =	vst v0  }
0x12: {  	[tilespmem:$0x2890] =	vst v0  }
0x13: {  	[tilespmem:$0x28A0] =	vst v0  }
0x14: {  	[tilespmem:$0x28B0] =	vst v0  }
0x15: {  	[tilespmem:$0x28C0] =	vst v0  }
0x16: {  	[tilespmem:$0x28D0] =	vst v0  }
0x17: {  	[tilespmem:$0x28E0] =	vst v0  }
0x18: {  	[tilespmem:$0x28F0] =	vst v0  }
0x19: {  	[tilespmem:$0x2900] =	vst v0  }
0x1a: {  	[tilespmem:$0x2910] =	vst v0  }
0x1b: {  	[tilespmem:$0x2920] =	vst v0  }
0x1c: {  	[tilespmem:$0x2930] =	vst v0  }
0x1d: {  	[tilespmem:$0x2940] =	vst v0  }
0x1e: {  	[tilespmem:$0x2950] =	vst v0  }
0x1f: {  	[tilespmem:$0x2960] =	vst v0  }
0x20: {  	[tilespmem:$0x2970] =	vst v0  }
0x21: {  	[tilespmem:$0x2980] =	vst v0  }
0x22: {  	[tilespmem:$0x2990] =	vst v0  }
0x23: {  	[tilespmem:$0x29A0] =	vst v0  }
0x24: {  	[tilespmem:$0x29B0] =	vst v0  }
0x25: {  	[tilespmem:$0x29C0] =	vst v0  }
0x26: {  	[tilespmem:$0x29D0] =	vst v0  }
0x27: {  	[tilespmem:$0x29E0] =	vst v0  }
0x28: {  	[tilespmem:$0x29F0] =	vst v0  }
0x29: {  	[tilespmem:$0x2A00] =	vst v0  }
0x2a: {  	[tilespmem:$0x2A10] =	vst v0  }
0x2b: {  	[tilespmem:$0x2A20] =	vst v0  }
0x2c: {  	[tilespmem:$0x2A30] =	vst v0  }
0x2d: {  	[tilespmem:$0x2A40] =	vst v0  }
0x2e: {  	[tilespmem:$0x2A50] =	vst v0  }
0x2f: {  	[tilespmem:$0x2A60] =	vst v0  }
0x30: {  	[tilespmem:$0x2A70] =	vst v0  }
0x31: {  	[tilespmem:$0x2A80] =	vst v0  }
0x32: {  	[tilespmem:$0x2A90] =	vst v0  }
0x33: {  	[tilespmem:$0x2AA0] =	vst v0  }
0x34: {  	[tilespmem:$0x2AB0] =	vst v0  }
0x35: {  	[tilespmem:$0x2AC0] =	vst v0  }
0x36: {  	[tilespmem:$0x2AD0] =	vst v0  }
0x37: {  	[tilespmem:$0x2AE0] =	vst v0  }
0x38: {  	[tilespmem:$0x2AF0] =	vst v0  }
0x39: {  	[tilespmem:$0x2800] =	vst v1  }
0x3a: {  	[tilespmem:$0x2810] =	vst v1  }
0x3b: {  	[tilespmem:$0x2820] =	vst v1  }
0x3c: {  	[tilespmem:$0x2830] =	vst v1  }
0x3d: {  	[tilespmem:$0x2840] =	vst v1  }
0x3e: {  	[tilespmem:$0x2850] =	vst v1  }
0x3f: {  	[tilespmem:$0x2860] =	vst v1  }
0x40: {  	[tilespmem:$0x2870] =	vst v1  }
0x41: {  	[spmem:s5] =	stream.linear.scatter [tilespmem:s8], [sflag:$0x2], $0x280, $0x38;
	[tilespmem:$0x2D80] =	vst v63  }
0x42: {  	_ =	swait.ge [sflag:s9], $0x280  }
0x43: {  	[sflag:s9] =	ssyncset.done $0x0  }
0x44: {  	[sflag:s9] =	ssyncadd.s32 $0xFFFFFD80  }
0x45: {  	_ =	swait.ge [sflag:s10], $0x2780  }
0x46: {  	[sflag:s10] =	ssyncset.done $0x0  }
0x47: {  	[sflag:s10] =	ssyncadd.s32 $0xFFFFD880  }
0x48: {  	s18 =	simm.s32 $0x0;
	[bflag:$0x0] =	sbarrier.arrive $0xFFFF  }
.LBB2_2:
0x49: {  	p0 =	sne.s32 s18, $0x9C00  }
.Ltmp0:
0x4a: {  	_ = 	snop;
	(pc) =	sbr.rel @p0 .LBB2_2-.Ltmp0, $3  }
0x4b: {  	_ =	sdelay $0x1  }
0x4c: {  	s19 =	sshra.s32 s18, $0x2;
	s18 =	sadd.s32 $0x200, s18  }
0x4d: {  	[spmem:s2] =	stream.indirect.scatter.add.f32 [tilespmem:s12], [sflag:$0x1], $0x1, s19, s11, $0xb8;
	[tilespmem:$0x2D80] =	vst v63  }
0x4e: {  	_ =	swait.ge [sflag:s10], $0x80  }
0x4f: {  	s18 =	simm.s32 $0x4E;
	[sflag:s10] =	ssyncset.done $0x0  }
.LBB2_4:
0x50: {  	p0 =	sne.s32 s18, $0x1;
	s18 =	sadd.s32 $0xFFFFFFFF, s18;
	[sflag:s10] =	ssyncadd.s32 $0xFFFFFF80  }
.Ltmp1:
0x51: {  	(pc) =	sbr.rel @p0 .LBB2_4-.Ltmp1, $3  }
0x52: {  	_ =	sdelay $0x1  }
0x53: {  	_ =	swait.ge [sflag:s10], $0x80  }
0x54: {  	[sflag:s10] =	ssyncset.done $0x0  }
0x55: {  	s17 =	sadd.s32 $0x1, s17  }
0x56: {  	[sflag:s10] =	ssyncadd.s32 $0xFFFFFF80;
	p0 =	sne.s32 s17, s7  }
.Ltmp2:
0x57: {  	[bflag:$0x0] =	sbarrier.arrive $0xFFFF;
	(pc) =	sbr.rel @p0 .LBB2_1-.Ltmp2, $4  }
0x58: {  	[hbm:s6@s15], [sflag:s13] =	dma.strided [spmem:s14@s16], $0x50, s10, $0x10   }
0x59: {  	_ =	swait.ge [sflag:s9], $0x50  }
0x5a: {  	[sflag:s9] =	ssyncset.done $0x0  }
0x5b: {  	[sflag:s9] =	ssyncadd.s32 $0xFFFFFFB0  }
0x5c: {  	_ =	sfence.sel $0x180000  }
0x5d: {  	[bflag:$0x0] =	sbarrier.arrive $0xFFFF  }
0x5e: {  	p0 =	sne.s32 s1, $0x0;
	_ =	strace $0x90000047  }
0x5f: {  	s0 =	sadd.s32 @!p0 $0x100000, s0;
	[bflag:$0x2] =	sbarrier.arrive $0xFFFF  }
0x60: {  	[sflag:s0] =	ssyncadd.tile.s32 @!p0 $0x1;
	_ =	shalt  }
.Lfunc_end2:
_tile_overlayer_lowered:
.L_overlay_start_2:
0x61: {  	(tag) =	ssettag $0x2  }
0x62: {  	s0 =	rddreg [dreg:$0x0];
	s2 =	stileid.u32  }
0x63: {  	s1 =	rddreg [dreg:$0x1];
	p0 =	sne.s32 s2, $0x0  }
0x64: {  	s3 =	rddreg [dreg:$0x2];
	[bflag:$0x3] =	sbarrier.arrive $0xFFFF;
	s2 =	simm.s32 @!p0 $0x1C02  }
0x65: {  	[timem:s3], [sflag:s2] =	dma.local @!p0 [hbm:s0], s1  }
0x66: {  	s0 =	simm.s32 @!p0 $0x2  }
0x67: {  	_ =	swait.ge @!p0 [sflag:s0], s1  }
0x68: {  	s1 =	ssub.s32 @!p0 $0x0, s1;
	[sflag:s0] =	ssyncset.done @!p0 $0x0  }
0x69: {  	[sflag:s0] =	ssyncadd.s32 @!p0 s1  }
0x6a: {  	[bflag:$0x3] =	sbarrier.arrive $0xFFFF  }
0x6b: {  	_ =	shalt  }

</sc_bundles>
